<compile_context>
chip_gen: v7x
topology: tpu7x:2x2x1
jax: 0.10.2.dev20260603
libtpu: 0.0.44.dev20260713+nightly
codegen_flags: <defaults>
</compile_context>

<pallas_src>
import functools
import jax
import jax.numpy as jnp
from jax import lax
from jax.experimental import pallas as pl
from jax.experimental.pallas import tpu as pltpu
from jax.experimental.pallas import tpu_sc as plsc

DIM_W = 100000
HID = 32
BATCH = 16384
NCAT = 26
B_TOT = BATCH * NCAT
NC = 2
NS = 16
NW = NC * NS
CH = 4096
GRP = 16
N_CH = B_TOT // CH
CPC = BATCH // CH

_mesh = plsc.VectorSubcoreMesh(core_axis_name="c", subcore_axis_name="s")


@functools.partial(
    pl.kernel,
    mesh=_mesh,
    out_type=jax.ShapeDtypeStruct((NCAT, HID, BATCH), jnp.float32),
    scratch_types=[
        pltpu.VMEM((DIM_W,), jnp.float32),
        pltpu.VMEM((2, CH), jnp.int32),
        pltpu.VMEM((2, CH), jnp.float32),
        pltpu.SemaphoreType.DMA,
        pltpu.SemaphoreType.DMA,
    ],
    compiler_params=pltpu.CompilerParams(
        use_tc_tiling_on_sc=True, needs_layout_passes=False
    ),
)
def _sc_colgather(idx_hbm, wt_hbm, out_hbm, col_v, idx_v, out_v, isem, osem):
    h = lax.axis_index("s") * NC + lax.axis_index("c")
    pltpu.sync_copy(wt_hbm.at[h], col_v)

    def fire_idx(t, slot):
        @pl.when(t < N_CH)
        def _():
            pltpu.async_copy(
                idx_hbm.at[pl.ds(t * CH, CH)], idx_v.at[slot], isem
            )

    def wait_idx(slot):
        pltpu.make_async_copy(
            idx_hbm.at[pl.ds(0, CH)], idx_v.at[slot], isem
        ).wait()

    def fire_out(c, b, slot):
        pltpu.async_copy(
            out_v.at[slot], out_hbm.at[c, h, pl.ds(b * CH, CH)], osem
        )

    def wait_out(slot):
        pltpu.make_async_copy(
            out_v.at[slot], out_hbm.at[0, 0, pl.ds(0, CH)], osem
        ).wait()

    def gather_chunk(slot):
        def body(v, carry):
            base = v * (16 * GRP)
            iis = [idx_v[slot, pl.ds(base + u * 16, 16)] for u in range(GRP)]
            vals = [plsc.load_gather(col_v, [ii]) for ii in iis]
            for u in range(GRP):
                out_v[slot, pl.ds(base + u * 16, 16)] = vals[u]
            return carry

        lax.fori_loop(0, CH // (16 * GRP), body, 0)

    fire_idx(0, 0)
    fire_idx(1, 1)
    for b in range(CPC):
        s = b % 2
        wait_idx(s)
        if b >= 2:
            wait_out(s)
        gather_chunk(s)
        fire_out(0, b, s)
        fire_idx(b + 2, s)

    def c_body(c, carry):
        t0 = c * CPC
        for b in range(CPC):
            s = b % 2
            wait_idx(s)
            wait_out(s)
            gather_chunk(s)
            fire_out(c, b, s)
            fire_idx(t0 + b + 2, s)
        return carry

    lax.fori_loop(1, NCAT, c_body, 0)
    wait_out(0)
    wait_out(1)


def kernel(x, W):
    idx_cb = x[:, 0, :].T.reshape(B_TOT)
    out = _sc_colgather(idx_cb, W.T)
    return out.transpose(2, 0, 1)

# --- scband reference (transcript-rebuilt; emitter-appended) ---
"""Pipeline reference for scband-category-embedding-69587060129836 (READ-ONLY COPY).

The authoritative reference and input builder live on the scoring server;
editing this copy changes nothing except your own understanding.
"""

import jax, jax.numpy as jnp
import numpy as np

DIM = 100000
HID = 32

def setup_inputs(seed: int = 0) -> dict:
    key = jax.random.key(seed)
    k1, k2 = jax.random.split(key)
    x = jax.random.randint(k1, (16384, 50, 26), 0, DIM, dtype=jnp.int64 if jax.config.read('jax_enable_x64') else jnp.int32)
    x = x.astype(jnp.int32)
    W = jax.random.normal(k2, (DIM, HID), dtype=jnp.float32)
    return {"x": x, "W": W}

def reference(x, W):
    # Original torch forward embeds x[..., i] over the full sequence for each of the
    # num_categorical_variables, then keeps only timestep 0 of each embedded sequence
    # and stacks along dim=1. The output is exactly W[x[:, 0, :]] with shape [B, C, H];
    # the discarded timesteps do not affect the output, so we gather only timestep 0.
    static_inputs = jnp.take(W, x[:, 0, :], axis=0)  # [batch, num_cat, hidden]
    return static_inputs

if __name__ == "__main__":
    import jax
    _d = setup_inputs()
    print(jax.jit(kernel)(*tuple(_d.values())))

</pallas_src>

<mosaic_0001>
#map = affine_map<(d0, d1) -> (0)>
#map1 = affine_map<(d0, d1) -> (0, 0)>
#map2 = affine_map<(d0, d1) -> (0, 0, 0)>
module attributes {stable_mosaic.version = 14 : i64} {
  func.func @_sc_colgather(%arg0: i32, %arg1: i32, %arg2: memref<425984xi32, #tpu.memory_space<hbm>>, %arg3: memref<32x100000xf32, #tpu.memory_space<hbm>>, %arg4: memref<26x32x16384xf32, #tpu.memory_space<hbm>>, %arg5: memref<100000xf32, #tpu.memory_space<vmem>>, %arg6: memref<2x4096xi32, #tpu.memory_space<vmem>>, %arg7: memref<2x4096xf32, #tpu.memory_space<vmem>>, %arg8: memref<!tpu.dma_semaphore, #tpu.memory_space<semaphore_mem>>, %arg9: memref<!tpu.dma_semaphore, #tpu.memory_space<semaphore_mem>>) attributes {dimension_semantics = [#tpu.dimension_semantics<core_parallel>, #tpu.dimension_semantics<subcore_parallel>], iteration_bounds = array<i64: 2, 16>, scalar_prefetch = 0 : i64, scratch_operands = 5 : i64, tpu.core_type = #tpu.core_type<sc_vector_subcore>, window_params = [{transform_indices = #map}, {transform_indices = #map1}, {transform_indices = #map2}]} {
    %mul3A = arith.constant 2 : i32
    %mul3A_0 = arith.muli %arg1, %mul3A : i32
    %add3A = arith.addi %mul3A_0, %arg0 : i32
    "tpu.region"() ({
      %run_scoped3A = tpu.sem_alloc : memref<!tpu.dma_semaphore, #tpu.memory_space<semaphore_mem>>
      %dma_start3A_254 = arith.constant 0 : i32
      %dma_start3A_255 = tpu.memref_slice %arg3[%add3A, %dma_start3A_254] : memref<32x100000xf32, #tpu.memory_space<hbm>> -> memref<1x100000xf32, #tpu.memory_space<hbm>>
      %dma_start3A_256 = tpu.memref_squeeze %dma_start3A_255 : memref<1x100000xf32, #tpu.memory_space<hbm>> -> memref<100000xf32, #tpu.memory_space<hbm>>
      %dma_start3A_257 = arith.constant 0 : i32
      %dma_start3A_258 = tpu.memref_slice %arg3[%add3A, %dma_start3A_257] : memref<32x100000xf32, #tpu.memory_space<hbm>> -> memref<1x100000xf32, #tpu.memory_space<hbm>>
      %dma_start3A_259 = tpu.memref_squeeze %dma_start3A_258 : memref<1x100000xf32, #tpu.memory_space<hbm>> -> memref<100000xf32, #tpu.memory_space<hbm>>
      tpu.enqueue_dma source(%dma_start3A_259 : memref<100000xf32, #tpu.memory_space<hbm>>) target(%arg5 : memref<100000xf32, #tpu.memory_space<vmem>>) target_semaphore(%run_scoped3A : memref<!tpu.dma_semaphore, #tpu.memory_space<semaphore_mem>>)
      %dma_wait3A_260 = arith.constant 0 : i32
      %dma_wait3A_261 = tpu.memref_slice %arg3[%add3A, %dma_wait3A_260] : memref<32x100000xf32, #tpu.memory_space<hbm>> -> memref<1x100000xf32, #tpu.memory_space<hbm>>
      %dma_wait3A_262 = tpu.memref_squeeze %dma_wait3A_261 : memref<1x100000xf32, #tpu.memory_space<hbm>> -> memref<100000xf32, #tpu.memory_space<hbm>>
      %dma_wait3A_263 = arith.constant 0 : i32
      %dma_wait3A_264 = tpu.memref_slice %arg3[%add3A, %dma_wait3A_263] : memref<32x100000xf32, #tpu.memory_space<hbm>> -> memref<1x100000xf32, #tpu.memory_space<hbm>>
      %dma_wait3A_265 = tpu.memref_squeeze %dma_wait3A_264 : memref<1x100000xf32, #tpu.memory_space<hbm>> -> memref<100000xf32, #tpu.memory_space<hbm>>
      tpu.wait_dma2 semaphore(%run_scoped3A : memref<!tpu.dma_semaphore, #tpu.memory_space<semaphore_mem>>) src(%dma_wait3A_265 : memref<100000xf32, #tpu.memory_space<hbm>>) dst(%arg5 : memref<100000xf32, #tpu.memory_space<vmem>>)
      tpu.yield
    }) : () -> ()
    %dma_start3A = arith.constant 0 : i32
    %dma_start3A_1 = arith.constant 0 : i32
    %dma_start3A_2 = tpu.memref_slice %arg6[%dma_start3A, %dma_start3A_1] : memref<2x4096xi32, #tpu.memory_space<vmem>> -> memref<1x4096xi32, #tpu.memory_space<vmem>>
    %dma_start3A_3 = tpu.memref_squeeze %dma_start3A_2 : memref<1x4096xi32, #tpu.memory_space<vmem>> -> memref<4096xi32, #tpu.memory_space<vmem>>
    %dma_start3A_4 = arith.constant 0 : i32
    %dma_start3A_5 = tpu.memref_slice %arg2[%dma_start3A_4] : memref<425984xi32, #tpu.memory_space<hbm>> -> memref<4096xi32, #tpu.memory_space<hbm>>
    %dma_start3A_6 = arith.constant 0 : i32
    %dma_start3A_7 = tpu.memref_slice %arg6[%dma_start3A, %dma_start3A_6] : memref<2x4096xi32, #tpu.memory_space<vmem>> -> memref<1x4096xi32, #tpu.memory_space<vmem>>
    %dma_start3A_8 = tpu.memref_squeeze %dma_start3A_7 : memref<1x4096xi32, #tpu.memory_space<vmem>> -> memref<4096xi32, #tpu.memory_space<vmem>>
    %dma_start3A_9 = arith.constant 0 : i32
    %dma_start3A_10 = tpu.memref_slice %arg2[%dma_start3A_9] : memref<425984xi32, #tpu.memory_space<hbm>> -> memref<4096xi32, #tpu.memory_space<hbm>>
    tpu.enqueue_dma source(%dma_start3A_10 : memref<4096xi32, #tpu.memory_space<hbm>>) target(%dma_start3A_8 : memref<4096xi32, #tpu.memory_space<vmem>>) target_semaphore(%arg8 : memref<!tpu.dma_semaphore, #tpu.memory_space<semaphore_mem>>)
    %dma_start3A_11 = arith.constant 1 : i32
    %dma_start3A_12 = arith.constant 0 : i32
    %dma_start3A_13 = tpu.memref_slice %arg6[%dma_start3A_11, %dma_start3A_12] : memref<2x4096xi32, #tpu.memory_space<vmem>> -> memref<1x4096xi32, #tpu.memory_space<vmem>>
    %dma_start3A_14 = tpu.memref_squeeze %dma_start3A_13 : memref<1x4096xi32, #tpu.memory_space<vmem>> -> memref<4096xi32, #tpu.memory_space<vmem>>
    %dma_start3A_15 = arith.constant 4096 : i32
    %dma_start3A_16 = tpu.memref_slice %arg2[%dma_start3A_15] : memref<425984xi32, #tpu.memory_space<hbm>> -> memref<4096xi32, #tpu.memory_space<hbm>>
    %dma_start3A_17 = arith.constant 0 : i32
    %dma_start3A_18 = tpu.memref_slice %arg6[%dma_start3A_11, %dma_start3A_17] : memref<2x4096xi32, #tpu.memory_space<vmem>> -> memref<1x4096xi32, #tpu.memory_space<vmem>>
    %dma_start3A_19 = tpu.memref_squeeze %dma_start3A_18 : memref<1x4096xi32, #tpu.memory_space<vmem>> -> memref<4096xi32, #tpu.memory_space<vmem>>
    %dma_start3A_20 = arith.constant 4096 : i32
    %dma_start3A_21 = tpu.memref_slice %arg2[%dma_start3A_20] : memref<425984xi32, #tpu.memory_space<hbm>> -> memref<4096xi32, #tpu.memory_space<hbm>>
    tpu.enqueue_dma source(%dma_start3A_21 : memref<4096xi32, #tpu.memory_space<hbm>>) target(%dma_start3A_19 : memref<4096xi32, #tpu.memory_space<vmem>>) target_semaphore(%arg8 : memref<!tpu.dma_semaphore, #tpu.memory_space<semaphore_mem>>)
    %dma_wait3A = arith.constant 0 : i32
    %dma_wait3A_22 = arith.constant 0 : i32
    %dma_wait3A_23 = tpu.memref_slice %arg6[%dma_wait3A, %dma_wait3A_22] : memref<2x4096xi32, #tpu.memory_space<vmem>> -> memref<1x4096xi32, #tpu.memory_space<vmem>>
    %dma_wait3A_24 = tpu.memref_squeeze %dma_wait3A_23 : memref<1x4096xi32, #tpu.memory_space<vmem>> -> memref<4096xi32, #tpu.memory_space<vmem>>
    %dma_wait3A_25 = arith.constant 0 : i32
    %dma_wait3A_26 = tpu.memref_slice %arg2[%dma_wait3A_25] : memref<425984xi32, #tpu.memory_space<hbm>> -> memref<4096xi32, #tpu.memory_space<hbm>>
    %dma_wait3A_27 = arith.constant 0 : i32
    %dma_wait3A_28 = tpu.memref_slice %arg6[%dma_wait3A, %dma_wait3A_27] : memref<2x4096xi32, #tpu.memory_space<vmem>> -> memref<1x4096xi32, #tpu.memory_space<vmem>>
    %dma_wait3A_29 = tpu.memref_squeeze %dma_wait3A_28 : memref<1x4096xi32, #tpu.memory_space<vmem>> -> memref<4096xi32, #tpu.memory_space<vmem>>
    %dma_wait3A_30 = arith.constant 0 : i32
    %dma_wait3A_31 = tpu.memref_slice %arg2[%dma_wait3A_30] : memref<425984xi32, #tpu.memory_space<hbm>> -> memref<4096xi32, #tpu.memory_space<hbm>>
    tpu.wait_dma2 semaphore(%arg8 : memref<!tpu.dma_semaphore, #tpu.memory_space<semaphore_mem>>) src(%dma_wait3A_31 : memref<4096xi32, #tpu.memory_space<hbm>>) dst(%dma_wait3A_29 : memref<4096xi32, #tpu.memory_space<vmem>>)
    %scan3A = arith.constant 0 : i32
    %scan3A_32 = arith.constant 0 : i32
    %scan3A_33 = arith.constant 16 : i32
    %scan3A_34 = arith.addi %scan3A_32, %scan3A_33 : i32
    %scan3A_35 = arith.constant 1 : i32
    scf.for %scan3A_254 = %scan3A_32 to %scan3A_34 step %scan3A_35  : i32 {
      %mul3A_255 = arith.constant 256 : i32
      %mul3A_256 = arith.muli %scan3A_254, %mul3A_255 : i32
      %add3A_257 = arith.constant 0 : i32
      %add3A_258 = arith.addi %mul3A_256, %add3A_257 : i32
      %get3A = arith.constant 0 : i32
      %get3A_259 = arith.index_cast %get3A : i32 to index
      %get3A_260 = arith.index_cast %add3A_258 : i32 to index
      %get3A_261 = tpu.vector_load %arg6[%get3A_259, %get3A_260] {strides = array<i32>} : memref<2x4096xi32, #tpu.memory_space<vmem>>, vector<16xi32>,
      %add3A_262 = arith.constant 16 : i32
      %add3A_263 = arith.addi %mul3A_256, %add3A_262 : i32
      %get3A_264 = arith.constant 0 : i32
      %get3A_265 = arith.index_cast %get3A_264 : i32 to index
      %get3A_266 = arith.index_cast %add3A_263 : i32 to index
      %get3A_267 = tpu.vector_load %arg6[%get3A_265, %get3A_266] {strides = array<i32>} : memref<2x4096xi32, #tpu.memory_space<vmem>>, vector<16xi32>,
      %add3A_268 = arith.constant 32 : i32
      %add3A_269 = arith.addi %mul3A_256, %add3A_268 : i32
      %get3A_270 = arith.constant 0 : i32
      %get3A_271 = arith.index_cast %get3A_270 : i32 to index
      %get3A_272 = arith.index_cast %add3A_269 : i32 to index
      %get3A_273 = tpu.vector_load %arg6[%get3A_271, %get3A_272] {strides = array<i32>} : memref<2x4096xi32, #tpu.memory_space<vmem>>, vector<16xi32>,
      %add3A_274 = arith.constant 48 : i32
      %add3A_275 = arith.addi %mul3A_256, %add3A_274 : i32
      %get3A_276 = arith.constant 0 : i32
      %get3A_277 = arith.index_cast %get3A_276 : i32 to index
      %get3A_278 = arith.index_cast %add3A_275 : i32 to index
      %get3A_279 = tpu.vector_load %arg6[%get3A_277, %get3A_278] {strides = array<i32>} : memref<2x4096xi32, #tpu.memory_space<vmem>>, vector<16xi32>,
      %add3A_280 = arith.constant 64 : i32
      %add3A_281 = arith.addi %mul3A_256, %add3A_280 : i32
      %get3A_282 = arith.constant 0 : i32
      %get3A_283 = arith.index_cast %get3A_282 : i32 to index
      %get3A_284 = arith.index_cast %add3A_281 : i32 to index
      %get3A_285 = tpu.vector_load %arg6[%get3A_283, %get3A_284] {strides = array<i32>} : memref<2x4096xi32, #tpu.memory_space<vmem>>, vector<16xi32>,
      %add3A_286 = arith.constant 80 : i32
      %add3A_287 = arith.addi %mul3A_256, %add3A_286 : i32
      %get3A_288 = arith.constant 0 : i32
      %get3A_289 = arith.index_cast %get3A_288 : i32 to index
      %get3A_290 = arith.index_cast %add3A_287 : i32 to index
      %get3A_291 = tpu.vector_load %arg6[%get3A_289, %get3A_290] {strides = array<i32>} : memref<2x4096xi32, #tpu.memory_space<vmem>>, vector<16xi32>,
      %add3A_292 = arith.constant 96 : i32
      %add3A_293 = arith.addi %mul3A_256, %add3A_292 : i32
      %get3A_294 = arith.constant 0 : i32
      %get3A_295 = arith.index_cast %get3A_294 : i32 to index
      %get3A_296 = arith.index_cast %add3A_293 : i32 to index
      %get3A_297 = tpu.vector_load %arg6[%get3A_295, %get3A_296] {strides = array<i32>} : memref<2x4096xi32, #tpu.memory_space<vmem>>, vector<16xi32>,
      %add3A_298 = arith.constant 112 : i32
      %add3A_299 = arith.addi %mul3A_256, %add3A_298 : i32
      %get3A_300 = arith.constant 0 : i32
      %get3A_301 = arith.index_cast %get3A_300 : i32 to index
      %get3A_302 = arith.index_cast %add3A_299 : i32 to index
      %get3A_303 = tpu.vector_load %arg6[%get3A_301, %get3A_302] {strides = array<i32>} : memref<2x4096xi32, #tpu.memory_space<vmem>>, vector<16xi32>,
      %add3A_304 = arith.constant 128 : i32
      %add3A_305 = arith.addi %mul3A_256, %add3A_304 : i32
      %get3A_306 = arith.constant 0 : i32
      %get3A_307 = arith.index_cast %get3A_306 : i32 to index
      %get3A_308 = arith.index_cast %add3A_305 : i32 to index
      %get3A_309 = tpu.vector_load %arg6[%get3A_307, %get3A_308] {strides = array<i32>} : memref<2x4096xi32, #tpu.memory_space<vmem>>, vector<16xi32>,
      %add3A_310 = arith.constant 144 : i32
      %add3A_311 = arith.addi %mul3A_256, %add3A_310 : i32
      %get3A_312 = arith.constant 0 : i32
      %get3A_313 = arith.index_cast %get3A_312 : i32 to index
      %get3A_314 = arith.index_cast %add3A_311 : i32 to index
      %get3A_315 = tpu.vector_load %arg6[%get3A_313, %get3A_314] {strides = array<i32>} : memref<2x4096xi32, #tpu.memory_space<vmem>>, vector<16xi32>,
      %add3A_316 = arith.constant 160 : i32
      %add3A_317 = arith.addi %mul3A_256, %add3A_316 : i32
      %get3A_318 = arith.constant 0 : i32
      %get3A_319 = arith.index_cast %get3A_318 : i32 to index
      %get3A_320 = arith.index_cast %add3A_317 : i32 to index
      %get3A_321 = tpu.vector_load %arg6[%get3A_319, %get3A_320] {strides = array<i32>} : memref<2x4096xi32, #tpu.memory_space<vmem>>, vector<16xi32>,
      %add3A_322 = arith.constant 176 : i32
      %add3A_323 = arith.addi %mul3A_256, %add3A_322 : i32
      %get3A_324 = arith.constant 0 : i32
      %get3A_325 = arith.index_cast %get3A_324 : i32 to index
      %get3A_326 = arith.index_cast %add3A_323 : i32 to index
      %get3A_327 = tpu.vector_load %arg6[%get3A_325, %get3A_326] {strides = array<i32>} : memref<2x4096xi32, #tpu.memory_space<vmem>>, vector<16xi32>,
      %add3A_328 = arith.constant 192 : i32
      %add3A_329 = arith.addi %mul3A_256, %add3A_328 : i32
      %get3A_330 = arith.constant 0 : i32
      %get3A_331 = arith.index_cast %get3A_330 : i32 to index
      %get3A_332 = arith.index_cast %add3A_329 : i32 to index
      %get3A_333 = tpu.vector_load %arg6[%get3A_331, %get3A_332] {strides = array<i32>} : memref<2x4096xi32, #tpu.memory_space<vmem>>, vector<16xi32>,
      %add3A_334 = arith.constant 208 : i32
      %add3A_335 = arith.addi %mul3A_256, %add3A_334 : i32
      %get3A_336 = arith.constant 0 : i32
      %get3A_337 = arith.index_cast %get3A_336 : i32 to index
      %get3A_338 = arith.index_cast %add3A_335 : i32 to index
      %get3A_339 = tpu.vector_load %arg6[%get3A_337, %get3A_338] {strides = array<i32>} : memref<2x4096xi32, #tpu.memory_space<vmem>>, vector<16xi32>,
      %add3A_340 = arith.constant 224 : i32
      %add3A_341 = arith.addi %mul3A_256, %add3A_340 : i32
      %get3A_342 = arith.constant 0 : i32
      %get3A_343 = arith.index_cast %get3A_342 : i32 to index
      %get3A_344 = arith.index_cast %add3A_341 : i32 to index
      %get3A_345 = tpu.vector_load %arg6[%get3A_343, %get3A_344] {strides = array<i32>} : memref<2x4096xi32, #tpu.memory_space<vmem>>, vector<16xi32>,
      %add3A_346 = arith.constant 240 : i32
      %add3A_347 = arith.addi %mul3A_256, %add3A_346 : i32
      %get3A_348 = arith.constant 0 : i32
      %get3A_349 = arith.index_cast %get3A_348 : i32 to index
      %get3A_350 = arith.index_cast %add3A_347 : i32 to index
      %get3A_351 = tpu.vector_load %arg6[%get3A_349, %get3A_350] {strides = array<i32>} : memref<2x4096xi32, #tpu.memory_space<vmem>>, vector<16xi32>,
      %gather3A = tpu.vector_load_idx %arg5[%get3A_261] : memref<100000xf32, #tpu.memory_space<vmem>>[vector<16xi32>], vector<16xf32>,
      %gather3A_352 = tpu.vector_load_idx %arg5[%get3A_267] : memref<100000xf32, #tpu.memory_space<vmem>>[vector<16xi32>], vector<16xf32>,
      %gather3A_353 = tpu.vector_load_idx %arg5[%get3A_273] : memref<100000xf32, #tpu.memory_space<vmem>>[vector<16xi32>], vector<16xf32>,
      %gather3A_354 = tpu.vector_load_idx %arg5[%get3A_279] : memref<100000xf32, #tpu.memory_space<vmem>>[vector<16xi32>], vector<16xf32>,
      %gather3A_355 = tpu.vector_load_idx %arg5[%get3A_285] : memref<100000xf32, #tpu.memory_space<vmem>>[vector<16xi32>], vector<16xf32>,
      %gather3A_356 = tpu.vector_load_idx %arg5[%get3A_291] : memref<100000xf32, #tpu.memory_space<vmem>>[vector<16xi32>], vector<16xf32>,
      %gather3A_357 = tpu.vector_load_idx %arg5[%get3A_297] : memref<100000xf32, #tpu.memory_space<vmem>>[vector<16xi32>], vector<16xf32>,
      %gather3A_358 = tpu.vector_load_idx %arg5[%get3A_303] : memref<100000xf32, #tpu.memory_space<vmem>>[vector<16xi32>], vector<16xf32>,
      %gather3A_359 = tpu.vector_load_idx %arg5[%get3A_309] : memref<100000xf32, #tpu.memory_space<vmem>>[vector<16xi32>], vector<16xf32>,
      %gather3A_360 = tpu.vector_load_idx %arg5[%get3A_315] : memref<100000xf32, #tpu.memory_space<vmem>>[vector<16xi32>], vector<16xf32>,
      %gather3A_361 = tpu.vector_load_idx %arg5[%get3A_321] : memref<100000xf32, #tpu.memory_space<vmem>>[vector<16xi32>], vector<16xf32>,
      %gather3A_362 = tpu.vector_load_idx %arg5[%get3A_327] : memref<100000xf32, #tpu.memory_space<vmem>>[vector<16xi32>], vector<16xf32>,
      %gather3A_363 = tpu.vector_load_idx %arg5[%get3A_333] : memref<100000xf32, #tpu.memory_space<vmem>>[vector<16xi32>], vector<16xf32>,
      %gather3A_364 = tpu.vector_load_idx %arg5[%get3A_339] : memref<100000xf32, #tpu.memory_space<vmem>>[vector<16xi32>], vector<16xf32>,
      %gather3A_365 = tpu.vector_load_idx %arg5[%get3A_345] : memref<100000xf32, #tpu.memory_space<vmem>>[vector<16xi32>], vector<16xf32>,
      %gather3A_366 = tpu.vector_load_idx %arg5[%get3A_351] : memref<100000xf32, #tpu.memory_space<vmem>>[vector<16xi32>], vector<16xf32>,
      %add3A_367 = arith.constant 0 : i32
      %add3A_368 = arith.addi %mul3A_256, %add3A_367 : i32
      %swap3A = arith.constant 0 : i32
      %swap3A_369 = arith.index_cast %swap3A : i32 to index
      %swap3A_370 = arith.index_cast %add3A_368 : i32 to index
      %swap3A_371 = tpu.vector_load %arg7[%swap3A_369, %swap3A_370] {strides = array<i32>} : memref<2x4096xf32, #tpu.memory_space<vmem>>, vector<16xf32>,
      tpu.vector_store %arg7[%swap3A_369, %swap3A_370], %gather3A {strides = array<i32>} : memref<2x4096xf32, #tpu.memory_space<vmem>>, vector<16xf32>,
      %add3A_372 = arith.constant 16 : i32
      %add3A_373 = arith.addi %mul3A_256, %add3A_372 : i32
      %swap3A_374 = arith.constant 0 : i32
      %swap3A_375 = arith.index_cast %swap3A_374 : i32 to index
      %swap3A_376 = arith.index_cast %add3A_373 : i32 to index
      %swap3A_377 = tpu.vector_load %arg7[%swap3A_375, %swap3A_376] {strides = array<i32>} : memref<2x4096xf32, #tpu.memory_space<vmem>>, vector<16xf32>,
      tpu.vector_store %arg7[%swap3A_375, %swap3A_376], %gather3A_352 {strides = array<i32>} : memref<2x4096xf32, #tpu.memory_space<vmem>>, vector<16xf32>,
      %add3A_378 = arith.constant 32 : i32
      %add3A_379 = arith.addi %mul3A_256, %add3A_378 : i32
      %swap3A_380 = arith.constant 0 : i32
      %swap3A_381 = arith.index_cast %swap3A_380 : i32 to index
      %swap3A_382 = arith.index_cast %add3A_379 : i32 to index
      %swap3A_383 = tpu.vector_load %arg7[%swap3A_381, %swap3A_382] {strides = array<i32>} : memref<2x4096xf32, #tpu.memory_space<vmem>>, vector<16xf32>,
      tpu.vector_store %arg7[%swap3A_381, %swap3A_382], %gather3A_353 {strides = array<i32>} : memref<2x4096xf32, #tpu.memory_space<vmem>>, vector<16xf32>,
      %add3A_384 = arith.constant 48 : i32
      %add3A_385 = arith.addi %mul3A_256, %add3A_384 : i32
      %swap3A_386 = arith.constant 0 : i32
      %swap3A_387 = arith.index_cast %swap3A_386 : i32 to index
      %swap3A_388 = arith.index_cast %add3A_385 : i32 to index
      %swap3A_389 = tpu.vector_load %arg7[%swap3A_387, %swap3A_388] {strides = array<i32>} : memref<2x4096xf32, #tpu.memory_space<vmem>>, vector<16xf32>,
      tpu.vector_store %arg7[%swap3A_387, %swap3A_388], %gather3A_354 {strides = array<i32>} : memref<2x4096xf32, #tpu.memory_space<vmem>>, vector<16xf32>,
      %add3A_390 = arith.constant 64 : i32
      %add3A_391 = arith.addi %mul3A_256, %add3A_390 : i32
      %swap3A_392 = arith.constant 0 : i32
      %swap3A_393 = arith.index_cast %swap3A_392 : i32 to index
      %swap3A_394 = arith.index_cast %add3A_391 : i32 to index
      %swap3A_395 = tpu.vector_load %arg7[%swap3A_393, %swap3A_394] {strides = array<i32>} : memref<2x4096xf32, #tpu.memory_space<vmem>>, vector<16xf32>,
      tpu.vector_store %arg7[%swap3A_393, %swap3A_394], %gather3A_355 {strides = array<i32>} : memref<2x4096xf32, #tpu.memory_space<vmem>>, vector<16xf32>,
      %add3A_396 = arith.constant 80 : i32
      %add3A_397 = arith.addi %mul3A_256, %add3A_396 : i32
      %swap3A_398 = arith.constant 0 : i32
      %swap3A_399 = arith.index_cast %swap3A_398 : i32 to index
      %swap3A_400 = arith.index_cast %add3A_397 : i32 to index
      %swap3A_401 = tpu.vector_load %arg7[%swap3A_399, %swap3A_400] {strides = array<i32>} : memref<2x4096xf32, #tpu.memory_space<vmem>>, vector<16xf32>,
      tpu.vector_store %arg7[%swap3A_399, %swap3A_400], %gather3A_356 {strides = array<i32>} : memref<2x4096xf32, #tpu.memory_space<vmem>>, vector<16xf32>,
      %add3A_402 = arith.constant 96 : i32
      %add3A_403 = arith.addi %mul3A_256, %add3A_402 : i32
      %swap3A_404 = arith.constant 0 : i32
      %swap3A_405 = arith.index_cast %swap3A_404 : i32 to index
      %swap3A_406 = arith.index_cast %add3A_403 : i32 to index
      %swap3A_407 = tpu.vector_load %arg7[%swap3A_405, %swap3A_406] {strides = array<i32>} : memref<2x4096xf32, #tpu.memory_space<vmem>>, vector<16xf32>,
      tpu.vector_store %arg7[%swap3A_405, %swap3A_406], %gather3A_357 {strides = array<i32>} : memref<2x4096xf32, #tpu.memory_space<vmem>>, vector<16xf32>,
      %add3A_408 = arith.constant 112 : i32
      %add3A_409 = arith.addi %mul3A_256, %add3A_408 : i32
      %swap3A_410 = arith.constant 0 : i32
      %swap3A_411 = arith.index_cast %swap3A_410 : i32 to index
      %swap3A_412 = arith.index_cast %add3A_409 : i32 to index
      %swap3A_413 = tpu.vector_load %arg7[%swap3A_411, %swap3A_412] {strides = array<i32>} : memref<2x4096xf32, #tpu.memory_space<vmem>>, vector<16xf32>,
      tpu.vector_store %arg7[%swap3A_411, %swap3A_412], %gather3A_358 {strides = array<i32>} : memref<2x4096xf32, #tpu.memory_space<vmem>>, vector<16xf32>,
      %add3A_414 = arith.constant 128 : i32
      %add3A_415 = arith.addi %mul3A_256, %add3A_414 : i32
      %swap3A_416 = arith.constant 0 : i32
      %swap3A_417 = arith.index_cast %swap3A_416 : i32 to index
      %swap3A_418 = arith.index_cast %add3A_415 : i32 to index
      %swap3A_419 = tpu.vector_load %arg7[%swap3A_417, %swap3A_418] {strides = array<i32>} : memref<2x4096xf32, #tpu.memory_space<vmem>>, vector<16xf32>,
      tpu.vector_store %arg7[%swap3A_417, %swap3A_418], %gather3A_359 {strides = array<i32>} : memref<2x4096xf32, #tpu.memory_space<vmem>>, vector<16xf32>,
      %add3A_420 = arith.constant 144 : i32
      %add3A_421 = arith.addi %mul3A_256, %add3A_420 : i32
      %swap3A_422 = arith.constant 0 : i32
      %swap3A_423 = arith.index_cast %swap3A_422 : i32 to index
      %swap3A_424 = arith.index_cast %add3A_421 : i32 to index
      %swap3A_425 = tpu.vector_load %arg7[%swap3A_423, %swap3A_424] {strides = array<i32>} : memref<2x4096xf32, #tpu.memory_space<vmem>>, vector<16xf32>,
      tpu.vector_store %arg7[%swap3A_423, %swap3A_424], %gather3A_360 {strides = array<i32>} : memref<2x4096xf32, #tpu.memory_space<vmem>>, vector<16xf32>,
      %add3A_426 = arith.constant 160 : i32
      %add3A_427 = arith.addi %mul3A_256, %add3A_426 : i32
      %swap3A_428 = arith.constant 0 : i32
      %swap3A_429 = arith.index_cast %swap3A_428 : i32 to index
      %swap3A_430 = arith.index_cast %add3A_427 : i32 to index
      %swap3A_431 = tpu.vector_load %arg7[%swap3A_429, %swap3A_430] {strides = array<i32>} : memref<2x4096xf32, #tpu.memory_space<vmem>>, vector<16xf32>,
      tpu.vector_store %arg7[%swap3A_429, %swap3A_430], %gather3A_361 {strides = array<i32>} : memref<2x4096xf32, #tpu.memory_space<vmem>>, vector<16xf32>,
      %add3A_432 = arith.constant 176 : i32
      %add3A_433 = arith.addi %mul3A_256, %add3A_432 : i32
      %swap3A_434 = arith.constant 0 : i32
      %swap3A_435 = arith.index_cast %swap3A_434 : i32 to index
      %swap3A_436 = arith.index_cast %add3A_433 : i32 to index
      %swap3A_437 = tpu.vector_load %arg7[%swap3A_435, %swap3A_436] {strides = array<i32>} : memref<2x4096xf32, #tpu.memory_space<vmem>>, vector<16xf32>,
      tpu.vector_store %arg7[%swap3A_435, %swap3A_436], %gather3A_362 {strides = array<i32>} : memref<2x4096xf32, #tpu.memory_space<vmem>>, vector<16xf32>,
      %add3A_438 = arith.constant 192 : i32
      %add3A_439 = arith.addi %mul3A_256, %add3A_438 : i32
      %swap3A_440 = arith.constant 0 : i32
      %swap3A_441 = arith.index_cast %swap3A_440 : i32 to index
      %swap3A_442 = arith.index_cast %add3A_439 : i32 to index
      %swap3A_443 = tpu.vector_load %arg7[%swap3A_441, %swap3A_442] {strides = array<i32>} : memref<2x4096xf32, #tpu.memory_space<vmem>>, vector<16xf32>,
      tpu.vector_store %arg7[%swap3A_441, %swap3A_442], %gather3A_363 {strides = array<i32>} : memref<2x4096xf32, #tpu.memory_space<vmem>>, vector<16xf32>,
      %add3A_444 = arith.constant 208 : i32
      %add3A_445 = arith.addi %mul3A_256, %add3A_444 : i32
      %swap3A_446 = arith.constant 0 : i32
      %swap3A_447 = arith.index_cast %swap3A_446 : i32 to index
      %swap3A_448 = arith.index_cast %add3A_445 : i32 to index
      %swap3A_449 = tpu.vector_load %arg7[%swap3A_447, %swap3A_448] {strides = array<i32>} : memref<2x4096xf32, #tpu.memory_space<vmem>>, vector<16xf32>,
      tpu.vector_store %arg7[%swap3A_447, %swap3A_448], %gather3A_364 {strides = array<i32>} : memref<2x4096xf32, #tpu.memory_space<vmem>>, vector<16xf32>,
      %add3A_450 = arith.constant 224 : i32
      %add3A_451 = arith.addi %mul3A_256, %add3A_450 : i32
      %swap3A_452 = arith.constant 0 : i32
      %swap3A_453 = arith.index_cast %swap3A_452 : i32 to index
      %swap3A_454 = arith.index_cast %add3A_451 : i32 to index
      %swap3A_455 = tpu.vector_load %arg7[%swap3A_453, %swap3A_454] {strides = array<i32>} : memref<2x4096xf32, #tpu.memory_space<vmem>>, vector<16xf32>,
      tpu.vector_store %arg7[%swap3A_453, %swap3A_454], %gather3A_365 {strides = array<i32>} : memref<2x4096xf32, #tpu.memory_space<vmem>>, vector<16xf32>,
      %add3A_456 = arith.constant 240 : i32
      %add3A_457 = arith.addi %mul3A_256, %add3A_456 : i32
      %swap3A_458 = arith.constant 0 : i32
      %swap3A_459 = arith.index_cast %swap3A_458 : i32 to index
      %swap3A_460 = arith.index_cast %add3A_457 : i32 to index
      %swap3A_461 = tpu.vector_load %arg7[%swap3A_459, %swap3A_460] {strides = array<i32>} : memref<2x4096xf32, #tpu.memory_space<vmem>>, vector<16xf32>,
      tpu.vector_store %arg7[%swap3A_459, %swap3A_460], %gather3A_366 {strides = array<i32>} : memref<2x4096xf32, #tpu.memory_space<vmem>>, vector<16xf32>,
    }
    %scan3A_36 = arith.constant 16 : i32
    %dma_start3A_37 = arith.constant 0 : i32
    %dma_start3A_38 = arith.constant 0 : i32
    %dma_start3A_39 = arith.constant 0 : i32
    %dma_start3A_40 = tpu.memref_slice %arg7[%dma_start3A_37, %dma_start3A_39] : memref<2x4096xf32, #tpu.memory_space<vmem>> -> memref<1x4096xf32, #tpu.memory_space<vmem>>
    %dma_start3A_41 = tpu.memref_squeeze %dma_start3A_40 : memref<1x4096xf32, #tpu.memory_space<vmem>> -> memref<4096xf32, #tpu.memory_space<vmem>>
    %dma_start3A_42 = arith.constant 0 : i32
    %dma_start3A_43 = tpu.memref_slice %arg4[%dma_start3A_38, %add3A, %dma_start3A_42] : memref<26x32x16384xf32, #tpu.memory_space<hbm>> -> memref<1x1x4096xf32, #tpu.memory_space<hbm>>
    %dma_start3A_44 = tpu.memref_squeeze %dma_start3A_43 : memref<1x1x4096xf32, #tpu.memory_space<hbm>> -> memref<4096xf32, #tpu.memory_space<hbm>>
    %dma_start3A_45 = arith.constant 0 : i32
    %dma_start3A_46 = tpu.memref_slice %arg4[%dma_start3A_38, %add3A, %dma_start3A_45] : memref<26x32x16384xf32, #tpu.memory_space<hbm>> -> memref<1x1x4096xf32, #tpu.memory_space<hbm>>
    %dma_start3A_47 = tpu.memref_squeeze %dma_start3A_46 : memref<1x1x4096xf32, #tpu.memory_space<hbm>> -> memref<4096xf32, #tpu.memory_space<hbm>>
    %dma_start3A_48 = arith.constant 0 : i32
    %dma_start3A_49 = tpu.memref_slice %arg7[%dma_start3A_37, %dma_start3A_48] : memref<2x4096xf32, #tpu.memory_space<vmem>> -> memref<1x4096xf32, #tpu.memory_space<vmem>>
    %dma_start3A_50 = tpu.memref_squeeze %dma_start3A_49 : memref<1x4096xf32, #tpu.memory_space<vmem>> -> memref<4096xf32, #tpu.memory_space<vmem>>
    tpu.enqueue_dma source(%dma_start3A_50 : memref<4096xf32, #tpu.memory_space<vmem>>) target(%dma_start3A_47 : memref<4096xf32, #tpu.memory_space<hbm>>) target_semaphore(%arg9 : memref<!tpu.dma_semaphore, #tpu.memory_space<semaphore_mem>>)
    %dma_start3A_51 = arith.constant 0 : i32
    %dma_start3A_52 = arith.constant 0 : i32
    %dma_start3A_53 = tpu.memref_slice %arg6[%dma_start3A_51, %dma_start3A_52] : memref<2x4096xi32, #tpu.memory_space<vmem>> -> memref<1x4096xi32, #tpu.memory_space<vmem>>
    %dma_start3A_54 = tpu.memref_squeeze %dma_start3A_53 : memref<1x4096xi32, #tpu.memory_space<vmem>> -> memref<4096xi32, #tpu.memory_space<vmem>>
    %dma_start3A_55 = arith.constant 8192 : i32
    %dma_start3A_56 = tpu.memref_slice %arg2[%dma_start3A_55] : memref<425984xi32, #tpu.memory_space<hbm>> -> memref<4096xi32, #tpu.memory_space<hbm>>
    %dma_start3A_57 = arith.constant 0 : i32
    %dma_start3A_58 = tpu.memref_slice %arg6[%dma_start3A_51, %dma_start3A_57] : memref<2x4096xi32, #tpu.memory_space<vmem>> -> memref<1x4096xi32, #tpu.memory_space<vmem>>
    %dma_start3A_59 = tpu.memref_squeeze %dma_start3A_58 : memref<1x4096xi32, #tpu.memory_space<vmem>> -> memref<4096xi32, #tpu.memory_space<vmem>>
    %dma_start3A_60 = arith.constant 8192 : i32
    %dma_start3A_61 = tpu.memref_slice %arg2[%dma_start3A_60] : memref<425984xi32, #tpu.memory_space<hbm>> -> memref<4096xi32, #tpu.memory_space<hbm>>
    tpu.enqueue_dma source(%dma_start3A_61 : memref<4096xi32, #tpu.memory_space<hbm>>) target(%dma_start3A_59 : memref<4096xi32, #tpu.memory_space<vmem>>) target_semaphore(%arg8 : memref<!tpu.dma_semaphore, #tpu.memory_space<semaphore_mem>>)
    %dma_wait3A_62 = arith.constant 1 : i32
    %dma_wait3A_63 = arith.constant 0 : i32
    %dma_wait3A_64 = tpu.memref_slice %arg6[%dma_wait3A_62, %dma_wait3A_63] : memref<2x4096xi32, #tpu.memory_space<vmem>> -> memref<1x4096xi32, #tpu.memory_space<vmem>>
    %dma_wait3A_65 = tpu.memref_squeeze %dma_wait3A_64 : memref<1x4096xi32, #tpu.memory_space<vmem>> -> memref<4096xi32, #tpu.memory_space<vmem>>
    %dma_wait3A_66 = arith.constant 0 : i32
    %dma_wait3A_67 = tpu.memref_slice %arg2[%dma_wait3A_66] : memref<425984xi32, #tpu.memory_space<hbm>> -> memref<4096xi32, #tpu.memory_space<hbm>>
    %dma_wait3A_68 = arith.constant 0 : i32
    %dma_wait3A_69 = tpu.memref_slice %arg6[%dma_wait3A_62, %dma_wait3A_68] : memref<2x4096xi32, #tpu.memory_space<vmem>> -> memref<1x4096xi32, #tpu.memory_space<vmem>>
    %dma_wait3A_70 = tpu.memref_squeeze %dma_wait3A_69 : memref<1x4096xi32, #tpu.memory_space<vmem>> -> memref<4096xi32, #tpu.memory_space<vmem>>
    %dma_wait3A_71 = arith.constant 0 : i32
    %dma_wait3A_72 = tpu.memref_slice %arg2[%dma_wait3A_71] : memref<425984xi32, #tpu.memory_space<hbm>> -> memref<4096xi32, #tpu.memory_space<hbm>>
    tpu.wait_dma2 semaphore(%arg8 : memref<!tpu.dma_semaphore, #tpu.memory_space<semaphore_mem>>) src(%dma_wait3A_72 : memref<4096xi32, #tpu.memory_space<hbm>>) dst(%dma_wait3A_70 : memref<4096xi32, #tpu.memory_space<vmem>>)
    %scan3A_73 = arith.constant 0 : i32
    %scan3A_74 = arith.constant 0 : i32
    %scan3A_75 = arith.constant 16 : i32
    %scan3A_76 = arith.addi %scan3A_74, %scan3A_75 : i32
    %scan3A_77 = arith.constant 1 : i32
    scf.for %scan3A_254 = %scan3A_74 to %scan3A_76 step %scan3A_77  : i32 {
      %mul3A_255 = arith.constant 256 : i32
      %mul3A_256 = arith.muli %scan3A_254, %mul3A_255 : i32
      %add3A_257 = arith.constant 0 : i32
      %add3A_258 = arith.addi %mul3A_256, %add3A_257 : i32
      %get3A = arith.constant 1 : i32
      %get3A_259 = arith.index_cast %get3A : i32 to index
      %get3A_260 = arith.index_cast %add3A_258 : i32 to index
      %get3A_261 = tpu.vector_load %arg6[%get3A_259, %get3A_260] {strides = array<i32>} : memref<2x4096xi32, #tpu.memory_space<vmem>>, vector<16xi32>,
      %add3A_262 = arith.constant 16 : i32
      %add3A_263 = arith.addi %mul3A_256, %add3A_262 : i32
      %get3A_264 = arith.constant 1 : i32
      %get3A_265 = arith.index_cast %get3A_264 : i32 to index
      %get3A_266 = arith.index_cast %add3A_263 : i32 to index
      %get3A_267 = tpu.vector_load %arg6[%get3A_265, %get3A_266] {strides = array<i32>} : memref<2x4096xi32, #tpu.memory_space<vmem>>, vector<16xi32>,
      %add3A_268 = arith.constant 32 : i32
      %add3A_269 = arith.addi %mul3A_256, %add3A_268 : i32
      %get3A_270 = arith.constant 1 : i32
      %get3A_271 = arith.index_cast %get3A_270 : i32 to index
      %get3A_272 = arith.index_cast %add3A_269 : i32 to index
      %get3A_273 = tpu.vector_load %arg6[%get3A_271, %get3A_272] {strides = array<i32>} : memref<2x4096xi32, #tpu.memory_space<vmem>>, vector<16xi32>,
      %add3A_274 = arith.constant 48 : i32
      %add3A_275 = arith.addi %mul3A_256, %add3A_274 : i32
      %get3A_276 = arith.constant 1 : i32
      %get3A_277 = arith.index_cast %get3A_276 : i32 to index
      %get3A_278 = arith.index_cast %add3A_275 : i32 to index
      %get3A_279 = tpu.vector_load %arg6[%get3A_277, %get3A_278] {strides = array<i32>} : memref<2x4096xi32, #tpu.memory_space<vmem>>, vector<16xi32>,
      %add3A_280 = arith.constant 64 : i32
      %add3A_281 = arith.addi %mul3A_256, %add3A_280 : i32
      %get3A_282 = arith.constant 1 : i32
      %get3A_283 = arith.index_cast %get3A_282 : i32 to index
      %get3A_284 = arith.index_cast %add3A_281 : i32 to index
      %get3A_285 = tpu.vector_load %arg6[%get3A_283, %get3A_284] {strides = array<i32>} : memref<2x4096xi32, #tpu.memory_space<vmem>>, vector<16xi32>,
      %add3A_286 = arith.constant 80 : i32
      %add3A_287 = arith.addi %mul3A_256, %add3A_286 : i32
      %get3A_288 = arith.constant 1 : i32
      %get3A_289 = arith.index_cast %get3A_288 : i32 to index
      %get3A_290 = arith.index_cast %add3A_287 : i32 to index
      %get3A_291 = tpu.vector_load %arg6[%get3A_289, %get3A_290] {strides = array<i32>} : memref<2x4096xi32, #tpu.memory_space<vmem>>, vector<16xi32>,
      %add3A_292 = arith.constant 96 : i32
      %add3A_293 = arith.addi %mul3A_256, %add3A_292 : i32
      %get3A_294 = arith.constant 1 : i32
      %get3A_295 = arith.index_cast %get3A_294 : i32 to index
      %get3A_296 = arith.index_cast %add3A_293 : i32 to index
      %get3A_297 = tpu.vector_load %arg6[%get3A_295, %get3A_296] {strides = array<i32>} : memref<2x4096xi32, #tpu.memory_space<vmem>>, vector<16xi32>,
      %add3A_298 = arith.constant 112 : i32
      %add3A_299 = arith.addi %mul3A_256, %add3A_298 : i32
      %get3A_300 = arith.constant 1 : i32
      %get3A_301 = arith.index_cast %get3A_300 : i32 to index
      %get3A_302 = arith.index_cast %add3A_299 : i32 to index
      %get3A_303 = tpu.vector_load %arg6[%get3A_301, %get3A_302] {strides = array<i32>} : memref<2x4096xi32, #tpu.memory_space<vmem>>, vector<16xi32>,
      %add3A_304 = arith.constant 128 : i32
      %add3A_305 = arith.addi %mul3A_256, %add3A_304 : i32
      %get3A_306 = arith.constant 1 : i32
      %get3A_307 = arith.index_cast %get3A_306 : i32 to index
      %get3A_308 = arith.index_cast %add3A_305 : i32 to index
      %get3A_309 = tpu.vector_load %arg6[%get3A_307, %get3A_308] {strides = array<i32>} : memref<2x4096xi32, #tpu.memory_space<vmem>>, vector<16xi32>,
      %add3A_310 = arith.constant 144 : i32
      %add3A_311 = arith.addi %mul3A_256, %add3A_310 : i32
      %get3A_312 = arith.constant 1 : i32
      %get3A_313 = arith.index_cast %get3A_312 : i32 to index
      %get3A_314 = arith.index_cast %add3A_311 : i32 to index
      %get3A_315 = tpu.vector_load %arg6[%get3A_313, %get3A_314] {strides = array<i32>} : memref<2x4096xi32, #tpu.memory_space<vmem>>, vector<16xi32>,
      %add3A_316 = arith.constant 160 : i32
      %add3A_317 = arith.addi %mul3A_256, %add3A_316 : i32
      %get3A_318 = arith.constant 1 : i32
      %get3A_319 = arith.index_cast %get3A_318 : i32 to index
      %get3A_320 = arith.index_cast %add3A_317 : i32 to index
      %get3A_321 = tpu.vector_load %arg6[%get3A_319, %get3A_320] {strides = array<i32>} : memref<2x4096xi32, #tpu.memory_space<vmem>>, vector<16xi32>,
      %add3A_322 = arith.constant 176 : i32
      %add3A_323 = arith.addi %mul3A_256, %add3A_322 : i32
      %get3A_324 = arith.constant 1 : i32
      %get3A_325 = arith.index_cast %get3A_324 : i32 to index
      %get3A_326 = arith.index_cast %add3A_323 : i32 to index
      %get3A_327 = tpu.vector_load %arg6[%get3A_325, %get3A_326] {strides = array<i32>} : memref<2x4096xi32, #tpu.memory_space<vmem>>, vector<16xi32>,
      %add3A_328 = arith.constant 192 : i32
      %add3A_329 = arith.addi %mul3A_256, %add3A_328 : i32
      %get3A_330 = arith.constant 1 : i32
      %get3A_331 = arith.index_cast %get3A_330 : i32 to index
      %get3A_332 = arith.index_cast %add3A_329 : i32 to index
      %get3A_333 = tpu.vector_load %arg6[%get3A_331, %get3A_332] {strides = array<i32>} : memref<2x4096xi32, #tpu.memory_space<vmem>>, vector<16xi32>,
      %add3A_334 = arith.constant 208 : i32
      %add3A_335 = arith.addi %mul3A_256, %add3A_334 : i32
      %get3A_336 = arith.constant 1 : i32
      %get3A_337 = arith.index_cast %get3A_336 : i32 to index
      %get3A_338 = arith.index_cast %add3A_335 : i32 to index
      %get3A_339 = tpu.vector_load %arg6[%get3A_337, %get3A_338] {strides = array<i32>} : memref<2x4096xi32, #tpu.memory_space<vmem>>, vector<16xi32>,
      %add3A_340 = arith.constant 224 : i32
      %add3A_341 = arith.addi %mul3A_256, %add3A_340 : i32
      %get3A_342 = arith.constant 1 : i32
      %get3A_343 = arith.index_cast %get3A_342 : i32 to index
      %get3A_344 = arith.index_cast %add3A_341 : i32 to index
      %get3A_345 = tpu.vector_load %arg6[%get3A_343, %get3A_344] {strides = array<i32>} : memref<2x4096xi32, #tpu.memory_space<vmem>>, vector<16xi32>,
      %add3A_346 = arith.constant 240 : i32
      %add3A_347 = arith.addi %mul3A_256, %add3A_346 : i32
      %get3A_348 = arith.constant 1 : i32
      %get3A_349 = arith.index_cast %get3A_348 : i32 to index
      %get3A_350 = arith.index_cast %add3A_347 : i32 to index
      %get3A_351 = tpu.vector_load %arg6[%get3A_349, %get3A_350] {strides = array<i32>} : memref<2x4096xi32, #tpu.memory_space<vmem>>, vector<16xi32>,
      %gather3A = tpu.vector_load_idx %arg5[%get3A_261] : memref<100000xf32, #tpu.memory_space<vmem>>[vector<16xi32>], vector<16xf32>,
      %gather3A_352 = tpu.vector_load_idx %arg5[%get3A_267] : memref<100000xf32, #tpu.memory_space<vmem>>[vector<16xi32>], vector<16xf32>,
      %gather3A_353 = tpu.vector_load_idx %arg5[%get3A_273] : memref<100000xf32, #tpu.memory_space<vmem>>[vector<16xi32>], vector<16xf32>,
      %gather3A_354 = tpu.vector_load_idx %arg5[%get3A_279] : memref<100000xf32, #tpu.memory_space<vmem>>[vector<16xi32>], vector<16xf32>,
      %gather3A_355 = tpu.vector_load_idx %arg5[%get3A_285] : memref<100000xf32, #tpu.memory_space<vmem>>[vector<16xi32>], vector<16xf32>,
      %gather3A_356 = tpu.vector_load_idx %arg5[%get3A_291] : memref<100000xf32, #tpu.memory_space<vmem>>[vector<16xi32>], vector<16xf32>,
      %gather3A_357 = tpu.vector_load_idx %arg5[%get3A_297] : memref<100000xf32, #tpu.memory_space<vmem>>[vector<16xi32>], vector<16xf32>,
      %gather3A_358 = tpu.vector_load_idx %arg5[%get3A_303] : memref<100000xf32, #tpu.memory_space<vmem>>[vector<16xi32>], vector<16xf32>,
      %gather3A_359 = tpu.vector_load_idx %arg5[%get3A_309] : memref<100000xf32, #tpu.memory_space<vmem>>[vector<16xi32>], vector<16xf32>,
      %gather3A_360 = tpu.vector_load_idx %arg5[%get3A_315] : memref<100000xf32, #tpu.memory_space<vmem>>[vector<16xi32>], vector<16xf32>,
      %gather3A_361 = tpu.vector_load_idx %arg5[%get3A_321] : memref<100000xf32, #tpu.memory_space<vmem>>[vector<16xi32>], vector<16xf32>,
      %gather3A_362 = tpu.vector_load_idx %arg5[%get3A_327] : memref<100000xf32, #tpu.memory_space<vmem>>[vector<16xi32>], vector<16xf32>,
      %gather3A_363 = tpu.vector_load_idx %arg5[%get3A_333] : memref<100000xf32, #tpu.memory_space<vmem>>[vector<16xi32>], vector<16xf32>,
      %gather3A_364 = tpu.vector_load_idx %arg5[%get3A_339] : memref<100000xf32, #tpu.memory_space<vmem>>[vector<16xi32>], vector<16xf32>,
      %gather3A_365 = tpu.vector_load_idx %arg5[%get3A_345] : memref<100000xf32, #tpu.memory_space<vmem>>[vector<16xi32>], vector<16xf32>,
      %gather3A_366 = tpu.vector_load_idx %arg5[%get3A_351] : memref<100000xf32, #tpu.memory_space<vmem>>[vector<16xi32>], vector<16xf32>,
      %add3A_367 = arith.constant 0 : i32
      %add3A_368 = arith.addi %mul3A_256, %add3A_367 : i32
      %swap3A = arith.constant 1 : i32
      %swap3A_369 = arith.index_cast %swap3A : i32 to index
      %swap3A_370 = arith.index_cast %add3A_368 : i32 to index
      %swap3A_371 = tpu.vector_load %arg7[%swap3A_369, %swap3A_370] {strides = array<i32>} : memref<2x4096xf32, #tpu.memory_space<vmem>>, vector<16xf32>,
      tpu.vector_store %arg7[%swap3A_369, %swap3A_370], %gather3A {strides = array<i32>} : memref<2x4096xf32, #tpu.memory_space<vmem>>, vector<16xf32>,
      %add3A_372 = arith.constant 16 : i32
      %add3A_373 = arith.addi %mul3A_256, %add3A_372 : i32
      %swap3A_374 = arith.constant 1 : i32
      %swap3A_375 = arith.index_cast %swap3A_374 : i32 to index
      %swap3A_376 = arith.index_cast %add3A_373 : i32 to index
      %swap3A_377 = tpu.vector_load %arg7[%swap3A_375, %swap3A_376] {strides = array<i32>} : memref<2x4096xf32, #tpu.memory_space<vmem>>, vector<16xf32>,
      tpu.vector_store %arg7[%swap3A_375, %swap3A_376], %gather3A_352 {strides = array<i32>} : memref<2x4096xf32, #tpu.memory_space<vmem>>, vector<16xf32>,
      %add3A_378 = arith.constant 32 : i32
      %add3A_379 = arith.addi %mul3A_256, %add3A_378 : i32
      %swap3A_380 = arith.constant 1 : i32
      %swap3A_381 = arith.index_cast %swap3A_380 : i32 to index
      %swap3A_382 = arith.index_cast %add3A_379 : i32 to index
      %swap3A_383 = tpu.vector_load %arg7[%swap3A_381, %swap3A_382] {strides = array<i32>} : memref<2x4096xf32, #tpu.memory_space<vmem>>, vector<16xf32>,
      tpu.vector_store %arg7[%swap3A_381, %swap3A_382], %gather3A_353 {strides = array<i32>} : memref<2x4096xf32, #tpu.memory_space<vmem>>, vector<16xf32>,
      %add3A_384 = arith.constant 48 : i32
      %add3A_385 = arith.addi %mul3A_256, %add3A_384 : i32
      %swap3A_386 = arith.constant 1 : i32
      %swap3A_387 = arith.index_cast %swap3A_386 : i32 to index
      %swap3A_388 = arith.index_cast %add3A_385 : i32 to index
      %swap3A_389 = tpu.vector_load %arg7[%swap3A_387, %swap3A_388] {strides = array<i32>} : memref<2x4096xf32, #tpu.memory_space<vmem>>, vector<16xf32>,
      tpu.vector_store %arg7[%swap3A_387, %swap3A_388], %gather3A_354 {strides = array<i32>} : memref<2x4096xf32, #tpu.memory_space<vmem>>, vector<16xf32>,
      %add3A_390 = arith.constant 64 : i32
      %add3A_391 = arith.addi %mul3A_256, %add3A_390 : i32
      %swap3A_392 = arith.constant 1 : i32
      %swap3A_393 = arith.index_cast %swap3A_392 : i32 to index
      %swap3A_394 = arith.index_cast %add3A_391 : i32 to index
      %swap3A_395 = tpu.vector_load %arg7[%swap3A_393, %swap3A_394] {strides = array<i32>} : memref<2x4096xf32, #tpu.memory_space<vmem>>, vector<16xf32>,
      tpu.vector_store %arg7[%swap3A_393, %swap3A_394], %gather3A_355 {strides = array<i32>} : memref<2x4096xf32, #tpu.memory_space<vmem>>, vector<16xf32>,
      %add3A_396 = arith.constant 80 : i32
      %add3A_397 = arith.addi %mul3A_256, %add3A_396 : i32
      %swap3A_398 = arith.constant 1 : i32
      %swap3A_399 = arith.index_cast %swap3A_398 : i32 to index
      %swap3A_400 = arith.index_cast %add3A_397 : i32 to index
      %swap3A_401 = tpu.vector_load %arg7[%swap3A_399, %swap3A_400] {strides = array<i32>} : memref<2x4096xf32, #tpu.memory_space<vmem>>, vector<16xf32>,
      tpu.vector_store %arg7[%swap3A_399, %swap3A_400], %gather3A_356 {strides = array<i32>} : memref<2x4096xf32, #tpu.memory_space<vmem>>, vector<16xf32>,
      %add3A_402 = arith.constant 96 : i32
      %add3A_403 = arith.addi %mul3A_256, %add3A_402 : i32
      %swap3A_404 = arith.constant 1 : i32
      %swap3A_405 = arith.index_cast %swap3A_404 : i32 to index
      %swap3A_406 = arith.index_cast %add3A_403 : i32 to index
      %swap3A_407 = tpu.vector_load %arg7[%swap3A_405, %swap3A_406] {strides = array<i32>} : memref<2x4096xf32, #tpu.memory_space<vmem>>, vector<16xf32>,
      tpu.vector_store %arg7[%swap3A_405, %swap3A_406], %gather3A_357 {strides = array<i32>} : memref<2x4096xf32, #tpu.memory_space<vmem>>, vector<16xf32>,
      %add3A_408 = arith.constant 112 : i32
      %add3A_409 = arith.addi %mul3A_256, %add3A_408 : i32
      %swap3A_410 = arith.constant 1 : i32
      %swap3A_411 = arith.index_cast %swap3A_410 : i32 to index
      %swap3A_412 = arith.index_cast %add3A_409 : i32 to index
      %swap3A_413 = tpu.vector_load %arg7[%swap3A_411, %swap3A_412] {strides = array<i32>} : memref<2x4096xf32, #tpu.memory_space<vmem>>, vector<16xf32>,
      tpu.vector_store %arg7[%swap3A_411, %swap3A_412], %gather3A_358 {strides = array<i32>} : memref<2x4096xf32, #tpu.memory_space<vmem>>, vector<16xf32>,
      %add3A_414 = arith.constant 128 : i32
      %add3A_415 = arith.addi %mul3A_256, %add3A_414 : i32
      %swap3A_416 = arith.constant 1 : i32
      %swap3A_417 = arith.index_cast %swap3A_416 : i32 to index
      %swap3A_418 = arith.index_cast %add3A_415 : i32 to index
      %swap3A_419 = tpu.vector_load %arg7[%swap3A_417, %swap3A_418] {strides = array<i32>} : memref<2x4096xf32, #tpu.memory_space<vmem>>, vector<16xf32>,
      tpu.vector_store %arg7[%swap3A_417, %swap3A_418], %gather3A_359 {strides = array<i32>} : memref<2x4096xf32, #tpu.memory_space<vmem>>, vector<16xf32>,
      %add3A_420 = arith.constant 144 : i32
      %add3A_421 = arith.addi %mul3A_256, %add3A_420 : i32
      %swap3A_422 = arith.constant 1 : i32
      %swap3A_423 = arith.index_cast %swap3A_422 : i32 to index
      %swap3A_424 = arith.index_cast %add3A_421 : i32 to index
      %swap3A_425 = tpu.vector_load %arg7[%swap3A_423, %swap3A_424] {strides = array<i32>} : memref<2x4096xf32, #tpu.memory_space<vmem>>, vector<16xf32>,
      tpu.vector_store %arg7[%swap3A_423, %swap3A_424], %gather3A_360 {strides = array<i32>} : memref<2x4096xf32, #tpu.memory_space<vmem>>, vector<16xf32>,
      %add3A_426 = arith.constant 160 : i32
      %add3A_427 = arith.addi %mul3A_256, %add3A_426 : i32
      %swap3A_428 = arith.constant 1 : i32
      %swap3A_429 = arith.index_cast %swap3A_428 : i32 to index
      %swap3A_430 = arith.index_cast %add3A_427 : i32 to index
      %swap3A_431 = tpu.vector_load %arg7[%swap3A_429, %swap3A_430] {strides = array<i32>} : memref<2x4096xf32, #tpu.memory_space<vmem>>, vector<16xf32>,
      tpu.vector_store %arg7[%swap3A_429, %swap3A_430], %gather3A_361 {strides = array<i32>} : memref<2x4096xf32, #tpu.memory_space<vmem>>, vector<16xf32>,
      %add3A_432 = arith.constant 176 : i32
      %add3A_433 = arith.addi %mul3A_256, %add3A_432 : i32
      %swap3A_434 = arith.constant 1 : i32
      %swap3A_435 = arith.index_cast %swap3A_434 : i32 to index
      %swap3A_436 = arith.index_cast %add3A_433 : i32 to index
      %swap3A_437 = tpu.vector_load %arg7[%swap3A_435, %swap3A_436] {strides = array<i32>} : memref<2x4096xf32, #tpu.memory_space<vmem>>, vector<16xf32>,
      tpu.vector_store %arg7[%swap3A_435, %swap3A_436], %gather3A_362 {strides = array<i32>} : memref<2x4096xf32, #tpu.memory_space<vmem>>, vector<16xf32>,
      %add3A_438 = arith.constant 192 : i32
      %add3A_439 = arith.addi %mul3A_256, %add3A_438 : i32
      %swap3A_440 = arith.constant 1 : i32
      %swap3A_441 = arith.index_cast %swap3A_440 : i32 to index
      %swap3A_442 = arith.index_cast %add3A_439 : i32 to index
      %swap3A_443 = tpu.vector_load %arg7[%swap3A_441, %swap3A_442] {strides = array<i32>} : memref<2x4096xf32, #tpu.memory_space<vmem>>, vector<16xf32>,
      tpu.vector_store %arg7[%swap3A_441, %swap3A_442], %gather3A_363 {strides = array<i32>} : memref<2x4096xf32, #tpu.memory_space<vmem>>, vector<16xf32>,
      %add3A_444 = arith.constant 208 : i32
      %add3A_445 = arith.addi %mul3A_256, %add3A_444 : i32
      %swap3A_446 = arith.constant 1 : i32
      %swap3A_447 = arith.index_cast %swap3A_446 : i32 to index
      %swap3A_448 = arith.index_cast %add3A_445 : i32 to index
      %swap3A_449 = tpu.vector_load %arg7[%swap3A_447, %swap3A_448] {strides = array<i32>} : memref<2x4096xf32, #tpu.memory_space<vmem>>, vector<16xf32>,
      tpu.vector_store %arg7[%swap3A_447, %swap3A_448], %gather3A_364 {strides = array<i32>} : memref<2x4096xf32, #tpu.memory_space<vmem>>, vector<16xf32>,
      %add3A_450 = arith.constant 224 : i32
      %add3A_451 = arith.addi %mul3A_256, %add3A_450 : i32
      %swap3A_452 = arith.constant 1 : i32
      %swap3A_453 = arith.index_cast %swap3A_452 : i32 to index
      %swap3A_454 = arith.index_cast %add3A_451 : i32 to index
      %swap3A_455 = tpu.vector_load %arg7[%swap3A_453, %swap3A_454] {strides = array<i32>} : memref<2x4096xf32, #tpu.memory_space<vmem>>, vector<16xf32>,
      tpu.vector_store %arg7[%swap3A_453, %swap3A_454], %gather3A_365 {strides = array<i32>} : memref<2x4096xf32, #tpu.memory_space<vmem>>, vector<16xf32>,
      %add3A_456 = arith.constant 240 : i32
      %add3A_457 = arith.addi %mul3A_256, %add3A_456 : i32
      %swap3A_458 = arith.constant 1 : i32
      %swap3A_459 = arith.index_cast %swap3A_458 : i32 to index
      %swap3A_460 = arith.index_cast %add3A_457 : i32 to index
      %swap3A_461 = tpu.vector_load %arg7[%swap3A_459, %swap3A_460] {strides = array<i32>} : memref<2x4096xf32, #tpu.memory_space<vmem>>, vector<16xf32>,
      tpu.vector_store %arg7[%swap3A_459, %swap3A_460], %gather3A_366 {strides = array<i32>} : memref<2x4096xf32, #tpu.memory_space<vmem>>, vector<16xf32>,
    }
    %scan3A_78 = arith.constant 16 : i32
    %dma_start3A_79 = arith.constant 1 : i32
    %dma_start3A_80 = arith.constant 0 : i32
    %dma_start3A_81 = arith.constant 0 : i32
    %dma_start3A_82 = tpu.memref_slice %arg7[%dma_start3A_79, %dma_start3A_81] : memref<2x4096xf32, #tpu.memory_space<vmem>> -> memref<1x4096xf32, #tpu.memory_space<vmem>>
    %dma_start3A_83 = tpu.memref_squeeze %dma_start3A_82 : memref<1x4096xf32, #tpu.memory_space<vmem>> -> memref<4096xf32, #tpu.memory_space<vmem>>
    %dma_start3A_84 = arith.constant 4096 : i32
    %dma_start3A_85 = tpu.memref_slice %arg4[%dma_start3A_80, %add3A, %dma_start3A_84] : memref<26x32x16384xf32, #tpu.memory_space<hbm>> -> memref<1x1x4096xf32, #tpu.memory_space<hbm>>
    %dma_start3A_86 = tpu.memref_squeeze %dma_start3A_85 : memref<1x1x4096xf32, #tpu.memory_space<hbm>> -> memref<4096xf32, #tpu.memory_space<hbm>>
    %dma_start3A_87 = arith.constant 4096 : i32
    %dma_start3A_88 = tpu.memref_slice %arg4[%dma_start3A_80, %add3A, %dma_start3A_87] : memref<26x32x16384xf32, #tpu.memory_space<hbm>> -> memref<1x1x4096xf32, #tpu.memory_space<hbm>>
    %dma_start3A_89 = tpu.memref_squeeze %dma_start3A_88 : memref<1x1x4096xf32, #tpu.memory_space<hbm>> -> memref<4096xf32, #tpu.memory_space<hbm>>
    %dma_start3A_90 = arith.constant 0 : i32
    %dma_start3A_91 = tpu.memref_slice %arg7[%dma_start3A_79, %dma_start3A_90] : memref<2x4096xf32, #tpu.memory_space<vmem>> -> memref<1x4096xf32, #tpu.memory_space<vmem>>
    %dma_start3A_92 = tpu.memref_squeeze %dma_start3A_91 : memref<1x4096xf32, #tpu.memory_space<vmem>> -> memref<4096xf32, #tpu.memory_space<vmem>>
    tpu.enqueue_dma source(%dma_start3A_92 : memref<4096xf32, #tpu.memory_space<vmem>>) target(%dma_start3A_89 : memref<4096xf32, #tpu.memory_space<hbm>>) target_semaphore(%arg9 : memref<!tpu.dma_semaphore, #tpu.memory_space<semaphore_mem>>)
    %dma_start3A_93 = arith.constant 1 : i32
    %dma_start3A_94 = arith.constant 0 : i32
    %dma_start3A_95 = tpu.memref_slice %arg6[%dma_start3A_93, %dma_start3A_94] : memref<2x4096xi32, #tpu.memory_space<vmem>> -> memref<1x4096xi32, #tpu.memory_space<vmem>>
    %dma_start3A_96 = tpu.memref_squeeze %dma_start3A_95 : memref<1x4096xi32, #tpu.memory_space<vmem>> -> memref<4096xi32, #tpu.memory_space<vmem>>
    %dma_start3A_97 = arith.constant 12288 : i32
    %dma_start3A_98 = tpu.memref_slice %arg2[%dma_start3A_97] : memref<425984xi32, #tpu.memory_space<hbm>> -> memref<4096xi32, #tpu.memory_space<hbm>>
    %dma_start3A_99 = arith.constant 0 : i32
    %dma_start3A_100 = tpu.memref_slice %arg6[%dma_start3A_93, %dma_start3A_99] : memref<2x4096xi32, #tpu.memory_space<vmem>> -> memref<1x4096xi32, #tpu.memory_space<vmem>>
    %dma_start3A_101 = tpu.memref_squeeze %dma_start3A_100 : memref<1x4096xi32, #tpu.memory_space<vmem>> -> memref<4096xi32, #tpu.memory_space<vmem>>
    %dma_start3A_102 = arith.constant 12288 : i32
    %dma_start3A_103 = tpu.memref_slice %arg2[%dma_start3A_102] : memref<425984xi32, #tpu.memory_space<hbm>> -> memref<4096xi32, #tpu.memory_space<hbm>>
    tpu.enqueue_dma source(%dma_start3A_103 : memref<4096xi32, #tpu.memory_space<hbm>>) target(%dma_start3A_101 : memref<4096xi32, #tpu.memory_space<vmem>>) target_semaphore(%arg8 : memref<!tpu.dma_semaphore, #tpu.memory_space<semaphore_mem>>)
    %dma_wait3A_104 = arith.constant 0 : i32
    %dma_wait3A_105 = arith.constant 0 : i32
    %dma_wait3A_106 = tpu.memref_slice %arg6[%dma_wait3A_104, %dma_wait3A_105] : memref<2x4096xi32, #tpu.memory_space<vmem>> -> memref<1x4096xi32, #tpu.memory_space<vmem>>
    %dma_wait3A_107 = tpu.memref_squeeze %dma_wait3A_106 : memref<1x4096xi32, #tpu.memory_space<vmem>> -> memref<4096xi32, #tpu.memory_space<vmem>>
    %dma_wait3A_108 = arith.constant 0 : i32
    %dma_wait3A_109 = tpu.memref_slice %arg2[%dma_wait3A_108] : memref<425984xi32, #tpu.memory_space<hbm>> -> memref<4096xi32, #tpu.memory_space<hbm>>
    %dma_wait3A_110 = arith.constant 0 : i32
    %dma_wait3A_111 = tpu.memref_slice %arg6[%dma_wait3A_104, %dma_wait3A_110] : memref<2x4096xi32, #tpu.memory_space<vmem>> -> memref<1x4096xi32, #tpu.memory_space<vmem>>
    %dma_wait3A_112 = tpu.memref_squeeze %dma_wait3A_111 : memref<1x4096xi32, #tpu.memory_space<vmem>> -> memref<4096xi32, #tpu.memory_space<vmem>>
    %dma_wait3A_113 = arith.constant 0 : i32
    %dma_wait3A_114 = tpu.memref_slice %arg2[%dma_wait3A_113] : memref<425984xi32, #tpu.memory_space<hbm>> -> memref<4096xi32, #tpu.memory_space<hbm>>
    tpu.wait_dma2 semaphore(%arg8 : memref<!tpu.dma_semaphore, #tpu.memory_space<semaphore_mem>>) src(%dma_wait3A_114 : memref<4096xi32, #tpu.memory_space<hbm>>) dst(%dma_wait3A_112 : memref<4096xi32, #tpu.memory_space<vmem>>)
    %dma_wait3A_115 = arith.constant 0 : i32
    %dma_wait3A_116 = arith.constant 0 : i32
    %dma_wait3A_117 = arith.constant 0 : i32
    %dma_wait3A_118 = arith.constant 0 : i32
    %dma_wait3A_119 = tpu.memref_slice %arg7[%dma_wait3A_115, %dma_wait3A_118] : memref<2x4096xf32, #tpu.memory_space<vmem>> -> memref<1x4096xf32, #tpu.memory_space<vmem>>
    %dma_wait3A_120 = tpu.memref_squeeze %dma_wait3A_119 : memref<1x4096xf32, #tpu.memory_space<vmem>> -> memref<4096xf32, #tpu.memory_space<vmem>>
    %dma_wait3A_121 = arith.constant 0 : i32
    %dma_wait3A_122 = tpu.memref_slice %arg4[%dma_wait3A_116, %dma_wait3A_117, %dma_wait3A_121] : memref<26x32x16384xf32, #tpu.memory_space<hbm>> -> memref<1x1x4096xf32, #tpu.memory_space<hbm>>
    %dma_wait3A_123 = tpu.memref_squeeze %dma_wait3A_122 : memref<1x1x4096xf32, #tpu.memory_space<hbm>> -> memref<4096xf32, #tpu.memory_space<hbm>>
    %dma_wait3A_124 = arith.constant 0 : i32
    %dma_wait3A_125 = tpu.memref_slice %arg4[%dma_wait3A_116, %dma_wait3A_117, %dma_wait3A_124] : memref<26x32x16384xf32, #tpu.memory_space<hbm>> -> memref<1x1x4096xf32, #tpu.memory_space<hbm>>
    %dma_wait3A_126 = tpu.memref_squeeze %dma_wait3A_125 : memref<1x1x4096xf32, #tpu.memory_space<hbm>> -> memref<4096xf32, #tpu.memory_space<hbm>>
    %dma_wait3A_127 = arith.constant 0 : i32
    %dma_wait3A_128 = tpu.memref_slice %arg7[%dma_wait3A_115, %dma_wait3A_127] : memref<2x4096xf32, #tpu.memory_space<vmem>> -> memref<1x4096xf32, #tpu.memory_space<vmem>>
    %dma_wait3A_129 = tpu.memref_squeeze %dma_wait3A_128 : memref<1x4096xf32, #tpu.memory_space<vmem>> -> memref<4096xf32, #tpu.memory_space<vmem>>
    tpu.wait_dma2 semaphore(%arg9 : memref<!tpu.dma_semaphore, #tpu.memory_space<semaphore_mem>>) src(%dma_wait3A_129 : memref<4096xf32, #tpu.memory_space<vmem>>) dst(%dma_wait3A_126 : memref<4096xf32, #tpu.memory_space<hbm>>)
    %scan3A_130 = arith.constant 0 : i32
    %scan3A_131 = arith.constant 0 : i32
    %scan3A_132 = arith.constant 16 : i32
    %scan3A_133 = arith.addi %scan3A_131, %scan3A_132 : i32
    %scan3A_134 = arith.constant 1 : i32
    scf.for %scan3A_254 = %scan3A_131 to %scan3A_133 step %scan3A_134  : i32 {
      %mul3A_255 = arith.constant 256 : i32
      %mul3A_256 = arith.muli %scan3A_254, %mul3A_255 : i32
      %add3A_257 = arith.constant 0 : i32
      %add3A_258 = arith.addi %mul3A_256, %add3A_257 : i32
      %get3A = arith.constant 0 : i32
      %get3A_259 = arith.index_cast %get3A : i32 to index
      %get3A_260 = arith.index_cast %add3A_258 : i32 to index
      %get3A_261 = tpu.vector_load %arg6[%get3A_259, %get3A_260] {strides = array<i32>} : memref<2x4096xi32, #tpu.memory_space<vmem>>, vector<16xi32>,
      %add3A_262 = arith.constant 16 : i32
      %add3A_263 = arith.addi %mul3A_256, %add3A_262 : i32
      %get3A_264 = arith.constant 0 : i32
      %get3A_265 = arith.index_cast %get3A_264 : i32 to index
      %get3A_266 = arith.index_cast %add3A_263 : i32 to index
      %get3A_267 = tpu.vector_load %arg6[%get3A_265, %get3A_266] {strides = array<i32>} : memref<2x4096xi32, #tpu.memory_space<vmem>>, vector<16xi32>,
      %add3A_268 = arith.constant 32 : i32
      %add3A_269 = arith.addi %mul3A_256, %add3A_268 : i32
      %get3A_270 = arith.constant 0 : i32
      %get3A_271 = arith.index_cast %get3A_270 : i32 to index
      %get3A_272 = arith.index_cast %add3A_269 : i32 to index
      %get3A_273 = tpu.vector_load %arg6[%get3A_271, %get3A_272] {strides = array<i32>} : memref<2x4096xi32, #tpu.memory_space<vmem>>, vector<16xi32>,
      %add3A_274 = arith.constant 48 : i32
      %add3A_275 = arith.addi %mul3A_256, %add3A_274 : i32
      %get3A_276 = arith.constant 0 : i32
      %get3A_277 = arith.index_cast %get3A_276 : i32 to index
      %get3A_278 = arith.index_cast %add3A_275 : i32 to index
      %get3A_279 = tpu.vector_load %arg6[%get3A_277, %get3A_278] {strides = array<i32>} : memref<2x4096xi32, #tpu.memory_space<vmem>>, vector<16xi32>,
      %add3A_280 = arith.constant 64 : i32
      %add3A_281 = arith.addi %mul3A_256, %add3A_280 : i32
      %get3A_282 = arith.constant 0 : i32
      %get3A_283 = arith.index_cast %get3A_282 : i32 to index
      %get3A_284 = arith.index_cast %add3A_281 : i32 to index
      %get3A_285 = tpu.vector_load %arg6[%get3A_283, %get3A_284] {strides = array<i32>} : memref<2x4096xi32, #tpu.memory_space<vmem>>, vector<16xi32>,
      %add3A_286 = arith.constant 80 : i32
      %add3A_287 = arith.addi %mul3A_256, %add3A_286 : i32
      %get3A_288 = arith.constant 0 : i32
      %get3A_289 = arith.index_cast %get3A_288 : i32 to index
      %get3A_290 = arith.index_cast %add3A_287 : i32 to index
      %get3A_291 = tpu.vector_load %arg6[%get3A_289, %get3A_290] {strides = array<i32>} : memref<2x4096xi32, #tpu.memory_space<vmem>>, vector<16xi32>,
      %add3A_292 = arith.constant 96 : i32
      %add3A_293 = arith.addi %mul3A_256, %add3A_292 : i32
      %get3A_294 = arith.constant 0 : i32
      %get3A_295 = arith.index_cast %get3A_294 : i32 to index
      %get3A_296 = arith.index_cast %add3A_293 : i32 to index
      %get3A_297 = tpu.vector_load %arg6[%get3A_295, %get3A_296] {strides = array<i32>} : memref<2x4096xi32, #tpu.memory_space<vmem>>, vector<16xi32>,
      %add3A_298 = arith.constant 112 : i32
      %add3A_299 = arith.addi %mul3A_256, %add3A_298 : i32
      %get3A_300 = arith.constant 0 : i32
      %get3A_301 = arith.index_cast %get3A_300 : i32 to index
      %get3A_302 = arith.index_cast %add3A_299 : i32 to index
      %get3A_303 = tpu.vector_load %arg6[%get3A_301, %get3A_302] {strides = array<i32>} : memref<2x4096xi32, #tpu.memory_space<vmem>>, vector<16xi32>,
      %add3A_304 = arith.constant 128 : i32
      %add3A_305 = arith.addi %mul3A_256, %add3A_304 : i32
      %get3A_306 = arith.constant 0 : i32
      %get3A_307 = arith.index_cast %get3A_306 : i32 to index
      %get3A_308 = arith.index_cast %add3A_305 : i32 to index
      %get3A_309 = tpu.vector_load %arg6[%get3A_307, %get3A_308] {strides = array<i32>} : memref<2x4096xi32, #tpu.memory_space<vmem>>, vector<16xi32>,
      %add3A_310 = arith.constant 144 : i32
      %add3A_311 = arith.addi %mul3A_256, %add3A_310 : i32
      %get3A_312 = arith.constant 0 : i32
      %get3A_313 = arith.index_cast %get3A_312 : i32 to index
      %get3A_314 = arith.index_cast %add3A_311 : i32 to index
      %get3A_315 = tpu.vector_load %arg6[%get3A_313, %get3A_314] {strides = array<i32>} : memref<2x4096xi32, #tpu.memory_space<vmem>>, vector<16xi32>,
      %add3A_316 = arith.constant 160 : i32
      %add3A_317 = arith.addi %mul3A_256, %add3A_316 : i32
      %get3A_318 = arith.constant 0 : i32
      %get3A_319 = arith.index_cast %get3A_318 : i32 to index
      %get3A_320 = arith.index_cast %add3A_317 : i32 to index
      %get3A_321 = tpu.vector_load %arg6[%get3A_319, %get3A_320] {strides = array<i32>} : memref<2x4096xi32, #tpu.memory_space<vmem>>, vector<16xi32>,
      %add3A_322 = arith.constant 176 : i32
      %add3A_323 = arith.addi %mul3A_256, %add3A_322 : i32
      %get3A_324 = arith.constant 0 : i32
      %get3A_325 = arith.index_cast %get3A_324 : i32 to index
      %get3A_326 = arith.index_cast %add3A_323 : i32 to index
      %get3A_327 = tpu.vector_load %arg6[%get3A_325, %get3A_326] {strides = array<i32>} : memref<2x4096xi32, #tpu.memory_space<vmem>>, vector<16xi32>,
      %add3A_328 = arith.constant 192 : i32
      %add3A_329 = arith.addi %mul3A_256, %add3A_328 : i32
      %get3A_330 = arith.constant 0 : i32
      %get3A_331 = arith.index_cast %get3A_330 : i32 to index
      %get3A_332 = arith.index_cast %add3A_329 : i32 to index
      %get3A_333 = tpu.vector_load %arg6[%get3A_331, %get3A_332] {strides = array<i32>} : memref<2x4096xi32, #tpu.memory_space<vmem>>, vector<16xi32>,
      %add3A_334 = arith.constant 208 : i32
      %add3A_335 = arith.addi %mul3A_256, %add3A_334 : i32
      %get3A_336 = arith.constant 0 : i32
      %get3A_337 = arith.index_cast %get3A_336 : i32 to index
      %get3A_338 = arith.index_cast %add3A_335 : i32 to index
      %get3A_339 = tpu.vector_load %arg6[%get3A_337, %get3A_338] {strides = array<i32>} : memref<2x4096xi32, #tpu.memory_space<vmem>>, vector<16xi32>,
      %add3A_340 = arith.constant 224 : i32
      %add3A_341 = arith.addi %mul3A_256, %add3A_340 : i32
      %get3A_342 = arith.constant 0 : i32
      %get3A_343 = arith.index_cast %get3A_342 : i32 to index
      %get3A_344 = arith.index_cast %add3A_341 : i32 to index
      %get3A_345 = tpu.vector_load %arg6[%get3A_343, %get3A_344] {strides = array<i32>} : memref<2x4096xi32, #tpu.memory_space<vmem>>, vector<16xi32>,
      %add3A_346 = arith.constant 240 : i32
      %add3A_347 = arith.addi %mul3A_256, %add3A_346 : i32
      %get3A_348 = arith.constant 0 : i32
      %get3A_349 = arith.index_cast %get3A_348 : i32 to index
      %get3A_350 = arith.index_cast %add3A_347 : i32 to index
      %get3A_351 = tpu.vector_load %arg6[%get3A_349, %get3A_350] {strides = array<i32>} : memref<2x4096xi32, #tpu.memory_space<vmem>>, vector<16xi32>,
      %gather3A = tpu.vector_load_idx %arg5[%get3A_261] : memref<100000xf32, #tpu.memory_space<vmem>>[vector<16xi32>], vector<16xf32>,
      %gather3A_352 = tpu.vector_load_idx %arg5[%get3A_267] : memref<100000xf32, #tpu.memory_space<vmem>>[vector<16xi32>], vector<16xf32>,
      %gather3A_353 = tpu.vector_load_idx %arg5[%get3A_273] : memref<100000xf32, #tpu.memory_space<vmem>>[vector<16xi32>], vector<16xf32>,
      %gather3A_354 = tpu.vector_load_idx %arg5[%get3A_279] : memref<100000xf32, #tpu.memory_space<vmem>>[vector<16xi32>], vector<16xf32>,
      %gather3A_355 = tpu.vector_load_idx %arg5[%get3A_285] : memref<100000xf32, #tpu.memory_space<vmem>>[vector<16xi32>], vector<16xf32>,
      %gather3A_356 = tpu.vector_load_idx %arg5[%get3A_291] : memref<100000xf32, #tpu.memory_space<vmem>>[vector<16xi32>], vector<16xf32>,
      %gather3A_357 = tpu.vector_load_idx %arg5[%get3A_297] : memref<100000xf32, #tpu.memory_space<vmem>>[vector<16xi32>], vector<16xf32>,
      %gather3A_358 = tpu.vector_load_idx %arg5[%get3A_303] : memref<100000xf32, #tpu.memory_space<vmem>>[vector<16xi32>], vector<16xf32>,
      %gather3A_359 = tpu.vector_load_idx %arg5[%get3A_309] : memref<100000xf32, #tpu.memory_space<vmem>>[vector<16xi32>], vector<16xf32>,
      %gather3A_360 = tpu.vector_load_idx %arg5[%get3A_315] : memref<100000xf32, #tpu.memory_space<vmem>>[vector<16xi32>], vector<16xf32>,
      %gather3A_361 = tpu.vector_load_idx %arg5[%get3A_321] : memref<100000xf32, #tpu.memory_space<vmem>>[vector<16xi32>], vector<16xf32>,
      %gather3A_362 = tpu.vector_load_idx %arg5[%get3A_327] : memref<100000xf32, #tpu.memory_space<vmem>>[vector<16xi32>], vector<16xf32>,
      %gather3A_363 = tpu.vector_load_idx %arg5[%get3A_333] : memref<100000xf32, #tpu.memory_space<vmem>>[vector<16xi32>], vector<16xf32>,
      %gather3A_364 = tpu.vector_load_idx %arg5[%get3A_339] : memref<100000xf32, #tpu.memory_space<vmem>>[vector<16xi32>], vector<16xf32>,
      %gather3A_365 = tpu.vector_load_idx %arg5[%get3A_345] : memref<100000xf32, #tpu.memory_space<vmem>>[vector<16xi32>], vector<16xf32>,
      %gather3A_366 = tpu.vector_load_idx %arg5[%get3A_351] : memref<100000xf32, #tpu.memory_space<vmem>>[vector<16xi32>], vector<16xf32>,
      %add3A_367 = arith.constant 0 : i32
      %add3A_368 = arith.addi %mul3A_256, %add3A_367 : i32
      %swap3A = arith.constant 0 : i32
      %swap3A_369 = arith.index_cast %swap3A : i32 to index
      %swap3A_370 = arith.index_cast %add3A_368 : i32 to index
      %swap3A_371 = tpu.vector_load %arg7[%swap3A_369, %swap3A_370] {strides = array<i32>} : memref<2x4096xf32, #tpu.memory_space<vmem>>, vector<16xf32>,
      tpu.vector_store %arg7[%swap3A_369, %swap3A_370], %gather3A {strides = array<i32>} : memref<2x4096xf32, #tpu.memory_space<vmem>>, vector<16xf32>,
      %add3A_372 = arith.constant 16 : i32
      %add3A_373 = arith.addi %mul3A_256, %add3A_372 : i32
      %swap3A_374 = arith.constant 0 : i32
      %swap3A_375 = arith.index_cast %swap3A_374 : i32 to index
      %swap3A_376 = arith.index_cast %add3A_373 : i32 to index
      %swap3A_377 = tpu.vector_load %arg7[%swap3A_375, %swap3A_376] {strides = array<i32>} : memref<2x4096xf32, #tpu.memory_space<vmem>>, vector<16xf32>,
      tpu.vector_store %arg7[%swap3A_375, %swap3A_376], %gather3A_352 {strides = array<i32>} : memref<2x4096xf32, #tpu.memory_space<vmem>>, vector<16xf32>,
      %add3A_378 = arith.constant 32 : i32
      %add3A_379 = arith.addi %mul3A_256, %add3A_378 : i32
      %swap3A_380 = arith.constant 0 : i32
      %swap3A_381 = arith.index_cast %swap3A_380 : i32 to index
      %swap3A_382 = arith.index_cast %add3A_379 : i32 to index
      %swap3A_383 = tpu.vector_load %arg7[%swap3A_381, %swap3A_382] {strides = array<i32>} : memref<2x4096xf32, #tpu.memory_space<vmem>>, vector<16xf32>,
      tpu.vector_store %arg7[%swap3A_381, %swap3A_382], %gather3A_353 {strides = array<i32>} : memref<2x4096xf32, #tpu.memory_space<vmem>>, vector<16xf32>,
      %add3A_384 = arith.constant 48 : i32
      %add3A_385 = arith.addi %mul3A_256, %add3A_384 : i32
      %swap3A_386 = arith.constant 0 : i32
      %swap3A_387 = arith.index_cast %swap3A_386 : i32 to index
      %swap3A_388 = arith.index_cast %add3A_385 : i32 to index
      %swap3A_389 = tpu.vector_load %arg7[%swap3A_387, %swap3A_388] {strides = array<i32>} : memref<2x4096xf32, #tpu.memory_space<vmem>>, vector<16xf32>,
      tpu.vector_store %arg7[%swap3A_387, %swap3A_388], %gather3A_354 {strides = array<i32>} : memref<2x4096xf32, #tpu.memory_space<vmem>>, vector<16xf32>,
      %add3A_390 = arith.constant 64 : i32
      %add3A_391 = arith.addi %mul3A_256, %add3A_390 : i32
      %swap3A_392 = arith.constant 0 : i32
      %swap3A_393 = arith.index_cast %swap3A_392 : i32 to index
      %swap3A_394 = arith.index_cast %add3A_391 : i32 to index
      %swap3A_395 = tpu.vector_load %arg7[%swap3A_393, %swap3A_394] {strides = array<i32>} : memref<2x4096xf32, #tpu.memory_space<vmem>>, vector<16xf32>,
      tpu.vector_store %arg7[%swap3A_393, %swap3A_394], %gather3A_355 {strides = array<i32>} : memref<2x4096xf32, #tpu.memory_space<vmem>>, vector<16xf32>,
      %add3A_396 = arith.constant 80 : i32
      %add3A_397 = arith.addi %mul3A_256, %add3A_396 : i32
      %swap3A_398 = arith.constant 0 : i32
      %swap3A_399 = arith.index_cast %swap3A_398 : i32 to index
      %swap3A_400 = arith.index_cast %add3A_397 : i32 to index
      %swap3A_401 = tpu.vector_load %arg7[%swap3A_399, %swap3A_400] {strides = array<i32>} : memref<2x4096xf32, #tpu.memory_space<vmem>>, vector<16xf32>,
      tpu.vector_store %arg7[%swap3A_399, %swap3A_400], %gather3A_356 {strides = array<i32>} : memref<2x4096xf32, #tpu.memory_space<vmem>>, vector<16xf32>,
      %add3A_402 = arith.constant 96 : i32
      %add3A_403 = arith.addi %mul3A_256, %add3A_402 : i32
      %swap3A_404 = arith.constant 0 : i32
      %swap3A_405 = arith.index_cast %swap3A_404 : i32 to index
      %swap3A_406 = arith.index_cast %add3A_403 : i32 to index
      %swap3A_407 = tpu.vector_load %arg7[%swap3A_405, %swap3A_406] {strides = array<i32>} : memref<2x4096xf32, #tpu.memory_space<vmem>>, vector<16xf32>,
      tpu.vector_store %arg7[%swap3A_405, %swap3A_406], %gather3A_357 {strides = array<i32>} : memref<2x4096xf32, #tpu.memory_space<vmem>>, vector<16xf32>,
      %add3A_408 = arith.constant 112 : i32
      %add3A_409 = arith.addi %mul3A_256, %add3A_408 : i32
      %swap3A_410 = arith.constant 0 : i32
      %swap3A_411 = arith.index_cast %swap3A_410 : i32 to index
      %swap3A_412 = arith.index_cast %add3A_409 : i32 to index
      %swap3A_413 = tpu.vector_load %arg7[%swap3A_411, %swap3A_412] {strides = array<i32>} : memref<2x4096xf32, #tpu.memory_space<vmem>>, vector<16xf32>,
      tpu.vector_store %arg7[%swap3A_411, %swap3A_412], %gather3A_358 {strides = array<i32>} : memref<2x4096xf32, #tpu.memory_space<vmem>>, vector<16xf32>,
      %add3A_414 = arith.constant 128 : i32
      %add3A_415 = arith.addi %mul3A_256, %add3A_414 : i32
      %swap3A_416 = arith.constant 0 : i32
      %swap3A_417 = arith.index_cast %swap3A_416 : i32 to index
      %swap3A_418 = arith.index_cast %add3A_415 : i32 to index
      %swap3A_419 = tpu.vector_load %arg7[%swap3A_417, %swap3A_418] {strides = array<i32>} : memref<2x4096xf32, #tpu.memory_space<vmem>>, vector<16xf32>,
      tpu.vector_store %arg7[%swap3A_417, %swap3A_418], %gather3A_359 {strides = array<i32>} : memref<2x4096xf32, #tpu.memory_space<vmem>>, vector<16xf32>,
      %add3A_420 = arith.constant 144 : i32
      %add3A_421 = arith.addi %mul3A_256, %add3A_420 : i32
      %swap3A_422 = arith.constant 0 : i32
      %swap3A_423 = arith.index_cast %swap3A_422 : i32 to index
      %swap3A_424 = arith.index_cast %add3A_421 : i32 to index
      %swap3A_425 = tpu.vector_load %arg7[%swap3A_423, %swap3A_424] {strides = array<i32>} : memref<2x4096xf32, #tpu.memory_space<vmem>>, vector<16xf32>,
      tpu.vector_store %arg7[%swap3A_423, %swap3A_424], %gather3A_360 {strides = array<i32>} : memref<2x4096xf32, #tpu.memory_space<vmem>>, vector<16xf32>,
      %add3A_426 = arith.constant 160 : i32
      %add3A_427 = arith.addi %mul3A_256, %add3A_426 : i32
      %swap3A_428 = arith.constant 0 : i32
      %swap3A_429 = arith.index_cast %swap3A_428 : i32 to index
      %swap3A_430 = arith.index_cast %add3A_427 : i32 to index
      %swap3A_431 = tpu.vector_load %arg7[%swap3A_429, %swap3A_430] {strides = array<i32>} : memref<2x4096xf32, #tpu.memory_space<vmem>>, vector<16xf32>,
      tpu.vector_store %arg7[%swap3A_429, %swap3A_430], %gather3A_361 {strides = array<i32>} : memref<2x4096xf32, #tpu.memory_space<vmem>>, vector<16xf32>,
      %add3A_432 = arith.constant 176 : i32
      %add3A_433 = arith.addi %mul3A_256, %add3A_432 : i32
      %swap3A_434 = arith.constant 0 : i32
      %swap3A_435 = arith.index_cast %swap3A_434 : i32 to index
      %swap3A_436 = arith.index_cast %add3A_433 : i32 to index
      %swap3A_437 = tpu.vector_load %arg7[%swap3A_435, %swap3A_436] {strides = array<i32>} : memref<2x4096xf32, #tpu.memory_space<vmem>>, vector<16xf32>,
      tpu.vector_store %arg7[%swap3A_435, %swap3A_436], %gather3A_362 {strides = array<i32>} : memref<2x4096xf32, #tpu.memory_space<vmem>>, vector<16xf32>,
      %add3A_438 = arith.constant 192 : i32
      %add3A_439 = arith.addi %mul3A_256, %add3A_438 : i32
      %swap3A_440 = arith.constant 0 : i32
      %swap3A_441 = arith.index_cast %swap3A_440 : i32 to index
      %swap3A_442 = arith.index_cast %add3A_439 : i32 to index
      %swap3A_443 = tpu.vector_load %arg7[%swap3A_441, %swap3A_442] {strides = array<i32>} : memref<2x4096xf32, #tpu.memory_space<vmem>>, vector<16xf32>,
      tpu.vector_store %arg7[%swap3A_441, %swap3A_442], %gather3A_363 {strides = array<i32>} : memref<2x4096xf32, #tpu.memory_space<vmem>>, vector<16xf32>,
      %add3A_444 = arith.constant 208 : i32
      %add3A_445 = arith.addi %mul3A_256, %add3A_444 : i32
      %swap3A_446 = arith.constant 0 : i32
      %swap3A_447 = arith.index_cast %swap3A_446 : i32 to index
      %swap3A_448 = arith.index_cast %add3A_445 : i32 to index
      %swap3A_449 = tpu.vector_load %arg7[%swap3A_447, %swap3A_448] {strides = array<i32>} : memref<2x4096xf32, #tpu.memory_space<vmem>>, vector<16xf32>,
      tpu.vector_store %arg7[%swap3A_447, %swap3A_448], %gather3A_364 {strides = array<i32>} : memref<2x4096xf32, #tpu.memory_space<vmem>>, vector<16xf32>,
      %add3A_450 = arith.constant 224 : i32
      %add3A_451 = arith.addi %mul3A_256, %add3A_450 : i32
      %swap3A_452 = arith.constant 0 : i32
      %swap3A_453 = arith.index_cast %swap3A_452 : i32 to index
      %swap3A_454 = arith.index_cast %add3A_451 : i32 to index
      %swap3A_455 = tpu.vector_load %arg7[%swap3A_453, %swap3A_454] {strides = array<i32>} : memref<2x4096xf32, #tpu.memory_space<vmem>>, vector<16xf32>,
      tpu.vector_store %arg7[%swap3A_453, %swap3A_454], %gather3A_365 {strides = array<i32>} : memref<2x4096xf32, #tpu.memory_space<vmem>>, vector<16xf32>,
      %add3A_456 = arith.constant 240 : i32
      %add3A_457 = arith.addi %mul3A_256, %add3A_456 : i32
      %swap3A_458 = arith.constant 0 : i32
      %swap3A_459 = arith.index_cast %swap3A_458 : i32 to index
      %swap3A_460 = arith.index_cast %add3A_457 : i32 to index
      %swap3A_461 = tpu.vector_load %arg7[%swap3A_459, %swap3A_460] {strides = array<i32>} : memref<2x4096xf32, #tpu.memory_space<vmem>>, vector<16xf32>,
      tpu.vector_store %arg7[%swap3A_459, %swap3A_460], %gather3A_366 {strides = array<i32>} : memref<2x4096xf32, #tpu.memory_space<vmem>>, vector<16xf32>,
    }
    %scan3A_135 = arith.constant 16 : i32
    %dma_start3A_136 = arith.constant 0 : i32
    %dma_start3A_137 = arith.constant 0 : i32
    %dma_start3A_138 = arith.constant 0 : i32
    %dma_start3A_139 = tpu.memref_slice %arg7[%dma_start3A_136, %dma_start3A_138] : memref<2x4096xf32, #tpu.memory_space<vmem>> -> memref<1x4096xf32, #tpu.memory_space<vmem>>
    %dma_start3A_140 = tpu.memref_squeeze %dma_start3A_139 : memref<1x4096xf32, #tpu.memory_space<vmem>> -> memref<4096xf32, #tpu.memory_space<vmem>>
    %dma_start3A_141 = arith.constant 8192 : i32
    %dma_start3A_142 = tpu.memref_slice %arg4[%dma_start3A_137, %add3A, %dma_start3A_141] : memref<26x32x16384xf32, #tpu.memory_space<hbm>> -> memref<1x1x4096xf32, #tpu.memory_space<hbm>>
    %dma_start3A_143 = tpu.memref_squeeze %dma_start3A_142 : memref<1x1x4096xf32, #tpu.memory_space<hbm>> -> memref<4096xf32, #tpu.memory_space<hbm>>
    %dma_start3A_144 = arith.constant 8192 : i32
    %dma_start3A_145 = tpu.memref_slice %arg4[%dma_start3A_137, %add3A, %dma_start3A_144] : memref<26x32x16384xf32, #tpu.memory_space<hbm>> -> memref<1x1x4096xf32, #tpu.memory_space<hbm>>
    %dma_start3A_146 = tpu.memref_squeeze %dma_start3A_145 : memref<1x1x4096xf32, #tpu.memory_space<hbm>> -> memref<4096xf32, #tpu.memory_space<hbm>>
    %dma_start3A_147 = arith.constant 0 : i32
    %dma_start3A_148 = tpu.memref_slice %arg7[%dma_start3A_136, %dma_start3A_147] : memref<2x4096xf32, #tpu.memory_space<vmem>> -> memref<1x4096xf32, #tpu.memory_space<vmem>>
    %dma_start3A_149 = tpu.memref_squeeze %dma_start3A_148 : memref<1x4096xf32, #tpu.memory_space<vmem>> -> memref<4096xf32, #tpu.memory_space<vmem>>
    tpu.enqueue_dma source(%dma_start3A_149 : memref<4096xf32, #tpu.memory_space<vmem>>) target(%dma_start3A_146 : memref<4096xf32, #tpu.memory_space<hbm>>) target_semaphore(%arg9 : memref<!tpu.dma_semaphore, #tpu.memory_space<semaphore_mem>>)
    %dma_start3A_150 = arith.constant 0 : i32
    %dma_start3A_151 = arith.constant 0 : i32
    %dma_start3A_152 = tpu.memref_slice %arg6[%dma_start3A_150, %dma_start3A_151] : memref<2x4096xi32, #tpu.memory_space<vmem>> -> memref<1x4096xi32, #tpu.memory_space<vmem>>
    %dma_start3A_153 = tpu.memref_squeeze %dma_start3A_152 : memref<1x4096xi32, #tpu.memory_space<vmem>> -> memref<4096xi32, #tpu.memory_space<vmem>>
    %dma_start3A_154 = arith.constant 16384 : i32
    %dma_start3A_155 = tpu.memref_slice %arg2[%dma_start3A_154] : memref<425984xi32, #tpu.memory_space<hbm>> -> memref<4096xi32, #tpu.memory_space<hbm>>
    %dma_start3A_156 = arith.constant 0 : i32
    %dma_start3A_157 = tpu.memref_slice %arg6[%dma_start3A_150, %dma_start3A_156] : memref<2x4096xi32, #tpu.memory_space<vmem>> -> memref<1x4096xi32, #tpu.memory_space<vmem>>
    %dma_start3A_158 = tpu.memref_squeeze %dma_start3A_157 : memref<1x4096xi32, #tpu.memory_space<vmem>> -> memref<4096xi32, #tpu.memory_space<vmem>>
    %dma_start3A_159 = arith.constant 16384 : i32
    %dma_start3A_160 = tpu.memref_slice %arg2[%dma_start3A_159] : memref<425984xi32, #tpu.memory_space<hbm>> -> memref<4096xi32, #tpu.memory_space<hbm>>
    tpu.enqueue_dma source(%dma_start3A_160 : memref<4096xi32, #tpu.memory_space<hbm>>) target(%dma_start3A_158 : memref<4096xi32, #tpu.memory_space<vmem>>) target_semaphore(%arg8 : memref<!tpu.dma_semaphore, #tpu.memory_space<semaphore_mem>>)
    %dma_wait3A_161 = arith.constant 1 : i32
    %dma_wait3A_162 = arith.constant 0 : i32
    %dma_wait3A_163 = tpu.memref_slice %arg6[%dma_wait3A_161, %dma_wait3A_162] : memref<2x4096xi32, #tpu.memory_space<vmem>> -> memref<1x4096xi32, #tpu.memory_space<vmem>>
    %dma_wait3A_164 = tpu.memref_squeeze %dma_wait3A_163 : memref<1x4096xi32, #tpu.memory_space<vmem>> -> memref<4096xi32, #tpu.memory_space<vmem>>
    %dma_wait3A_165 = arith.constant 0 : i32
    %dma_wait3A_166 = tpu.memref_slice %arg2[%dma_wait3A_165] : memref<425984xi32, #tpu.memory_space<hbm>> -> memref<4096xi32, #tpu.memory_space<hbm>>
    %dma_wait3A_167 = arith.constant 0 : i32
    %dma_wait3A_168 = tpu.memref_slice %arg6[%dma_wait3A_161, %dma_wait3A_167] : memref<2x4096xi32, #tpu.memory_space<vmem>> -> memref<1x4096xi32, #tpu.memory_space<vmem>>
    %dma_wait3A_169 = tpu.memref_squeeze %dma_wait3A_168 : memref<1x4096xi32, #tpu.memory_space<vmem>> -> memref<4096xi32, #tpu.memory_space<vmem>>
    %dma_wait3A_170 = arith.constant 0 : i32
    %dma_wait3A_171 = tpu.memref_slice %arg2[%dma_wait3A_170] : memref<425984xi32, #tpu.memory_space<hbm>> -> memref<4096xi32, #tpu.memory_space<hbm>>
    tpu.wait_dma2 semaphore(%arg8 : memref<!tpu.dma_semaphore, #tpu.memory_space<semaphore_mem>>) src(%dma_wait3A_171 : memref<4096xi32, #tpu.memory_space<hbm>>) dst(%dma_wait3A_169 : memref<4096xi32, #tpu.memory_space<vmem>>)
    %dma_wait3A_172 = arith.constant 1 : i32
    %dma_wait3A_173 = arith.constant 0 : i32
    %dma_wait3A_174 = arith.constant 0 : i32
    %dma_wait3A_175 = arith.constant 0 : i32
    %dma_wait3A_176 = tpu.memref_slice %arg7[%dma_wait3A_172, %dma_wait3A_175] : memref<2x4096xf32, #tpu.memory_space<vmem>> -> memref<1x4096xf32, #tpu.memory_space<vmem>>
    %dma_wait3A_177 = tpu.memref_squeeze %dma_wait3A_176 : memref<1x4096xf32, #tpu.memory_space<vmem>> -> memref<4096xf32, #tpu.memory_space<vmem>>
    %dma_wait3A_178 = arith.constant 0 : i32
    %dma_wait3A_179 = tpu.memref_slice %arg4[%dma_wait3A_173, %dma_wait3A_174, %dma_wait3A_178] : memref<26x32x16384xf32, #tpu.memory_space<hbm>> -> memref<1x1x4096xf32, #tpu.memory_space<hbm>>
    %dma_wait3A_180 = tpu.memref_squeeze %dma_wait3A_179 : memref<1x1x4096xf32, #tpu.memory_space<hbm>> -> memref<4096xf32, #tpu.memory_space<hbm>>
    %dma_wait3A_181 = arith.constant 0 : i32
    %dma_wait3A_182 = tpu.memref_slice %arg4[%dma_wait3A_173, %dma_wait3A_174, %dma_wait3A_181] : memref<26x32x16384xf32, #tpu.memory_space<hbm>> -> memref<1x1x4096xf32, #tpu.memory_space<hbm>>
    %dma_wait3A_183 = tpu.memref_squeeze %dma_wait3A_182 : memref<1x1x4096xf32, #tpu.memory_space<hbm>> -> memref<4096xf32, #tpu.memory_space<hbm>>
    %dma_wait3A_184 = arith.constant 0 : i32
    %dma_wait3A_185 = tpu.memref_slice %arg7[%dma_wait3A_172, %dma_wait3A_184] : memref<2x4096xf32, #tpu.memory_space<vmem>> -> memref<1x4096xf32, #tpu.memory_space<vmem>>
    %dma_wait3A_186 = tpu.memref_squeeze %dma_wait3A_185 : memref<1x4096xf32, #tpu.memory_space<vmem>> -> memref<4096xf32, #tpu.memory_space<vmem>>
    tpu.wait_dma2 semaphore(%arg9 : memref<!tpu.dma_semaphore, #tpu.memory_space<semaphore_mem>>) src(%dma_wait3A_186 : memref<4096xf32, #tpu.memory_space<vmem>>) dst(%dma_wait3A_183 : memref<4096xf32, #tpu.memory_space<hbm>>)
    %scan3A_187 = arith.constant 0 : i32
    %scan3A_188 = arith.constant 0 : i32
    %scan3A_189 = arith.constant 16 : i32
    %scan3A_190 = arith.addi %scan3A_188, %scan3A_189 : i32
    %scan3A_191 = arith.constant 1 : i32
    scf.for %scan3A_254 = %scan3A_188 to %scan3A_190 step %scan3A_191  : i32 {
      %mul3A_255 = arith.constant 256 : i32
      %mul3A_256 = arith.muli %scan3A_254, %mul3A_255 : i32
      %add3A_257 = arith.constant 0 : i32
      %add3A_258 = arith.addi %mul3A_256, %add3A_257 : i32
      %get3A = arith.constant 1 : i32
      %get3A_259 = arith.index_cast %get3A : i32 to index
      %get3A_260 = arith.index_cast %add3A_258 : i32 to index
      %get3A_261 = tpu.vector_load %arg6[%get3A_259, %get3A_260] {strides = array<i32>} : memref<2x4096xi32, #tpu.memory_space<vmem>>, vector<16xi32>,
      %add3A_262 = arith.constant 16 : i32
      %add3A_263 = arith.addi %mul3A_256, %add3A_262 : i32
      %get3A_264 = arith.constant 1 : i32
      %get3A_265 = arith.index_cast %get3A_264 : i32 to index
      %get3A_266 = arith.index_cast %add3A_263 : i32 to index
      %get3A_267 = tpu.vector_load %arg6[%get3A_265, %get3A_266] {strides = array<i32>} : memref<2x4096xi32, #tpu.memory_space<vmem>>, vector<16xi32>,
      %add3A_268 = arith.constant 32 : i32
      %add3A_269 = arith.addi %mul3A_256, %add3A_268 : i32
      %get3A_270 = arith.constant 1 : i32
      %get3A_271 = arith.index_cast %get3A_270 : i32 to index
      %get3A_272 = arith.index_cast %add3A_269 : i32 to index
      %get3A_273 = tpu.vector_load %arg6[%get3A_271, %get3A_272] {strides = array<i32>} : memref<2x4096xi32, #tpu.memory_space<vmem>>, vector<16xi32>,
      %add3A_274 = arith.constant 48 : i32
      %add3A_275 = arith.addi %mul3A_256, %add3A_274 : i32
      %get3A_276 = arith.constant 1 : i32
      %get3A_277 = arith.index_cast %get3A_276 : i32 to index
      %get3A_278 = arith.index_cast %add3A_275 : i32 to index
      %get3A_279 = tpu.vector_load %arg6[%get3A_277, %get3A_278] {strides = array<i32>} : memref<2x4096xi32, #tpu.memory_space<vmem>>, vector<16xi32>,
      %add3A_280 = arith.constant 64 : i32
      %add3A_281 = arith.addi %mul3A_256, %add3A_280 : i32
      %get3A_282 = arith.constant 1 : i32
      %get3A_283 = arith.index_cast %get3A_282 : i32 to index
      %get3A_284 = arith.index_cast %add3A_281 : i32 to index
      %get3A_285 = tpu.vector_load %arg6[%get3A_283, %get3A_284] {strides = array<i32>} : memref<2x4096xi32, #tpu.memory_space<vmem>>, vector<16xi32>,
      %add3A_286 = arith.constant 80 : i32
      %add3A_287 = arith.addi %mul3A_256, %add3A_286 : i32
      %get3A_288 = arith.constant 1 : i32
      %get3A_289 = arith.index_cast %get3A_288 : i32 to index
      %get3A_290 = arith.index_cast %add3A_287 : i32 to index
      %get3A_291 = tpu.vector_load %arg6[%get3A_289, %get3A_290] {strides = array<i32>} : memref<2x4096xi32, #tpu.memory_space<vmem>>, vector<16xi32>,
      %add3A_292 = arith.constant 96 : i32
      %add3A_293 = arith.addi %mul3A_256, %add3A_292 : i32
      %get3A_294 = arith.constant 1 : i32
      %get3A_295 = arith.index_cast %get3A_294 : i32 to index
      %get3A_296 = arith.index_cast %add3A_293 : i32 to index
      %get3A_297 = tpu.vector_load %arg6[%get3A_295, %get3A_296] {strides = array<i32>} : memref<2x4096xi32, #tpu.memory_space<vmem>>, vector<16xi32>,
      %add3A_298 = arith.constant 112 : i32
      %add3A_299 = arith.addi %mul3A_256, %add3A_298 : i32
      %get3A_300 = arith.constant 1 : i32
      %get3A_301 = arith.index_cast %get3A_300 : i32 to index
      %get3A_302 = arith.index_cast %add3A_299 : i32 to index
      %get3A_303 = tpu.vector_load %arg6[%get3A_301, %get3A_302] {strides = array<i32>} : memref<2x4096xi32, #tpu.memory_space<vmem>>, vector<16xi32>,
      %add3A_304 = arith.constant 128 : i32
      %add3A_305 = arith.addi %mul3A_256, %add3A_304 : i32
      %get3A_306 = arith.constant 1 : i32
      %get3A_307 = arith.index_cast %get3A_306 : i32 to index
      %get3A_308 = arith.index_cast %add3A_305 : i32 to index
      %get3A_309 = tpu.vector_load %arg6[%get3A_307, %get3A_308] {strides = array<i32>} : memref<2x4096xi32, #tpu.memory_space<vmem>>, vector<16xi32>,
      %add3A_310 = arith.constant 144 : i32
      %add3A_311 = arith.addi %mul3A_256, %add3A_310 : i32
      %get3A_312 = arith.constant 1 : i32
      %get3A_313 = arith.index_cast %get3A_312 : i32 to index
      %get3A_314 = arith.index_cast %add3A_311 : i32 to index
      %get3A_315 = tpu.vector_load %arg6[%get3A_313, %get3A_314] {strides = array<i32>} : memref<2x4096xi32, #tpu.memory_space<vmem>>, vector<16xi32>,
      %add3A_316 = arith.constant 160 : i32
      %add3A_317 = arith.addi %mul3A_256, %add3A_316 : i32
      %get3A_318 = arith.constant 1 : i32
      %get3A_319 = arith.index_cast %get3A_318 : i32 to index
      %get3A_320 = arith.index_cast %add3A_317 : i32 to index
      %get3A_321 = tpu.vector_load %arg6[%get3A_319, %get3A_320] {strides = array<i32>} : memref<2x4096xi32, #tpu.memory_space<vmem>>, vector<16xi32>,
      %add3A_322 = arith.constant 176 : i32
      %add3A_323 = arith.addi %mul3A_256, %add3A_322 : i32
      %get3A_324 = arith.constant 1 : i32
      %get3A_325 = arith.index_cast %get3A_324 : i32 to index
      %get3A_326 = arith.index_cast %add3A_323 : i32 to index
      %get3A_327 = tpu.vector_load %arg6[%get3A_325, %get3A_326] {strides = array<i32>} : memref<2x4096xi32, #tpu.memory_space<vmem>>, vector<16xi32>,
      %add3A_328 = arith.constant 192 : i32
      %add3A_329 = arith.addi %mul3A_256, %add3A_328 : i32
      %get3A_330 = arith.constant 1 : i32
      %get3A_331 = arith.index_cast %get3A_330 : i32 to index
      %get3A_332 = arith.index_cast %add3A_329 : i32 to index
      %get3A_333 = tpu.vector_load %arg6[%get3A_331, %get3A_332] {strides = array<i32>} : memref<2x4096xi32, #tpu.memory_space<vmem>>, vector<16xi32>,
      %add3A_334 = arith.constant 208 : i32
      %add3A_335 = arith.addi %mul3A_256, %add3A_334 : i32
      %get3A_336 = arith.constant 1 : i32
      %get3A_337 = arith.index_cast %get3A_336 : i32 to index
      %get3A_338 = arith.index_cast %add3A_335 : i32 to index
      %get3A_339 = tpu.vector_load %arg6[%get3A_337, %get3A_338] {strides = array<i32>} : memref<2x4096xi32, #tpu.memory_space<vmem>>, vector<16xi32>,
      %add3A_340 = arith.constant 224 : i32
      %add3A_341 = arith.addi %mul3A_256, %add3A_340 : i32
      %get3A_342 = arith.constant 1 : i32
      %get3A_343 = arith.index_cast %get3A_342 : i32 to index
      %get3A_344 = arith.index_cast %add3A_341 : i32 to index
      %get3A_345 = tpu.vector_load %arg6[%get3A_343, %get3A_344] {strides = array<i32>} : memref<2x4096xi32, #tpu.memory_space<vmem>>, vector<16xi32>,
      %add3A_346 = arith.constant 240 : i32
      %add3A_347 = arith.addi %mul3A_256, %add3A_346 : i32
      %get3A_348 = arith.constant 1 : i32
      %get3A_349 = arith.index_cast %get3A_348 : i32 to index
      %get3A_350 = arith.index_cast %add3A_347 : i32 to index
      %get3A_351 = tpu.vector_load %arg6[%get3A_349, %get3A_350] {strides = array<i32>} : memref<2x4096xi32, #tpu.memory_space<vmem>>, vector<16xi32>,
      %gather3A = tpu.vector_load_idx %arg5[%get3A_261] : memref<100000xf32, #tpu.memory_space<vmem>>[vector<16xi32>], vector<16xf32>,
      %gather3A_352 = tpu.vector_load_idx %arg5[%get3A_267] : memref<100000xf32, #tpu.memory_space<vmem>>[vector<16xi32>], vector<16xf32>,
      %gather3A_353 = tpu.vector_load_idx %arg5[%get3A_273] : memref<100000xf32, #tpu.memory_space<vmem>>[vector<16xi32>], vector<16xf32>,
      %gather3A_354 = tpu.vector_load_idx %arg5[%get3A_279] : memref<100000xf32, #tpu.memory_space<vmem>>[vector<16xi32>], vector<16xf32>,
      %gather3A_355 = tpu.vector_load_idx %arg5[%get3A_285] : memref<100000xf32, #tpu.memory_space<vmem>>[vector<16xi32>], vector<16xf32>,
      %gather3A_356 = tpu.vector_load_idx %arg5[%get3A_291] : memref<100000xf32, #tpu.memory_space<vmem>>[vector<16xi32>], vector<16xf32>,
      %gather3A_357 = tpu.vector_load_idx %arg5[%get3A_297] : memref<100000xf32, #tpu.memory_space<vmem>>[vector<16xi32>], vector<16xf32>,
      %gather3A_358 = tpu.vector_load_idx %arg5[%get3A_303] : memref<100000xf32, #tpu.memory_space<vmem>>[vector<16xi32>], vector<16xf32>,
      %gather3A_359 = tpu.vector_load_idx %arg5[%get3A_309] : memref<100000xf32, #tpu.memory_space<vmem>>[vector<16xi32>], vector<16xf32>,
      %gather3A_360 = tpu.vector_load_idx %arg5[%get3A_315] : memref<100000xf32, #tpu.memory_space<vmem>>[vector<16xi32>], vector<16xf32>,
      %gather3A_361 = tpu.vector_load_idx %arg5[%get3A_321] : memref<100000xf32, #tpu.memory_space<vmem>>[vector<16xi32>], vector<16xf32>,
      %gather3A_362 = tpu.vector_load_idx %arg5[%get3A_327] : memref<100000xf32, #tpu.memory_space<vmem>>[vector<16xi32>], vector<16xf32>,
      %gather3A_363 = tpu.vector_load_idx %arg5[%get3A_333] : memref<100000xf32, #tpu.memory_space<vmem>>[vector<16xi32>], vector<16xf32>,
      %gather3A_364 = tpu.vector_load_idx %arg5[%get3A_339] : memref<100000xf32, #tpu.memory_space<vmem>>[vector<16xi32>], vector<16xf32>,
      %gather3A_365 = tpu.vector_load_idx %arg5[%get3A_345] : memref<100000xf32, #tpu.memory_space<vmem>>[vector<16xi32>], vector<16xf32>,
      %gather3A_366 = tpu.vector_load_idx %arg5[%get3A_351] : memref<100000xf32, #tpu.memory_space<vmem>>[vector<16xi32>], vector<16xf32>,
      %add3A_367 = arith.constant 0 : i32
      %add3A_368 = arith.addi %mul3A_256, %add3A_367 : i32
      %swap3A = arith.constant 1 : i32
      %swap3A_369 = arith.index_cast %swap3A : i32 to index
      %swap3A_370 = arith.index_cast %add3A_368 : i32 to index
      %swap3A_371 = tpu.vector_load %arg7[%swap3A_369, %swap3A_370] {strides = array<i32>} : memref<2x4096xf32, #tpu.memory_space<vmem>>, vector<16xf32>,
      tpu.vector_store %arg7[%swap3A_369, %swap3A_370], %gather3A {strides = array<i32>} : memref<2x4096xf32, #tpu.memory_space<vmem>>, vector<16xf32>,
      %add3A_372 = arith.constant 16 : i32
      %add3A_373 = arith.addi %mul3A_256, %add3A_372 : i32
      %swap3A_374 = arith.constant 1 : i32
      %swap3A_375 = arith.index_cast %swap3A_374 : i32 to index
      %swap3A_376 = arith.index_cast %add3A_373 : i32 to index
      %swap3A_377 = tpu.vector_load %arg7[%swap3A_375, %swap3A_376] {strides = array<i32>} : memref<2x4096xf32, #tpu.memory_space<vmem>>, vector<16xf32>,
      tpu.vector_store %arg7[%swap3A_375, %swap3A_376], %gather3A_352 {strides = array<i32>} : memref<2x4096xf32, #tpu.memory_space<vmem>>, vector<16xf32>,
      %add3A_378 = arith.constant 32 : i32
      %add3A_379 = arith.addi %mul3A_256, %add3A_378 : i32
      %swap3A_380 = arith.constant 1 : i32
      %swap3A_381 = arith.index_cast %swap3A_380 : i32 to index
      %swap3A_382 = arith.index_cast %add3A_379 : i32 to index
      %swap3A_383 = tpu.vector_load %arg7[%swap3A_381, %swap3A_382] {strides = array<i32>} : memref<2x4096xf32, #tpu.memory_space<vmem>>, vector<16xf32>,
      tpu.vector_store %arg7[%swap3A_381, %swap3A_382], %gather3A_353 {strides = array<i32>} : memref<2x4096xf32, #tpu.memory_space<vmem>>, vector<16xf32>,
      %add3A_384 = arith.constant 48 : i32
      %add3A_385 = arith.addi %mul3A_256, %add3A_384 : i32
      %swap3A_386 = arith.constant 1 : i32
      %swap3A_387 = arith.index_cast %swap3A_386 : i32 to index
      %swap3A_388 = arith.index_cast %add3A_385 : i32 to index
      %swap3A_389 = tpu.vector_load %arg7[%swap3A_387, %swap3A_388] {strides = array<i32>} : memref<2x4096xf32, #tpu.memory_space<vmem>>, vector<16xf32>,
      tpu.vector_store %arg7[%swap3A_387, %swap3A_388], %gather3A_354 {strides = array<i32>} : memref<2x4096xf32, #tpu.memory_space<vmem>>, vector<16xf32>,
      %add3A_390 = arith.constant 64 : i32
      %add3A_391 = arith.addi %mul3A_256, %add3A_390 : i32
      %swap3A_392 = arith.constant 1 : i32
      %swap3A_393 = arith.index_cast %swap3A_392 : i32 to index
      %swap3A_394 = arith.index_cast %add3A_391 : i32 to index
      %swap3A_395 = tpu.vector_load %arg7[%swap3A_393, %swap3A_394] {strides = array<i32>} : memref<2x4096xf32, #tpu.memory_space<vmem>>, vector<16xf32>,
      tpu.vector_store %arg7[%swap3A_393, %swap3A_394], %gather3A_355 {strides = array<i32>} : memref<2x4096xf32, #tpu.memory_space<vmem>>, vector<16xf32>,
      %add3A_396 = arith.constant 80 : i32
      %add3A_397 = arith.addi %mul3A_256, %add3A_396 : i32
      %swap3A_398 = arith.constant 1 : i32
      %swap3A_399 = arith.index_cast %swap3A_398 : i32 to index
      %swap3A_400 = arith.index_cast %add3A_397 : i32 to index
      %swap3A_401 = tpu.vector_load %arg7[%swap3A_399, %swap3A_400] {strides = array<i32>} : memref<2x4096xf32, #tpu.memory_space<vmem>>, vector<16xf32>,
      tpu.vector_store %arg7[%swap3A_399, %swap3A_400], %gather3A_356 {strides = array<i32>} : memref<2x4096xf32, #tpu.memory_space<vmem>>, vector<16xf32>,
      %add3A_402 = arith.constant 96 : i32
      %add3A_403 = arith.addi %mul3A_256, %add3A_402 : i32
      %swap3A_404 = arith.constant 1 : i32
      %swap3A_405 = arith.index_cast %swap3A_404 : i32 to index
      %swap3A_406 = arith.index_cast %add3A_403 : i32 to index
      %swap3A_407 = tpu.vector_load %arg7[%swap3A_405, %swap3A_406] {strides = array<i32>} : memref<2x4096xf32, #tpu.memory_space<vmem>>, vector<16xf32>,
      tpu.vector_store %arg7[%swap3A_405, %swap3A_406], %gather3A_357 {strides = array<i32>} : memref<2x4096xf32, #tpu.memory_space<vmem>>, vector<16xf32>,
      %add3A_408 = arith.constant 112 : i32
      %add3A_409 = arith.addi %mul3A_256, %add3A_408 : i32
      %swap3A_410 = arith.constant 1 : i32
      %swap3A_411 = arith.index_cast %swap3A_410 : i32 to index
      %swap3A_412 = arith.index_cast %add3A_409 : i32 to index
      %swap3A_413 = tpu.vector_load %arg7[%swap3A_411, %swap3A_412] {strides = array<i32>} : memref<2x4096xf32, #tpu.memory_space<vmem>>, vector<16xf32>,
      tpu.vector_store %arg7[%swap3A_411, %swap3A_412], %gather3A_358 {strides = array<i32>} : memref<2x4096xf32, #tpu.memory_space<vmem>>, vector<16xf32>,
      %add3A_414 = arith.constant 128 : i32
      %add3A_415 = arith.addi %mul3A_256, %add3A_414 : i32
      %swap3A_416 = arith.constant 1 : i32
      %swap3A_417 = arith.index_cast %swap3A_416 : i32 to index
      %swap3A_418 = arith.index_cast %add3A_415 : i32 to index
      %swap3A_419 = tpu.vector_load %arg7[%swap3A_417, %swap3A_418] {strides = array<i32>} : memref<2x4096xf32, #tpu.memory_space<vmem>>, vector<16xf32>,
      tpu.vector_store %arg7[%swap3A_417, %swap3A_418], %gather3A_359 {strides = array<i32>} : memref<2x4096xf32, #tpu.memory_space<vmem>>, vector<16xf32>,
      %add3A_420 = arith.constant 144 : i32
      %add3A_421 = arith.addi %mul3A_256, %add3A_420 : i32
      %swap3A_422 = arith.constant 1 : i32
      %swap3A_423 = arith.index_cast %swap3A_422 : i32 to index
      %swap3A_424 = arith.index_cast %add3A_421 : i32 to index
      %swap3A_425 = tpu.vector_load %arg7[%swap3A_423, %swap3A_424] {strides = array<i32>} : memref<2x4096xf32, #tpu.memory_space<vmem>>, vector<16xf32>,
      tpu.vector_store %arg7[%swap3A_423, %swap3A_424], %gather3A_360 {strides = array<i32>} : memref<2x4096xf32, #tpu.memory_space<vmem>>, vector<16xf32>,
      %add3A_426 = arith.constant 160 : i32
      %add3A_427 = arith.addi %mul3A_256, %add3A_426 : i32
      %swap3A_428 = arith.constant 1 : i32
      %swap3A_429 = arith.index_cast %swap3A_428 : i32 to index
      %swap3A_430 = arith.index_cast %add3A_427 : i32 to index
      %swap3A_431 = tpu.vector_load %arg7[%swap3A_429, %swap3A_430] {strides = array<i32>} : memref<2x4096xf32, #tpu.memory_space<vmem>>, vector<16xf32>,
      tpu.vector_store %arg7[%swap3A_429, %swap3A_430], %gather3A_361 {strides = array<i32>} : memref<2x4096xf32, #tpu.memory_space<vmem>>, vector<16xf32>,
      %add3A_432 = arith.constant 176 : i32
      %add3A_433 = arith.addi %mul3A_256, %add3A_432 : i32
      %swap3A_434 = arith.constant 1 : i32
      %swap3A_435 = arith.index_cast %swap3A_434 : i32 to index
      %swap3A_436 = arith.index_cast %add3A_433 : i32 to index
      %swap3A_437 = tpu.vector_load %arg7[%swap3A_435, %swap3A_436] {strides = array<i32>} : memref<2x4096xf32, #tpu.memory_space<vmem>>, vector<16xf32>,
      tpu.vector_store %arg7[%swap3A_435, %swap3A_436], %gather3A_362 {strides = array<i32>} : memref<2x4096xf32, #tpu.memory_space<vmem>>, vector<16xf32>,
      %add3A_438 = arith.constant 192 : i32
      %add3A_439 = arith.addi %mul3A_256, %add3A_438 : i32
      %swap3A_440 = arith.constant 1 : i32
      %swap3A_441 = arith.index_cast %swap3A_440 : i32 to index
      %swap3A_442 = arith.index_cast %add3A_439 : i32 to index
      %swap3A_443 = tpu.vector_load %arg7[%swap3A_441, %swap3A_442] {strides = array<i32>} : memref<2x4096xf32, #tpu.memory_space<vmem>>, vector<16xf32>,
      tpu.vector_store %arg7[%swap3A_441, %swap3A_442], %gather3A_363 {strides = array<i32>} : memref<2x4096xf32, #tpu.memory_space<vmem>>, vector<16xf32>,
      %add3A_444 = arith.constant 208 : i32
      %add3A_445 = arith.addi %mul3A_256, %add3A_444 : i32
      %swap3A_446 = arith.constant 1 : i32
      %swap3A_447 = arith.index_cast %swap3A_446 : i32 to index
      %swap3A_448 = arith.index_cast %add3A_445 : i32 to index
      %swap3A_449 = tpu.vector_load %arg7[%swap3A_447, %swap3A_448] {strides = array<i32>} : memref<2x4096xf32, #tpu.memory_space<vmem>>, vector<16xf32>,
      tpu.vector_store %arg7[%swap3A_447, %swap3A_448], %gather3A_364 {strides = array<i32>} : memref<2x4096xf32, #tpu.memory_space<vmem>>, vector<16xf32>,
      %add3A_450 = arith.constant 224 : i32
      %add3A_451 = arith.addi %mul3A_256, %add3A_450 : i32
      %swap3A_452 = arith.constant 1 : i32
      %swap3A_453 = arith.index_cast %swap3A_452 : i32 to index
      %swap3A_454 = arith.index_cast %add3A_451 : i32 to index
      %swap3A_455 = tpu.vector_load %arg7[%swap3A_453, %swap3A_454] {strides = array<i32>} : memref<2x4096xf32, #tpu.memory_space<vmem>>, vector<16xf32>,
      tpu.vector_store %arg7[%swap3A_453, %swap3A_454], %gather3A_365 {strides = array<i32>} : memref<2x4096xf32, #tpu.memory_space<vmem>>, vector<16xf32>,
      %add3A_456 = arith.constant 240 : i32
      %add3A_457 = arith.addi %mul3A_256, %add3A_456 : i32
      %swap3A_458 = arith.constant 1 : i32
      %swap3A_459 = arith.index_cast %swap3A_458 : i32 to index
      %swap3A_460 = arith.index_cast %add3A_457 : i32 to index
      %swap3A_461 = tpu.vector_load %arg7[%swap3A_459, %swap3A_460] {strides = array<i32>} : memref<2x4096xf32, #tpu.memory_space<vmem>>, vector<16xf32>,
      tpu.vector_store %arg7[%swap3A_459, %swap3A_460], %gather3A_366 {strides = array<i32>} : memref<2x4096xf32, #tpu.memory_space<vmem>>, vector<16xf32>,
    }
    %scan3A_192 = arith.constant 16 : i32
    %dma_start3A_193 = arith.constant 1 : i32
    %dma_start3A_194 = arith.constant 0 : i32
    %dma_start3A_195 = arith.constant 0 : i32
    %dma_start3A_196 = tpu.memref_slice %arg7[%dma_start3A_193, %dma_start3A_195] : memref<2x4096xf32, #tpu.memory_space<vmem>> -> memref<1x4096xf32, #tpu.memory_space<vmem>>
    %dma_start3A_197 = tpu.memref_squeeze %dma_start3A_196 : memref<1x4096xf32, #tpu.memory_space<vmem>> -> memref<4096xf32, #tpu.memory_space<vmem>>
    %dma_start3A_198 = arith.constant 12288 : i32
    %dma_start3A_199 = tpu.memref_slice %arg4[%dma_start3A_194, %add3A, %dma_start3A_198] : memref<26x32x16384xf32, #tpu.memory_space<hbm>> -> memref<1x1x4096xf32, #tpu.memory_space<hbm>>
    %dma_start3A_200 = tpu.memref_squeeze %dma_start3A_199 : memref<1x1x4096xf32, #tpu.memory_space<hbm>> -> memref<4096xf32, #tpu.memory_space<hbm>>
    %dma_start3A_201 = arith.constant 12288 : i32
    %dma_start3A_202 = tpu.memref_slice %arg4[%dma_start3A_194, %add3A, %dma_start3A_201] : memref<26x32x16384xf32, #tpu.memory_space<hbm>> -> memref<1x1x4096xf32, #tpu.memory_space<hbm>>
    %dma_start3A_203 = tpu.memref_squeeze %dma_start3A_202 : memref<1x1x4096xf32, #tpu.memory_space<hbm>> -> memref<4096xf32, #tpu.memory_space<hbm>>
    %dma_start3A_204 = arith.constant 0 : i32
    %dma_start3A_205 = tpu.memref_slice %arg7[%dma_start3A_193, %dma_start3A_204] : memref<2x4096xf32, #tpu.memory_space<vmem>> -> memref<1x4096xf32, #tpu.memory_space<vmem>>
    %dma_start3A_206 = tpu.memref_squeeze %dma_start3A_205 : memref<1x4096xf32, #tpu.memory_space<vmem>> -> memref<4096xf32, #tpu.memory_space<vmem>>
    tpu.enqueue_dma source(%dma_start3A_206 : memref<4096xf32, #tpu.memory_space<vmem>>) target(%dma_start3A_203 : memref<4096xf32, #tpu.memory_space<hbm>>) target_semaphore(%arg9 : memref<!tpu.dma_semaphore, #tpu.memory_space<semaphore_mem>>)
    %dma_start3A_207 = arith.constant 1 : i32
    %dma_start3A_208 = arith.constant 0 : i32
    %dma_start3A_209 = tpu.memref_slice %arg6[%dma_start3A_207, %dma_start3A_208] : memref<2x4096xi32, #tpu.memory_space<vmem>> -> memref<1x4096xi32, #tpu.memory_space<vmem>>
    %dma_start3A_210 = tpu.memref_squeeze %dma_start3A_209 : memref<1x4096xi32, #tpu.memory_space<vmem>> -> memref<4096xi32, #tpu.memory_space<vmem>>
    %dma_start3A_211 = arith.constant 20480 : i32
    %dma_start3A_212 = tpu.memref_slice %arg2[%dma_start3A_211] : memref<425984xi32, #tpu.memory_space<hbm>> -> memref<4096xi32, #tpu.memory_space<hbm>>
    %dma_start3A_213 = arith.constant 0 : i32
    %dma_start3A_214 = tpu.memref_slice %arg6[%dma_start3A_207, %dma_start3A_213] : memref<2x4096xi32, #tpu.memory_space<vmem>> -> memref<1x4096xi32, #tpu.memory_space<vmem>>
    %dma_start3A_215 = tpu.memref_squeeze %dma_start3A_214 : memref<1x4096xi32, #tpu.memory_space<vmem>> -> memref<4096xi32, #tpu.memory_space<vmem>>
    %dma_start3A_216 = arith.constant 20480 : i32
    %dma_start3A_217 = tpu.memref_slice %arg2[%dma_start3A_216] : memref<425984xi32, #tpu.memory_space<hbm>> -> memref<4096xi32, #tpu.memory_space<hbm>>
    tpu.enqueue_dma source(%dma_start3A_217 : memref<4096xi32, #tpu.memory_space<hbm>>) target(%dma_start3A_215 : memref<4096xi32, #tpu.memory_space<vmem>>) target_semaphore(%arg8 : memref<!tpu.dma_semaphore, #tpu.memory_space<semaphore_mem>>)
    %scan3A_218 = arith.constant 0 : i32
    %scan3A_219 = arith.constant 1 : i32
    %scan3A_220 = arith.constant 25 : i32
    %scan3A_221 = arith.addi %scan3A_219, %scan3A_220 : i32
    %scan3A_222 = arith.constant 1 : i32
    scf.for %scan3A_254 = %scan3A_219 to %scan3A_221 step %scan3A_222  : i32 {
      %mul3A_255 = arith.constant 4 : i32
      %mul3A_256 = arith.muli %scan3A_254, %mul3A_255 : i32
      %dma_wait3A_257 = arith.constant 0 : i32
      %dma_wait3A_258 = arith.constant 0 : i32
      %dma_wait3A_259 = tpu.memref_slice %arg6[%dma_wait3A_257, %dma_wait3A_258] : memref<2x4096xi32, #tpu.memory_space<vmem>> -> memref<1x4096xi32, #tpu.memory_space<vmem>>
      %dma_wait3A_260 = tpu.memref_squeeze %dma_wait3A_259 : memref<1x4096xi32, #tpu.memory_space<vmem>> -> memref<4096xi32, #tpu.memory_space<vmem>>
      %dma_wait3A_261 = arith.constant 0 : i32
      %dma_wait3A_262 = tpu.memref_slice %arg2[%dma_wait3A_261] : memref<425984xi32, #tpu.memory_space<hbm>> -> memref<4096xi32, #tpu.memory_space<hbm>>
      %dma_wait3A_263 = arith.constant 0 : i32
      %dma_wait3A_264 = tpu.memref_slice %arg6[%dma_wait3A_257, %dma_wait3A_263] : memref<2x4096xi32, #tpu.memory_space<vmem>> -> memref<1x4096xi32, #tpu.memory_space<vmem>>
      %dma_wait3A_265 = tpu.memref_squeeze %dma_wait3A_264 : memref<1x4096xi32, #tpu.memory_space<vmem>> -> memref<4096xi32, #tpu.memory_space<vmem>>
      %dma_wait3A_266 = arith.constant 0 : i32
      %dma_wait3A_267 = tpu.memref_slice %arg2[%dma_wait3A_266] : memref<425984xi32, #tpu.memory_space<hbm>> -> memref<4096xi32, #tpu.memory_space<hbm>>
      tpu.wait_dma2 semaphore(%arg8 : memref<!tpu.dma_semaphore, #tpu.memory_space<semaphore_mem>>) src(%dma_wait3A_267 : memref<4096xi32, #tpu.memory_space<hbm>>) dst(%dma_wait3A_265 : memref<4096xi32, #tpu.memory_space<vmem>>)
      %dma_wait3A_268 = arith.constant 0 : i32
      %dma_wait3A_269 = arith.constant 0 : i32
      %dma_wait3A_270 = arith.constant 0 : i32
      %dma_wait3A_271 = arith.constant 0 : i32
      %dma_wait3A_272 = tpu.memref_slice %arg7[%dma_wait3A_268, %dma_wait3A_271] : memref<2x4096xf32, #tpu.memory_space<vmem>> -> memref<1x4096xf32, #tpu.memory_space<vmem>>
      %dma_wait3A_273 = tpu.memref_squeeze %dma_wait3A_272 : memref<1x4096xf32, #tpu.memory_space<vmem>> -> memref<4096xf32, #tpu.memory_space<vmem>>
      %dma_wait3A_274 = arith.constant 0 : i32
      %dma_wait3A_275 = tpu.memref_slice %arg4[%dma_wait3A_269, %dma_wait3A_270, %dma_wait3A_274] : memref<26x32x16384xf32, #tpu.memory_space<hbm>> -> memref<1x1x4096xf32, #tpu.memory_space<hbm>>
      %dma_wait3A_276 = tpu.memref_squeeze %dma_wait3A_275 : memref<1x1x4096xf32, #tpu.memory_space<hbm>> -> memref<4096xf32, #tpu.memory_space<hbm>>
      %dma_wait3A_277 = arith.constant 0 : i32
      %dma_wait3A_278 = tpu.memref_slice %arg4[%dma_wait3A_269, %dma_wait3A_270, %dma_wait3A_277] : memref<26x32x16384xf32, #tpu.memory_space<hbm>> -> memref<1x1x4096xf32, #tpu.memory_space<hbm>>
      %dma_wait3A_279 = tpu.memref_squeeze %dma_wait3A_278 : memref<1x1x4096xf32, #tpu.memory_space<hbm>> -> memref<4096xf32, #tpu.memory_space<hbm>>
      %dma_wait3A_280 = arith.constant 0 : i32
      %dma_wait3A_281 = tpu.memref_slice %arg7[%dma_wait3A_268, %dma_wait3A_280] : memref<2x4096xf32, #tpu.memory_space<vmem>> -> memref<1x4096xf32, #tpu.memory_space<vmem>>
      %dma_wait3A_282 = tpu.memref_squeeze %dma_wait3A_281 : memref<1x4096xf32, #tpu.memory_space<vmem>> -> memref<4096xf32, #tpu.memory_space<vmem>>
      tpu.wait_dma2 semaphore(%arg9 : memref<!tpu.dma_semaphore, #tpu.memory_space<semaphore_mem>>) src(%dma_wait3A_282 : memref<4096xf32, #tpu.memory_space<vmem>>) dst(%dma_wait3A_279 : memref<4096xf32, #tpu.memory_space<hbm>>)
      %scan3A_283 = arith.constant 0 : i32
      %scan3A_284 = arith.constant 0 : i32
      %scan3A_285 = arith.constant 16 : i32
      %scan3A_286 = arith.addi %scan3A_284, %scan3A_285 : i32
      %scan3A_287 = arith.constant 1 : i32
      scf.for %scan3A_470 = %scan3A_284 to %scan3A_286 step %scan3A_287  : i32 {
        %mul3A_471 = arith.constant 256 : i32
        %mul3A_472 = arith.muli %scan3A_470, %mul3A_471 : i32
        %add3A_473 = arith.constant 0 : i32
        %add3A_474 = arith.addi %mul3A_472, %add3A_473 : i32
        %get3A = arith.constant 0 : i32
        %get3A_475 = arith.index_cast %get3A : i32 to index
        %get3A_476 = arith.index_cast %add3A_474 : i32 to index
        %get3A_477 = tpu.vector_load %arg6[%get3A_475, %get3A_476] {strides = array<i32>} : memref<2x4096xi32, #tpu.memory_space<vmem>>, vector<16xi32>,
        %add3A_478 = arith.constant 16 : i32
        %add3A_479 = arith.addi %mul3A_472, %add3A_478 : i32
        %get3A_480 = arith.constant 0 : i32
        %get3A_481 = arith.index_cast %get3A_480 : i32 to index
        %get3A_482 = arith.index_cast %add3A_479 : i32 to index
        %get3A_483 = tpu.vector_load %arg6[%get3A_481, %get3A_482] {strides = array<i32>} : memref<2x4096xi32, #tpu.memory_space<vmem>>, vector<16xi32>,
        %add3A_484 = arith.constant 32 : i32
        %add3A_485 = arith.addi %mul3A_472, %add3A_484 : i32
        %get3A_486 = arith.constant 0 : i32
        %get3A_487 = arith.index_cast %get3A_486 : i32 to index
        %get3A_488 = arith.index_cast %add3A_485 : i32 to index
        %get3A_489 = tpu.vector_load %arg6[%get3A_487, %get3A_488] {strides = array<i32>} : memref<2x4096xi32, #tpu.memory_space<vmem>>, vector<16xi32>,
        %add3A_490 = arith.constant 48 : i32
        %add3A_491 = arith.addi %mul3A_472, %add3A_490 : i32
        %get3A_492 = arith.constant 0 : i32
        %get3A_493 = arith.index_cast %get3A_492 : i32 to index
        %get3A_494 = arith.index_cast %add3A_491 : i32 to index
        %get3A_495 = tpu.vector_load %arg6[%get3A_493, %get3A_494] {strides = array<i32>} : memref<2x4096xi32, #tpu.memory_space<vmem>>, vector<16xi32>,
        %add3A_496 = arith.constant 64 : i32
        %add3A_497 = arith.addi %mul3A_472, %add3A_496 : i32
        %get3A_498 = arith.constant 0 : i32
        %get3A_499 = arith.index_cast %get3A_498 : i32 to index
        %get3A_500 = arith.index_cast %add3A_497 : i32 to index
        %get3A_501 = tpu.vector_load %arg6[%get3A_499, %get3A_500] {strides = array<i32>} : memref<2x4096xi32, #tpu.memory_space<vmem>>, vector<16xi32>,
        %add3A_502 = arith.constant 80 : i32
        %add3A_503 = arith.addi %mul3A_472, %add3A_502 : i32
        %get3A_504 = arith.constant 0 : i32
        %get3A_505 = arith.index_cast %get3A_504 : i32 to index
        %get3A_506 = arith.index_cast %add3A_503 : i32 to index
        %get3A_507 = tpu.vector_load %arg6[%get3A_505, %get3A_506] {strides = array<i32>} : memref<2x4096xi32, #tpu.memory_space<vmem>>, vector<16xi32>,
        %add3A_508 = arith.constant 96 : i32
        %add3A_509 = arith.addi %mul3A_472, %add3A_508 : i32
        %get3A_510 = arith.constant 0 : i32
        %get3A_511 = arith.index_cast %get3A_510 : i32 to index
        %get3A_512 = arith.index_cast %add3A_509 : i32 to index
        %get3A_513 = tpu.vector_load %arg6[%get3A_511, %get3A_512] {strides = array<i32>} : memref<2x4096xi32, #tpu.memory_space<vmem>>, vector<16xi32>,
        %add3A_514 = arith.constant 112 : i32
        %add3A_515 = arith.addi %mul3A_472, %add3A_514 : i32
        %get3A_516 = arith.constant 0 : i32
        %get3A_517 = arith.index_cast %get3A_516 : i32 to index
        %get3A_518 = arith.index_cast %add3A_515 : i32 to index
        %get3A_519 = tpu.vector_load %arg6[%get3A_517, %get3A_518] {strides = array<i32>} : memref<2x4096xi32, #tpu.memory_space<vmem>>, vector<16xi32>,
        %add3A_520 = arith.constant 128 : i32
        %add3A_521 = arith.addi %mul3A_472, %add3A_520 : i32
        %get3A_522 = arith.constant 0 : i32
        %get3A_523 = arith.index_cast %get3A_522 : i32 to index
        %get3A_524 = arith.index_cast %add3A_521 : i32 to index
        %get3A_525 = tpu.vector_load %arg6[%get3A_523, %get3A_524] {strides = array<i32>} : memref<2x4096xi32, #tpu.memory_space<vmem>>, vector<16xi32>,
        %add3A_526 = arith.constant 144 : i32
        %add3A_527 = arith.addi %mul3A_472, %add3A_526 : i32
        %get3A_528 = arith.constant 0 : i32
        %get3A_529 = arith.index_cast %get3A_528 : i32 to index
        %get3A_530 = arith.index_cast %add3A_527 : i32 to index
        %get3A_531 = tpu.vector_load %arg6[%get3A_529, %get3A_530] {strides = array<i32>} : memref<2x4096xi32, #tpu.memory_space<vmem>>, vector<16xi32>,
        %add3A_532 = arith.constant 160 : i32
        %add3A_533 = arith.addi %mul3A_472, %add3A_532 : i32
        %get3A_534 = arith.constant 0 : i32
        %get3A_535 = arith.index_cast %get3A_534 : i32 to index
        %get3A_536 = arith.index_cast %add3A_533 : i32 to index
        %get3A_537 = tpu.vector_load %arg6[%get3A_535, %get3A_536] {strides = array<i32>} : memref<2x4096xi32, #tpu.memory_space<vmem>>, vector<16xi32>,
        %add3A_538 = arith.constant 176 : i32
        %add3A_539 = arith.addi %mul3A_472, %add3A_538 : i32
        %get3A_540 = arith.constant 0 : i32
        %get3A_541 = arith.index_cast %get3A_540 : i32 to index
        %get3A_542 = arith.index_cast %add3A_539 : i32 to index
        %get3A_543 = tpu.vector_load %arg6[%get3A_541, %get3A_542] {strides = array<i32>} : memref<2x4096xi32, #tpu.memory_space<vmem>>, vector<16xi32>,
        %add3A_544 = arith.constant 192 : i32
        %add3A_545 = arith.addi %mul3A_472, %add3A_544 : i32
        %get3A_546 = arith.constant 0 : i32
        %get3A_547 = arith.index_cast %get3A_546 : i32 to index
        %get3A_548 = arith.index_cast %add3A_545 : i32 to index
        %get3A_549 = tpu.vector_load %arg6[%get3A_547, %get3A_548] {strides = array<i32>} : memref<2x4096xi32, #tpu.memory_space<vmem>>, vector<16xi32>,
        %add3A_550 = arith.constant 208 : i32
        %add3A_551 = arith.addi %mul3A_472, %add3A_550 : i32
        %get3A_552 = arith.constant 0 : i32
        %get3A_553 = arith.index_cast %get3A_552 : i32 to index
        %get3A_554 = arith.index_cast %add3A_551 : i32 to index
        %get3A_555 = tpu.vector_load %arg6[%get3A_553, %get3A_554] {strides = array<i32>} : memref<2x4096xi32, #tpu.memory_space<vmem>>, vector<16xi32>,
        %add3A_556 = arith.constant 224 : i32
        %add3A_557 = arith.addi %mul3A_472, %add3A_556 : i32
        %get3A_558 = arith.constant 0 : i32
        %get3A_559 = arith.index_cast %get3A_558 : i32 to index
        %get3A_560 = arith.index_cast %add3A_557 : i32 to index
        %get3A_561 = tpu.vector_load %arg6[%get3A_559, %get3A_560] {strides = array<i32>} : memref<2x4096xi32, #tpu.memory_space<vmem>>, vector<16xi32>,
        %add3A_562 = arith.constant 240 : i32
        %add3A_563 = arith.addi %mul3A_472, %add3A_562 : i32
        %get3A_564 = arith.constant 0 : i32
        %get3A_565 = arith.index_cast %get3A_564 : i32 to index
        %get3A_566 = arith.index_cast %add3A_563 : i32 to index
        %get3A_567 = tpu.vector_load %arg6[%get3A_565, %get3A_566] {strides = array<i32>} : memref<2x4096xi32, #tpu.memory_space<vmem>>, vector<16xi32>,
        %gather3A = tpu.vector_load_idx %arg5[%get3A_477] : memref<100000xf32, #tpu.memory_space<vmem>>[vector<16xi32>], vector<16xf32>,
        %gather3A_568 = tpu.vector_load_idx %arg5[%get3A_483] : memref<100000xf32, #tpu.memory_space<vmem>>[vector<16xi32>], vector<16xf32>,
        %gather3A_569 = tpu.vector_load_idx %arg5[%get3A_489] : memref<100000xf32, #tpu.memory_space<vmem>>[vector<16xi32>], vector<16xf32>,
        %gather3A_570 = tpu.vector_load_idx %arg5[%get3A_495] : memref<100000xf32, #tpu.memory_space<vmem>>[vector<16xi32>], vector<16xf32>,
        %gather3A_571 = tpu.vector_load_idx %arg5[%get3A_501] : memref<100000xf32, #tpu.memory_space<vmem>>[vector<16xi32>], vector<16xf32>,
        %gather3A_572 = tpu.vector_load_idx %arg5[%get3A_507] : memref<100000xf32, #tpu.memory_space<vmem>>[vector<16xi32>], vector<16xf32>,
        %gather3A_573 = tpu.vector_load_idx %arg5[%get3A_513] : memref<100000xf32, #tpu.memory_space<vmem>>[vector<16xi32>], vector<16xf32>,
        %gather3A_574 = tpu.vector_load_idx %arg5[%get3A_519] : memref<100000xf32, #tpu.memory_space<vmem>>[vector<16xi32>], vector<16xf32>,
        %gather3A_575 = tpu.vector_load_idx %arg5[%get3A_525] : memref<100000xf32, #tpu.memory_space<vmem>>[vector<16xi32>], vector<16xf32>,
        %gather3A_576 = tpu.vector_load_idx %arg5[%get3A_531] : memref<100000xf32, #tpu.memory_space<vmem>>[vector<16xi32>], vector<16xf32>,
        %gather3A_577 = tpu.vector_load_idx %arg5[%get3A_537] : memref<100000xf32, #tpu.memory_space<vmem>>[vector<16xi32>], vector<16xf32>,
        %gather3A_578 = tpu.vector_load_idx %arg5[%get3A_543] : memref<100000xf32, #tpu.memory_space<vmem>>[vector<16xi32>], vector<16xf32>,
        %gather3A_579 = tpu.vector_load_idx %arg5[%get3A_549] : memref<100000xf32, #tpu.memory_space<vmem>>[vector<16xi32>], vector<16xf32>,
        %gather3A_580 = tpu.vector_load_idx %arg5[%get3A_555] : memref<100000xf32, #tpu.memory_space<vmem>>[vector<16xi32>], vector<16xf32>,
        %gather3A_581 = tpu.vector_load_idx %arg5[%get3A_561] : memref<100000xf32, #tpu.memory_space<vmem>>[vector<16xi32>], vector<16xf32>,
        %gather3A_582 = tpu.vector_load_idx %arg5[%get3A_567] : memref<100000xf32, #tpu.memory_space<vmem>>[vector<16xi32>], vector<16xf32>,
        %add3A_583 = arith.constant 0 : i32
        %add3A_584 = arith.addi %mul3A_472, %add3A_583 : i32
        %swap3A = arith.constant 0 : i32
        %swap3A_585 = arith.index_cast %swap3A : i32 to index
        %swap3A_586 = arith.index_cast %add3A_584 : i32 to index
        %swap3A_587 = tpu.vector_load %arg7[%swap3A_585, %swap3A_586] {strides = array<i32>} : memref<2x4096xf32, #tpu.memory_space<vmem>>, vector<16xf32>,
        tpu.vector_store %arg7[%swap3A_585, %swap3A_586], %gather3A {strides = array<i32>} : memref<2x4096xf32, #tpu.memory_space<vmem>>, vector<16xf32>,
        %add3A_588 = arith.constant 16 : i32
        %add3A_589 = arith.addi %mul3A_472, %add3A_588 : i32
        %swap3A_590 = arith.constant 0 : i32
        %swap3A_591 = arith.index_cast %swap3A_590 : i32 to index
        %swap3A_592 = arith.index_cast %add3A_589 : i32 to index
        %swap3A_593 = tpu.vector_load %arg7[%swap3A_591, %swap3A_592] {strides = array<i32>} : memref<2x4096xf32, #tpu.memory_space<vmem>>, vector<16xf32>,
        tpu.vector_store %arg7[%swap3A_591, %swap3A_592], %gather3A_568 {strides = array<i32>} : memref<2x4096xf32, #tpu.memory_space<vmem>>, vector<16xf32>,
        %add3A_594 = arith.constant 32 : i32
        %add3A_595 = arith.addi %mul3A_472, %add3A_594 : i32
        %swap3A_596 = arith.constant 0 : i32
        %swap3A_597 = arith.index_cast %swap3A_596 : i32 to index
        %swap3A_598 = arith.index_cast %add3A_595 : i32 to index
        %swap3A_599 = tpu.vector_load %arg7[%swap3A_597, %swap3A_598] {strides = array<i32>} : memref<2x4096xf32, #tpu.memory_space<vmem>>, vector<16xf32>,
        tpu.vector_store %arg7[%swap3A_597, %swap3A_598], %gather3A_569 {strides = array<i32>} : memref<2x4096xf32, #tpu.memory_space<vmem>>, vector<16xf32>,
        %add3A_600 = arith.constant 48 : i32
        %add3A_601 = arith.addi %mul3A_472, %add3A_600 : i32
        %swap3A_602 = arith.constant 0 : i32
        %swap3A_603 = arith.index_cast %swap3A_602 : i32 to index
        %swap3A_604 = arith.index_cast %add3A_601 : i32 to index
        %swap3A_605 = tpu.vector_load %arg7[%swap3A_603, %swap3A_604] {strides = array<i32>} : memref<2x4096xf32, #tpu.memory_space<vmem>>, vector<16xf32>,
        tpu.vector_store %arg7[%swap3A_603, %swap3A_604], %gather3A_570 {strides = array<i32>} : memref<2x4096xf32, #tpu.memory_space<vmem>>, vector<16xf32>,
        %add3A_606 = arith.constant 64 : i32
        %add3A_607 = arith.addi %mul3A_472, %add3A_606 : i32
        %swap3A_608 = arith.constant 0 : i32
        %swap3A_609 = arith.index_cast %swap3A_608 : i32 to index
        %swap3A_610 = arith.index_cast %add3A_607 : i32 to index
        %swap3A_611 = tpu.vector_load %arg7[%swap3A_609, %swap3A_610] {strides = array<i32>} : memref<2x4096xf32, #tpu.memory_space<vmem>>, vector<16xf32>,
        tpu.vector_store %arg7[%swap3A_609, %swap3A_610], %gather3A_571 {strides = array<i32>} : memref<2x4096xf32, #tpu.memory_space<vmem>>, vector<16xf32>,
        %add3A_612 = arith.constant 80 : i32
        %add3A_613 = arith.addi %mul3A_472, %add3A_612 : i32
        %swap3A_614 = arith.constant 0 : i32
        %swap3A_615 = arith.index_cast %swap3A_614 : i32 to index
        %swap3A_616 = arith.index_cast %add3A_613 : i32 to index
        %swap3A_617 = tpu.vector_load %arg7[%swap3A_615, %swap3A_616] {strides = array<i32>} : memref<2x4096xf32, #tpu.memory_space<vmem>>, vector<16xf32>,
        tpu.vector_store %arg7[%swap3A_615, %swap3A_616], %gather3A_572 {strides = array<i32>} : memref<2x4096xf32, #tpu.memory_space<vmem>>, vector<16xf32>,
        %add3A_618 = arith.constant 96 : i32
        %add3A_619 = arith.addi %mul3A_472, %add3A_618 : i32
        %swap3A_620 = arith.constant 0 : i32
        %swap3A_621 = arith.index_cast %swap3A_620 : i32 to index
        %swap3A_622 = arith.index_cast %add3A_619 : i32 to index
        %swap3A_623 = tpu.vector_load %arg7[%swap3A_621, %swap3A_622] {strides = array<i32>} : memref<2x4096xf32, #tpu.memory_space<vmem>>, vector<16xf32>,
        tpu.vector_store %arg7[%swap3A_621, %swap3A_622], %gather3A_573 {strides = array<i32>} : memref<2x4096xf32, #tpu.memory_space<vmem>>, vector<16xf32>,
        %add3A_624 = arith.constant 112 : i32
        %add3A_625 = arith.addi %mul3A_472, %add3A_624 : i32
        %swap3A_626 = arith.constant 0 : i32
        %swap3A_627 = arith.index_cast %swap3A_626 : i32 to index
        %swap3A_628 = arith.index_cast %add3A_625 : i32 to index
        %swap3A_629 = tpu.vector_load %arg7[%swap3A_627, %swap3A_628] {strides = array<i32>} : memref<2x4096xf32, #tpu.memory_space<vmem>>, vector<16xf32>,
        tpu.vector_store %arg7[%swap3A_627, %swap3A_628], %gather3A_574 {strides = array<i32>} : memref<2x4096xf32, #tpu.memory_space<vmem>>, vector<16xf32>,
        %add3A_630 = arith.constant 128 : i32
        %add3A_631 = arith.addi %mul3A_472, %add3A_630 : i32
        %swap3A_632 = arith.constant 0 : i32
        %swap3A_633 = arith.index_cast %swap3A_632 : i32 to index
        %swap3A_634 = arith.index_cast %add3A_631 : i32 to index
        %swap3A_635 = tpu.vector_load %arg7[%swap3A_633, %swap3A_634] {strides = array<i32>} : memref<2x4096xf32, #tpu.memory_space<vmem>>, vector<16xf32>,
        tpu.vector_store %arg7[%swap3A_633, %swap3A_634], %gather3A_575 {strides = array<i32>} : memref<2x4096xf32, #tpu.memory_space<vmem>>, vector<16xf32>,
        %add3A_636 = arith.constant 144 : i32
        %add3A_637 = arith.addi %mul3A_472, %add3A_636 : i32
        %swap3A_638 = arith.constant 0 : i32
        %swap3A_639 = arith.index_cast %swap3A_638 : i32 to index
        %swap3A_640 = arith.index_cast %add3A_637 : i32 to index
        %swap3A_641 = tpu.vector_load %arg7[%swap3A_639, %swap3A_640] {strides = array<i32>} : memref<2x4096xf32, #tpu.memory_space<vmem>>, vector<16xf32>,
        tpu.vector_store %arg7[%swap3A_639, %swap3A_640], %gather3A_576 {strides = array<i32>} : memref<2x4096xf32, #tpu.memory_space<vmem>>, vector<16xf32>,
        %add3A_642 = arith.constant 160 : i32
        %add3A_643 = arith.addi %mul3A_472, %add3A_642 : i32
        %swap3A_644 = arith.constant 0 : i32
        %swap3A_645 = arith.index_cast %swap3A_644 : i32 to index
        %swap3A_646 = arith.index_cast %add3A_643 : i32 to index
        %swap3A_647 = tpu.vector_load %arg7[%swap3A_645, %swap3A_646] {strides = array<i32>} : memref<2x4096xf32, #tpu.memory_space<vmem>>, vector<16xf32>,
        tpu.vector_store %arg7[%swap3A_645, %swap3A_646], %gather3A_577 {strides = array<i32>} : memref<2x4096xf32, #tpu.memory_space<vmem>>, vector<16xf32>,
        %add3A_648 = arith.constant 176 : i32
        %add3A_649 = arith.addi %mul3A_472, %add3A_648 : i32
        %swap3A_650 = arith.constant 0 : i32
        %swap3A_651 = arith.index_cast %swap3A_650 : i32 to index
        %swap3A_652 = arith.index_cast %add3A_649 : i32 to index
        %swap3A_653 = tpu.vector_load %arg7[%swap3A_651, %swap3A_652] {strides = array<i32>} : memref<2x4096xf32, #tpu.memory_space<vmem>>, vector<16xf32>,
        tpu.vector_store %arg7[%swap3A_651, %swap3A_652], %gather3A_578 {strides = array<i32>} : memref<2x4096xf32, #tpu.memory_space<vmem>>, vector<16xf32>,
        %add3A_654 = arith.constant 192 : i32
        %add3A_655 = arith.addi %mul3A_472, %add3A_654 : i32
        %swap3A_656 = arith.constant 0 : i32
        %swap3A_657 = arith.index_cast %swap3A_656 : i32 to index
        %swap3A_658 = arith.index_cast %add3A_655 : i32 to index
        %swap3A_659 = tpu.vector_load %arg7[%swap3A_657, %swap3A_658] {strides = array<i32>} : memref<2x4096xf32, #tpu.memory_space<vmem>>, vector<16xf32>,
        tpu.vector_store %arg7[%swap3A_657, %swap3A_658], %gather3A_579 {strides = array<i32>} : memref<2x4096xf32, #tpu.memory_space<vmem>>, vector<16xf32>,
        %add3A_660 = arith.constant 208 : i32
        %add3A_661 = arith.addi %mul3A_472, %add3A_660 : i32
        %swap3A_662 = arith.constant 0 : i32
        %swap3A_663 = arith.index_cast %swap3A_662 : i32 to index
        %swap3A_664 = arith.index_cast %add3A_661 : i32 to index
        %swap3A_665 = tpu.vector_load %arg7[%swap3A_663, %swap3A_664] {strides = array<i32>} : memref<2x4096xf32, #tpu.memory_space<vmem>>, vector<16xf32>,
        tpu.vector_store %arg7[%swap3A_663, %swap3A_664], %gather3A_580 {strides = array<i32>} : memref<2x4096xf32, #tpu.memory_space<vmem>>, vector<16xf32>,
        %add3A_666 = arith.constant 224 : i32
        %add3A_667 = arith.addi %mul3A_472, %add3A_666 : i32
        %swap3A_668 = arith.constant 0 : i32
        %swap3A_669 = arith.index_cast %swap3A_668 : i32 to index
        %swap3A_670 = arith.index_cast %add3A_667 : i32 to index
        %swap3A_671 = tpu.vector_load %arg7[%swap3A_669, %swap3A_670] {strides = array<i32>} : memref<2x4096xf32, #tpu.memory_space<vmem>>, vector<16xf32>,
        tpu.vector_store %arg7[%swap3A_669, %swap3A_670], %gather3A_581 {strides = array<i32>} : memref<2x4096xf32, #tpu.memory_space<vmem>>, vector<16xf32>,
        %add3A_672 = arith.constant 240 : i32
        %add3A_673 = arith.addi %mul3A_472, %add3A_672 : i32
        %swap3A_674 = arith.constant 0 : i32
        %swap3A_675 = arith.index_cast %swap3A_674 : i32 to index
        %swap3A_676 = arith.index_cast %add3A_673 : i32 to index
        %swap3A_677 = tpu.vector_load %arg7[%swap3A_675, %swap3A_676] {strides = array<i32>} : memref<2x4096xf32, #tpu.memory_space<vmem>>, vector<16xf32>,
        tpu.vector_store %arg7[%swap3A_675, %swap3A_676], %gather3A_582 {strides = array<i32>} : memref<2x4096xf32, #tpu.memory_space<vmem>>, vector<16xf32>,
      }
      %scan3A_288 = arith.constant 16 : i32
      %dma_start3A_289 = arith.constant 0 : i32
      %dma_start3A_290 = arith.constant 0 : i32
      %dma_start3A_291 = tpu.memref_slice %arg7[%dma_start3A_289, %dma_start3A_290] : memref<2x4096xf32, #tpu.memory_space<vmem>> -> memref<1x4096xf32, #tpu.memory_space<vmem>>
      %dma_start3A_292 = tpu.memref_squeeze %dma_start3A_291 : memref<1x4096xf32, #tpu.memory_space<vmem>> -> memref<4096xf32, #tpu.memory_space<vmem>>
      %dma_start3A_293 = arith.constant 0 : i32
      %dma_start3A_294 = tpu.memref_slice %arg4[%scan3A_254, %add3A, %dma_start3A_293] : memref<26x32x16384xf32, #tpu.memory_space<hbm>> -> memref<1x1x4096xf32, #tpu.memory_space<hbm>>
      %dma_start3A_295 = tpu.memref_squeeze %dma_start3A_294 : memref<1x1x4096xf32, #tpu.memory_space<hbm>> -> memref<4096xf32, #tpu.memory_space<hbm>>
      %dma_start3A_296 = arith.constant 0 : i32
      %dma_start3A_297 = tpu.memref_slice %arg4[%scan3A_254, %add3A, %dma_start3A_296] : memref<26x32x16384xf32, #tpu.memory_space<hbm>> -> memref<1x1x4096xf32, #tpu.memory_space<hbm>>
      %dma_start3A_298 = tpu.memref_squeeze %dma_start3A_297 : memref<1x1x4096xf32, #tpu.memory_space<hbm>> -> memref<4096xf32, #tpu.memory_space<hbm>>
      %dma_start3A_299 = arith.constant 0 : i32
      %dma_start3A_300 = tpu.memref_slice %arg7[%dma_start3A_289, %dma_start3A_299] : memref<2x4096xf32, #tpu.memory_space<vmem>> -> memref<1x4096xf32, #tpu.memory_space<vmem>>
      %dma_start3A_301 = tpu.memref_squeeze %dma_start3A_300 : memref<1x4096xf32, #tpu.memory_space<vmem>> -> memref<4096xf32, #tpu.memory_space<vmem>>
      tpu.enqueue_dma source(%dma_start3A_301 : memref<4096xf32, #tpu.memory_space<vmem>>) target(%dma_start3A_298 : memref<4096xf32, #tpu.memory_space<hbm>>) target_semaphore(%arg9 : memref<!tpu.dma_semaphore, #tpu.memory_space<semaphore_mem>>)
      %add3A_302 = arith.constant 0 : i32
      %add3A_303 = arith.addi %mul3A_256, %add3A_302 : i32
      %add3A_304 = arith.constant 2 : i32
      %add3A_305 = arith.addi %add3A_303, %add3A_304 : i32
      %lt3A = arith.constant 104 : i32
      %lt3A_306 = arith.cmpi slt, %add3A_305, %lt3A : i32
      %convert_element_type3A = arith.extui %lt3A_306 : i1 to i32
      %cond3A = arith.constant 0 : i32
      %cond3A_307 = arith.cmpi ne, %convert_element_type3A, %cond3A : i32
      scf.if %cond3A_307 {
        %mul3A_470 = arith.constant 4096 : i32
        %mul3A_471 = arith.muli %add3A_305, %mul3A_470 : i32
        %dma_start3A_472 = arith.constant 0 : i32
        %dma_start3A_473 = arith.constant 0 : i32
        %dma_start3A_474 = tpu.memref_slice %arg6[%dma_start3A_472, %dma_start3A_473] : memref<2x4096xi32, #tpu.memory_space<vmem>> -> memref<1x4096xi32, #tpu.memory_space<vmem>>
        %dma_start3A_475 = tpu.memref_squeeze %dma_start3A_474 : memref<1x4096xi32, #tpu.memory_space<vmem>> -> memref<4096xi32, #tpu.memory_space<vmem>>
        %dma_start3A_476 = tpu.memref_slice %arg2[%mul3A_471] : memref<425984xi32, #tpu.memory_space<hbm>> -> memref<4096xi32, #tpu.memory_space<hbm>>
        %dma_start3A_477 = arith.constant 0 : i32
        %dma_start3A_478 = tpu.memref_slice %arg6[%dma_start3A_472, %dma_start3A_477] : memref<2x4096xi32, #tpu.memory_space<vmem>> -> memref<1x4096xi32, #tpu.memory_space<vmem>>
        %dma_start3A_479 = tpu.memref_squeeze %dma_start3A_478 : memref<1x4096xi32, #tpu.memory_space<vmem>> -> memref<4096xi32, #tpu.memory_space<vmem>>
        %dma_start3A_480 = tpu.memref_slice %arg2[%mul3A_471] : memref<425984xi32, #tpu.memory_space<hbm>> -> memref<4096xi32, #tpu.memory_space<hbm>>
        tpu.enqueue_dma source(%dma_start3A_480 : memref<4096xi32, #tpu.memory_space<hbm>>) target(%dma_start3A_479 : memref<4096xi32, #tpu.memory_space<vmem>>) target_semaphore(%arg8 : memref<!tpu.dma_semaphore, #tpu.memory_space<semaphore_mem>>)
      } else {
      }
      %dma_wait3A_308 = arith.constant 1 : i32
      %dma_wait3A_309 = arith.constant 0 : i32
      %dma_wait3A_310 = tpu.memref_slice %arg6[%dma_wait3A_308, %dma_wait3A_309] : memref<2x4096xi32, #tpu.memory_space<vmem>> -> memref<1x4096xi32, #tpu.memory_space<vmem>>
      %dma_wait3A_311 = tpu.memref_squeeze %dma_wait3A_310 : memref<1x4096xi32, #tpu.memory_space<vmem>> -> memref<4096xi32, #tpu.memory_space<vmem>>
      %dma_wait3A_312 = arith.constant 0 : i32
      %dma_wait3A_313 = tpu.memref_slice %arg2[%dma_wait3A_312] : memref<425984xi32, #tpu.memory_space<hbm>> -> memref<4096xi32, #tpu.memory_space<hbm>>
      %dma_wait3A_314 = arith.constant 0 : i32
      %dma_wait3A_315 = tpu.memref_slice %arg6[%dma_wait3A_308, %dma_wait3A_314] : memref<2x4096xi32, #tpu.memory_space<vmem>> -> memref<1x4096xi32, #tpu.memory_space<vmem>>
      %dma_wait3A_316 = tpu.memref_squeeze %dma_wait3A_315 : memref<1x4096xi32, #tpu.memory_space<vmem>> -> memref<4096xi32, #tpu.memory_space<vmem>>
      %dma_wait3A_317 = arith.constant 0 : i32
      %dma_wait3A_318 = tpu.memref_slice %arg2[%dma_wait3A_317] : memref<425984xi32, #tpu.memory_space<hbm>> -> memref<4096xi32, #tpu.memory_space<hbm>>
      tpu.wait_dma2 semaphore(%arg8 : memref<!tpu.dma_semaphore, #tpu.memory_space<semaphore_mem>>) src(%dma_wait3A_318 : memref<4096xi32, #tpu.memory_space<hbm>>) dst(%dma_wait3A_316 : memref<4096xi32, #tpu.memory_space<vmem>>)
      %dma_wait3A_319 = arith.constant 1 : i32
      %dma_wait3A_320 = arith.constant 0 : i32
      %dma_wait3A_321 = arith.constant 0 : i32
      %dma_wait3A_322 = arith.constant 0 : i32
      %dma_wait3A_323 = tpu.memref_slice %arg7[%dma_wait3A_319, %dma_wait3A_322] : memref<2x4096xf32, #tpu.memory_space<vmem>> -> memref<1x4096xf32, #tpu.memory_space<vmem>>
      %dma_wait3A_324 = tpu.memref_squeeze %dma_wait3A_323 : memref<1x4096xf32, #tpu.memory_space<vmem>> -> memref<4096xf32, #tpu.memory_space<vmem>>
      %dma_wait3A_325 = arith.constant 0 : i32
      %dma_wait3A_326 = tpu.memref_slice %arg4[%dma_wait3A_320, %dma_wait3A_321, %dma_wait3A_325] : memref<26x32x16384xf32, #tpu.memory_space<hbm>> -> memref<1x1x4096xf32, #tpu.memory_space<hbm>>
      %dma_wait3A_327 = tpu.memref_squeeze %dma_wait3A_326 : memref<1x1x4096xf32, #tpu.memory_space<hbm>> -> memref<4096xf32, #tpu.memory_space<hbm>>
      %dma_wait3A_328 = arith.constant 0 : i32
      %dma_wait3A_329 = tpu.memref_slice %arg4[%dma_wait3A_320, %dma_wait3A_321, %dma_wait3A_328] : memref<26x32x16384xf32, #tpu.memory_space<hbm>> -> memref<1x1x4096xf32, #tpu.memory_space<hbm>>
      %dma_wait3A_330 = tpu.memref_squeeze %dma_wait3A_329 : memref<1x1x4096xf32, #tpu.memory_space<hbm>> -> memref<4096xf32, #tpu.memory_space<hbm>>
      %dma_wait3A_331 = arith.constant 0 : i32
      %dma_wait3A_332 = tpu.memref_slice %arg7[%dma_wait3A_319, %dma_wait3A_331] : memref<2x4096xf32, #tpu.memory_space<vmem>> -> memref<1x4096xf32, #tpu.memory_space<vmem>>
      %dma_wait3A_333 = tpu.memref_squeeze %dma_wait3A_332 : memref<1x4096xf32, #tpu.memory_space<vmem>> -> memref<4096xf32, #tpu.memory_space<vmem>>
      tpu.wait_dma2 semaphore(%arg9 : memref<!tpu.dma_semaphore, #tpu.memory_space<semaphore_mem>>) src(%dma_wait3A_333 : memref<4096xf32, #tpu.memory_space<vmem>>) dst(%dma_wait3A_330 : memref<4096xf32, #tpu.memory_space<hbm>>)
      %scan3A_334 = arith.constant 0 : i32
      %scan3A_335 = arith.constant 0 : i32
      %scan3A_336 = arith.constant 16 : i32
      %scan3A_337 = arith.addi %scan3A_335, %scan3A_336 : i32
      %scan3A_338 = arith.constant 1 : i32
      scf.for %scan3A_470 = %scan3A_335 to %scan3A_337 step %scan3A_338  : i32 {
        %mul3A_471 = arith.constant 256 : i32
        %mul3A_472 = arith.muli %scan3A_470, %mul3A_471 : i32
        %add3A_473 = arith.constant 0 : i32
        %add3A_474 = arith.addi %mul3A_472, %add3A_473 : i32
        %get3A = arith.constant 1 : i32
        %get3A_475 = arith.index_cast %get3A : i32 to index
        %get3A_476 = arith.index_cast %add3A_474 : i32 to index
        %get3A_477 = tpu.vector_load %arg6[%get3A_475, %get3A_476] {strides = array<i32>} : memref<2x4096xi32, #tpu.memory_space<vmem>>, vector<16xi32>,
        %add3A_478 = arith.constant 16 : i32
        %add3A_479 = arith.addi %mul3A_472, %add3A_478 : i32
        %get3A_480 = arith.constant 1 : i32
        %get3A_481 = arith.index_cast %get3A_480 : i32 to index
        %get3A_482 = arith.index_cast %add3A_479 : i32 to index
        %get3A_483 = tpu.vector_load %arg6[%get3A_481, %get3A_482] {strides = array<i32>} : memref<2x4096xi32, #tpu.memory_space<vmem>>, vector<16xi32>,
        %add3A_484 = arith.constant 32 : i32
        %add3A_485 = arith.addi %mul3A_472, %add3A_484 : i32
        %get3A_486 = arith.constant 1 : i32
        %get3A_487 = arith.index_cast %get3A_486 : i32 to index
        %get3A_488 = arith.index_cast %add3A_485 : i32 to index
        %get3A_489 = tpu.vector_load %arg6[%get3A_487, %get3A_488] {strides = array<i32>} : memref<2x4096xi32, #tpu.memory_space<vmem>>, vector<16xi32>,
        %add3A_490 = arith.constant 48 : i32
        %add3A_491 = arith.addi %mul3A_472, %add3A_490 : i32
        %get3A_492 = arith.constant 1 : i32
        %get3A_493 = arith.index_cast %get3A_492 : i32 to index
        %get3A_494 = arith.index_cast %add3A_491 : i32 to index
        %get3A_495 = tpu.vector_load %arg6[%get3A_493, %get3A_494] {strides = array<i32>} : memref<2x4096xi32, #tpu.memory_space<vmem>>, vector<16xi32>,
        %add3A_496 = arith.constant 64 : i32
        %add3A_497 = arith.addi %mul3A_472, %add3A_496 : i32
        %get3A_498 = arith.constant 1 : i32
        %get3A_499 = arith.index_cast %get3A_498 : i32 to index
        %get3A_500 = arith.index_cast %add3A_497 : i32 to index
        %get3A_501 = tpu.vector_load %arg6[%get3A_499, %get3A_500] {strides = array<i32>} : memref<2x4096xi32, #tpu.memory_space<vmem>>, vector<16xi32>,
        %add3A_502 = arith.constant 80 : i32
        %add3A_503 = arith.addi %mul3A_472, %add3A_502 : i32
        %get3A_504 = arith.constant 1 : i32
        %get3A_505 = arith.index_cast %get3A_504 : i32 to index
        %get3A_506 = arith.index_cast %add3A_503 : i32 to index
        %get3A_507 = tpu.vector_load %arg6[%get3A_505, %get3A_506] {strides = array<i32>} : memref<2x4096xi32, #tpu.memory_space<vmem>>, vector<16xi32>,
        %add3A_508 = arith.constant 96 : i32
        %add3A_509 = arith.addi %mul3A_472, %add3A_508 : i32
        %get3A_510 = arith.constant 1 : i32
        %get3A_511 = arith.index_cast %get3A_510 : i32 to index
        %get3A_512 = arith.index_cast %add3A_509 : i32 to index
        %get3A_513 = tpu.vector_load %arg6[%get3A_511, %get3A_512] {strides = array<i32>} : memref<2x4096xi32, #tpu.memory_space<vmem>>, vector<16xi32>,
        %add3A_514 = arith.constant 112 : i32
        %add3A_515 = arith.addi %mul3A_472, %add3A_514 : i32
        %get3A_516 = arith.constant 1 : i32
        %get3A_517 = arith.index_cast %get3A_516 : i32 to index
        %get3A_518 = arith.index_cast %add3A_515 : i32 to index
        %get3A_519 = tpu.vector_load %arg6[%get3A_517, %get3A_518] {strides = array<i32>} : memref<2x4096xi32, #tpu.memory_space<vmem>>, vector<16xi32>,
        %add3A_520 = arith.constant 128 : i32
        %add3A_521 = arith.addi %mul3A_472, %add3A_520 : i32
        %get3A_522 = arith.constant 1 : i32
        %get3A_523 = arith.index_cast %get3A_522 : i32 to index
        %get3A_524 = arith.index_cast %add3A_521 : i32 to index
        %get3A_525 = tpu.vector_load %arg6[%get3A_523, %get3A_524] {strides = array<i32>} : memref<2x4096xi32, #tpu.memory_space<vmem>>, vector<16xi32>,
        %add3A_526 = arith.constant 144 : i32
        %add3A_527 = arith.addi %mul3A_472, %add3A_526 : i32
        %get3A_528 = arith.constant 1 : i32
        %get3A_529 = arith.index_cast %get3A_528 : i32 to index
        %get3A_530 = arith.index_cast %add3A_527 : i32 to index
        %get3A_531 = tpu.vector_load %arg6[%get3A_529, %get3A_530] {strides = array<i32>} : memref<2x4096xi32, #tpu.memory_space<vmem>>, vector<16xi32>,
        %add3A_532 = arith.constant 160 : i32
        %add3A_533 = arith.addi %mul3A_472, %add3A_532 : i32
        %get3A_534 = arith.constant 1 : i32
        %get3A_535 = arith.index_cast %get3A_534 : i32 to index
        %get3A_536 = arith.index_cast %add3A_533 : i32 to index
        %get3A_537 = tpu.vector_load %arg6[%get3A_535, %get3A_536] {strides = array<i32>} : memref<2x4096xi32, #tpu.memory_space<vmem>>, vector<16xi32>,
        %add3A_538 = arith.constant 176 : i32
        %add3A_539 = arith.addi %mul3A_472, %add3A_538 : i32
        %get3A_540 = arith.constant 1 : i32
        %get3A_541 = arith.index_cast %get3A_540 : i32 to index
        %get3A_542 = arith.index_cast %add3A_539 : i32 to index
        %get3A_543 = tpu.vector_load %arg6[%get3A_541, %get3A_542] {strides = array<i32>} : memref<2x4096xi32, #tpu.memory_space<vmem>>, vector<16xi32>,
        %add3A_544 = arith.constant 192 : i32
        %add3A_545 = arith.addi %mul3A_472, %add3A_544 : i32
        %get3A_546 = arith.constant 1 : i32
        %get3A_547 = arith.index_cast %get3A_546 : i32 to index
        %get3A_548 = arith.index_cast %add3A_545 : i32 to index
        %get3A_549 = tpu.vector_load %arg6[%get3A_547, %get3A_548] {strides = array<i32>} : memref<2x4096xi32, #tpu.memory_space<vmem>>, vector<16xi32>,
        %add3A_550 = arith.constant 208 : i32
        %add3A_551 = arith.addi %mul3A_472, %add3A_550 : i32
        %get3A_552 = arith.constant 1 : i32
        %get3A_553 = arith.index_cast %get3A_552 : i32 to index
        %get3A_554 = arith.index_cast %add3A_551 : i32 to index
        %get3A_555 = tpu.vector_load %arg6[%get3A_553, %get3A_554] {strides = array<i32>} : memref<2x4096xi32, #tpu.memory_space<vmem>>, vector<16xi32>,
        %add3A_556 = arith.constant 224 : i32
        %add3A_557 = arith.addi %mul3A_472, %add3A_556 : i32
        %get3A_558 = arith.constant 1 : i32
        %get3A_559 = arith.index_cast %get3A_558 : i32 to index
        %get3A_560 = arith.index_cast %add3A_557 : i32 to index
        %get3A_561 = tpu.vector_load %arg6[%get3A_559, %get3A_560] {strides = array<i32>} : memref<2x4096xi32, #tpu.memory_space<vmem>>, vector<16xi32>,
        %add3A_562 = arith.constant 240 : i32
        %add3A_563 = arith.addi %mul3A_472, %add3A_562 : i32
        %get3A_564 = arith.constant 1 : i32
        %get3A_565 = arith.index_cast %get3A_564 : i32 to index
        %get3A_566 = arith.index_cast %add3A_563 : i32 to index
        %get3A_567 = tpu.vector_load %arg6[%get3A_565, %get3A_566] {strides = array<i32>} : memref<2x4096xi32, #tpu.memory_space<vmem>>, vector<16xi32>,
        %gather3A = tpu.vector_load_idx %arg5[%get3A_477] : memref<100000xf32, #tpu.memory_space<vmem>>[vector<16xi32>], vector<16xf32>,
        %gather3A_568 = tpu.vector_load_idx %arg5[%get3A_483] : memref<100000xf32, #tpu.memory_space<vmem>>[vector<16xi32>], vector<16xf32>,
        %gather3A_569 = tpu.vector_load_idx %arg5[%get3A_489] : memref<100000xf32, #tpu.memory_space<vmem>>[vector<16xi32>], vector<16xf32>,
        %gather3A_570 = tpu.vector_load_idx %arg5[%get3A_495] : memref<100000xf32, #tpu.memory_space<vmem>>[vector<16xi32>], vector<16xf32>,
        %gather3A_571 = tpu.vector_load_idx %arg5[%get3A_501] : memref<100000xf32, #tpu.memory_space<vmem>>[vector<16xi32>], vector<16xf32>,
        %gather3A_572 = tpu.vector_load_idx %arg5[%get3A_507] : memref<100000xf32, #tpu.memory_space<vmem>>[vector<16xi32>], vector<16xf32>,
        %gather3A_573 = tpu.vector_load_idx %arg5[%get3A_513] : memref<100000xf32, #tpu.memory_space<vmem>>[vector<16xi32>], vector<16xf32>,
        %gather3A_574 = tpu.vector_load_idx %arg5[%get3A_519] : memref<100000xf32, #tpu.memory_space<vmem>>[vector<16xi32>], vector<16xf32>,
        %gather3A_575 = tpu.vector_load_idx %arg5[%get3A_525] : memref<100000xf32, #tpu.memory_space<vmem>>[vector<16xi32>], vector<16xf32>,
        %gather3A_576 = tpu.vector_load_idx %arg5[%get3A_531] : memref<100000xf32, #tpu.memory_space<vmem>>[vector<16xi32>], vector<16xf32>,
        %gather3A_577 = tpu.vector_load_idx %arg5[%get3A_537] : memref<100000xf32, #tpu.memory_space<vmem>>[vector<16xi32>], vector<16xf32>,
        %gather3A_578 = tpu.vector_load_idx %arg5[%get3A_543] : memref<100000xf32, #tpu.memory_space<vmem>>[vector<16xi32>], vector<16xf32>,
        %gather3A_579 = tpu.vector_load_idx %arg5[%get3A_549] : memref<100000xf32, #tpu.memory_space<vmem>>[vector<16xi32>], vector<16xf32>,
        %gather3A_580 = tpu.vector_load_idx %arg5[%get3A_555] : memref<100000xf32, #tpu.memory_space<vmem>>[vector<16xi32>], vector<16xf32>,
        %gather3A_581 = tpu.vector_load_idx %arg5[%get3A_561] : memref<100000xf32, #tpu.memory_space<vmem>>[vector<16xi32>], vector<16xf32>,
        %gather3A_582 = tpu.vector_load_idx %arg5[%get3A_567] : memref<100000xf32, #tpu.memory_space<vmem>>[vector<16xi32>], vector<16xf32>,
        %add3A_583 = arith.constant 0 : i32
        %add3A_584 = arith.addi %mul3A_472, %add3A_583 : i32
        %swap3A = arith.constant 1 : i32
        %swap3A_585 = arith.index_cast %swap3A : i32 to index
        %swap3A_586 = arith.index_cast %add3A_584 : i32 to index
        %swap3A_587 = tpu.vector_load %arg7[%swap3A_585, %swap3A_586] {strides = array<i32>} : memref<2x4096xf32, #tpu.memory_space<vmem>>, vector<16xf32>,
        tpu.vector_store %arg7[%swap3A_585, %swap3A_586], %gather3A {strides = array<i32>} : memref<2x4096xf32, #tpu.memory_space<vmem>>, vector<16xf32>,
        %add3A_588 = arith.constant 16 : i32
        %add3A_589 = arith.addi %mul3A_472, %add3A_588 : i32
        %swap3A_590 = arith.constant 1 : i32
        %swap3A_591 = arith.index_cast %swap3A_590 : i32 to index
        %swap3A_592 = arith.index_cast %add3A_589 : i32 to index
        %swap3A_593 = tpu.vector_load %arg7[%swap3A_591, %swap3A_592] {strides = array<i32>} : memref<2x4096xf32, #tpu.memory_space<vmem>>, vector<16xf32>,
        tpu.vector_store %arg7[%swap3A_591, %swap3A_592], %gather3A_568 {strides = array<i32>} : memref<2x4096xf32, #tpu.memory_space<vmem>>, vector<16xf32>,
        %add3A_594 = arith.constant 32 : i32
        %add3A_595 = arith.addi %mul3A_472, %add3A_594 : i32
        %swap3A_596 = arith.constant 1 : i32
        %swap3A_597 = arith.index_cast %swap3A_596 : i32 to index
        %swap3A_598 = arith.index_cast %add3A_595 : i32 to index
        %swap3A_599 = tpu.vector_load %arg7[%swap3A_597, %swap3A_598] {strides = array<i32>} : memref<2x4096xf32, #tpu.memory_space<vmem>>, vector<16xf32>,
        tpu.vector_store %arg7[%swap3A_597, %swap3A_598], %gather3A_569 {strides = array<i32>} : memref<2x4096xf32, #tpu.memory_space<vmem>>, vector<16xf32>,
        %add3A_600 = arith.constant 48 : i32
        %add3A_601 = arith.addi %mul3A_472, %add3A_600 : i32
        %swap3A_602 = arith.constant 1 : i32
        %swap3A_603 = arith.index_cast %swap3A_602 : i32 to index
        %swap3A_604 = arith.index_cast %add3A_601 : i32 to index
        %swap3A_605 = tpu.vector_load %arg7[%swap3A_603, %swap3A_604] {strides = array<i32>} : memref<2x4096xf32, #tpu.memory_space<vmem>>, vector<16xf32>,
        tpu.vector_store %arg7[%swap3A_603, %swap3A_604], %gather3A_570 {strides = array<i32>} : memref<2x4096xf32, #tpu.memory_space<vmem>>, vector<16xf32>,
        %add3A_606 = arith.constant 64 : i32
        %add3A_607 = arith.addi %mul3A_472, %add3A_606 : i32
        %swap3A_608 = arith.constant 1 : i32
        %swap3A_609 = arith.index_cast %swap3A_608 : i32 to index
        %swap3A_610 = arith.index_cast %add3A_607 : i32 to index
        %swap3A_611 = tpu.vector_load %arg7[%swap3A_609, %swap3A_610] {strides = array<i32>} : memref<2x4096xf32, #tpu.memory_space<vmem>>, vector<16xf32>,
        tpu.vector_store %arg7[%swap3A_609, %swap3A_610], %gather3A_571 {strides = array<i32>} : memref<2x4096xf32, #tpu.memory_space<vmem>>, vector<16xf32>,
        %add3A_612 = arith.constant 80 : i32
        %add3A_613 = arith.addi %mul3A_472, %add3A_612 : i32
        %swap3A_614 = arith.constant 1 : i32
        %swap3A_615 = arith.index_cast %swap3A_614 : i32 to index
        %swap3A_616 = arith.index_cast %add3A_613 : i32 to index
        %swap3A_617 = tpu.vector_load %arg7[%swap3A_615, %swap3A_616] {strides = array<i32>} : memref<2x4096xf32, #tpu.memory_space<vmem>>, vector<16xf32>,
        tpu.vector_store %arg7[%swap3A_615, %swap3A_616], %gather3A_572 {strides = array<i32>} : memref<2x4096xf32, #tpu.memory_space<vmem>>, vector<16xf32>,
        %add3A_618 = arith.constant 96 : i32
        %add3A_619 = arith.addi %mul3A_472, %add3A_618 : i32
        %swap3A_620 = arith.constant 1 : i32
        %swap3A_621 = arith.index_cast %swap3A_620 : i32 to index
        %swap3A_622 = arith.index_cast %add3A_619 : i32 to index
        %swap3A_623 = tpu.vector_load %arg7[%swap3A_621, %swap3A_622] {strides = array<i32>} : memref<2x4096xf32, #tpu.memory_space<vmem>>, vector<16xf32>,
        tpu.vector_store %arg7[%swap3A_621, %swap3A_622], %gather3A_573 {strides = array<i32>} : memref<2x4096xf32, #tpu.memory_space<vmem>>, vector<16xf32>,
        %add3A_624 = arith.constant 112 : i32
        %add3A_625 = arith.addi %mul3A_472, %add3A_624 : i32
        %swap3A_626 = arith.constant 1 : i32
        %swap3A_627 = arith.index_cast %swap3A_626 : i32 to index
        %swap3A_628 = arith.index_cast %add3A_625 : i32 to index
        %swap3A_629 = tpu.vector_load %arg7[%swap3A_627, %swap3A_628] {strides = array<i32>} : memref<2x4096xf32, #tpu.memory_space<vmem>>, vector<16xf32>,
        tpu.vector_store %arg7[%swap3A_627, %swap3A_628], %gather3A_574 {strides = array<i32>} : memref<2x4096xf32, #tpu.memory_space<vmem>>, vector<16xf32>,
        %add3A_630 = arith.constant 128 : i32
        %add3A_631 = arith.addi %mul3A_472, %add3A_630 : i32
        %swap3A_632 = arith.constant 1 : i32
        %swap3A_633 = arith.index_cast %swap3A_632 : i32 to index
        %swap3A_634 = arith.index_cast %add3A_631 : i32 to index
        %swap3A_635 = tpu.vector_load %arg7[%swap3A_633, %swap3A_634] {strides = array<i32>} : memref<2x4096xf32, #tpu.memory_space<vmem>>, vector<16xf32>,
        tpu.vector_store %arg7[%swap3A_633, %swap3A_634], %gather3A_575 {strides = array<i32>} : memref<2x4096xf32, #tpu.memory_space<vmem>>, vector<16xf32>,
        %add3A_636 = arith.constant 144 : i32
        %add3A_637 = arith.addi %mul3A_472, %add3A_636 : i32
        %swap3A_638 = arith.constant 1 : i32
        %swap3A_639 = arith.index_cast %swap3A_638 : i32 to index
        %swap3A_640 = arith.index_cast %add3A_637 : i32 to index
        %swap3A_641 = tpu.vector_load %arg7[%swap3A_639, %swap3A_640] {strides = array<i32>} : memref<2x4096xf32, #tpu.memory_space<vmem>>, vector<16xf32>,
        tpu.vector_store %arg7[%swap3A_639, %swap3A_640], %gather3A_576 {strides = array<i32>} : memref<2x4096xf32, #tpu.memory_space<vmem>>, vector<16xf32>,
        %add3A_642 = arith.constant 160 : i32
        %add3A_643 = arith.addi %mul3A_472, %add3A_642 : i32
        %swap3A_644 = arith.constant 1 : i32
        %swap3A_645 = arith.index_cast %swap3A_644 : i32 to index
        %swap3A_646 = arith.index_cast %add3A_643 : i32 to index
        %swap3A_647 = tpu.vector_load %arg7[%swap3A_645, %swap3A_646] {strides = array<i32>} : memref<2x4096xf32, #tpu.memory_space<vmem>>, vector<16xf32>,
        tpu.vector_store %arg7[%swap3A_645, %swap3A_646], %gather3A_577 {strides = array<i32>} : memref<2x4096xf32, #tpu.memory_space<vmem>>, vector<16xf32>,
        %add3A_648 = arith.constant 176 : i32
        %add3A_649 = arith.addi %mul3A_472, %add3A_648 : i32
        %swap3A_650 = arith.constant 1 : i32
        %swap3A_651 = arith.index_cast %swap3A_650 : i32 to index
        %swap3A_652 = arith.index_cast %add3A_649 : i32 to index
        %swap3A_653 = tpu.vector_load %arg7[%swap3A_651, %swap3A_652] {strides = array<i32>} : memref<2x4096xf32, #tpu.memory_space<vmem>>, vector<16xf32>,
        tpu.vector_store %arg7[%swap3A_651, %swap3A_652], %gather3A_578 {strides = array<i32>} : memref<2x4096xf32, #tpu.memory_space<vmem>>, vector<16xf32>,
        %add3A_654 = arith.constant 192 : i32
        %add3A_655 = arith.addi %mul3A_472, %add3A_654 : i32
        %swap3A_656 = arith.constant 1 : i32
        %swap3A_657 = arith.index_cast %swap3A_656 : i32 to index
        %swap3A_658 = arith.index_cast %add3A_655 : i32 to index
        %swap3A_659 = tpu.vector_load %arg7[%swap3A_657, %swap3A_658] {strides = array<i32>} : memref<2x4096xf32, #tpu.memory_space<vmem>>, vector<16xf32>,
        tpu.vector_store %arg7[%swap3A_657, %swap3A_658], %gather3A_579 {strides = array<i32>} : memref<2x4096xf32, #tpu.memory_space<vmem>>, vector<16xf32>,
        %add3A_660 = arith.constant 208 : i32
        %add3A_661 = arith.addi %mul3A_472, %add3A_660 : i32
        %swap3A_662 = arith.constant 1 : i32
        %swap3A_663 = arith.index_cast %swap3A_662 : i32 to index
        %swap3A_664 = arith.index_cast %add3A_661 : i32 to index
        %swap3A_665 = tpu.vector_load %arg7[%swap3A_663, %swap3A_664] {strides = array<i32>} : memref<2x4096xf32, #tpu.memory_space<vmem>>, vector<16xf32>,
        tpu.vector_store %arg7[%swap3A_663, %swap3A_664], %gather3A_580 {strides = array<i32>} : memref<2x4096xf32, #tpu.memory_space<vmem>>, vector<16xf32>,
        %add3A_666 = arith.constant 224 : i32
        %add3A_667 = arith.addi %mul3A_472, %add3A_666 : i32
        %swap3A_668 = arith.constant 1 : i32
        %swap3A_669 = arith.index_cast %swap3A_668 : i32 to index
        %swap3A_670 = arith.index_cast %add3A_667 : i32 to index
        %swap3A_671 = tpu.vector_load %arg7[%swap3A_669, %swap3A_670] {strides = array<i32>} : memref<2x4096xf32, #tpu.memory_space<vmem>>, vector<16xf32>,
        tpu.vector_store %arg7[%swap3A_669, %swap3A_670], %gather3A_581 {strides = array<i32>} : memref<2x4096xf32, #tpu.memory_space<vmem>>, vector<16xf32>,
        %add3A_672 = arith.constant 240 : i32
        %add3A_673 = arith.addi %mul3A_472, %add3A_672 : i32
        %swap3A_674 = arith.constant 1 : i32
        %swap3A_675 = arith.index_cast %swap3A_674 : i32 to index
        %swap3A_676 = arith.index_cast %add3A_673 : i32 to index
        %swap3A_677 = tpu.vector_load %arg7[%swap3A_675, %swap3A_676] {strides = array<i32>} : memref<2x4096xf32, #tpu.memory_space<vmem>>, vector<16xf32>,
        tpu.vector_store %arg7[%swap3A_675, %swap3A_676], %gather3A_582 {strides = array<i32>} : memref<2x4096xf32, #tpu.memory_space<vmem>>, vector<16xf32>,
      }
      %scan3A_339 = arith.constant 16 : i32
      %dma_start3A_340 = arith.constant 1 : i32
      %dma_start3A_341 = arith.constant 0 : i32
      %dma_start3A_342 = tpu.memref_slice %arg7[%dma_start3A_340, %dma_start3A_341] : memref<2x4096xf32, #tpu.memory_space<vmem>> -> memref<1x4096xf32, #tpu.memory_space<vmem>>
      %dma_start3A_343 = tpu.memref_squeeze %dma_start3A_342 : memref<1x4096xf32, #tpu.memory_space<vmem>> -> memref<4096xf32, #tpu.memory_space<vmem>>
      %dma_start3A_344 = arith.constant 4096 : i32
      %dma_start3A_345 = tpu.memref_slice %arg4[%scan3A_254, %add3A, %dma_start3A_344] : memref<26x32x16384xf32, #tpu.memory_space<hbm>> -> memref<1x1x4096xf32, #tpu.memory_space<hbm>>
      %dma_start3A_346 = tpu.memref_squeeze %dma_start3A_345 : memref<1x1x4096xf32, #tpu.memory_space<hbm>> -> memref<4096xf32, #tpu.memory_space<hbm>>
      %dma_start3A_347 = arith.constant 4096 : i32
      %dma_start3A_348 = tpu.memref_slice %arg4[%scan3A_254, %add3A, %dma_start3A_347] : memref<26x32x16384xf32, #tpu.memory_space<hbm>> -> memref<1x1x4096xf32, #tpu.memory_space<hbm>>
      %dma_start3A_349 = tpu.memref_squeeze %dma_start3A_348 : memref<1x1x4096xf32, #tpu.memory_space<hbm>> -> memref<4096xf32, #tpu.memory_space<hbm>>
      %dma_start3A_350 = arith.constant 0 : i32
      %dma_start3A_351 = tpu.memref_slice %arg7[%dma_start3A_340, %dma_start3A_350] : memref<2x4096xf32, #tpu.memory_space<vmem>> -> memref<1x4096xf32, #tpu.memory_space<vmem>>
      %dma_start3A_352 = tpu.memref_squeeze %dma_start3A_351 : memref<1x4096xf32, #tpu.memory_space<vmem>> -> memref<4096xf32, #tpu.memory_space<vmem>>
      tpu.enqueue_dma source(%dma_start3A_352 : memref<4096xf32, #tpu.memory_space<vmem>>) target(%dma_start3A_349 : memref<4096xf32, #tpu.memory_space<hbm>>) target_semaphore(%arg9 : memref<!tpu.dma_semaphore, #tpu.memory_space<semaphore_mem>>)
      %add3A_353 = arith.constant 1 : i32
      %add3A_354 = arith.addi %mul3A_256, %add3A_353 : i32
      %add3A_355 = arith.constant 2 : i32
      %add3A_356 = arith.addi %add3A_354, %add3A_355 : i32
      %lt3A_357 = arith.constant 104 : i32
      %lt3A_358 = arith.cmpi slt, %add3A_356, %lt3A_357 : i32
      %convert_element_type3A_359 = arith.extui %lt3A_358 : i1 to i32
      %cond3A_360 = arith.constant 0 : i32
      %cond3A_361 = arith.cmpi ne, %convert_element_type3A_359, %cond3A_360 : i32
      scf.if %cond3A_361 {
        %mul3A_470 = arith.constant 4096 : i32
        %mul3A_471 = arith.muli %add3A_356, %mul3A_470 : i32
        %dma_start3A_472 = arith.constant 1 : i32
        %dma_start3A_473 = arith.constant 0 : i32
        %dma_start3A_474 = tpu.memref_slice %arg6[%dma_start3A_472, %dma_start3A_473] : memref<2x4096xi32, #tpu.memory_space<vmem>> -> memref<1x4096xi32, #tpu.memory_space<vmem>>
        %dma_start3A_475 = tpu.memref_squeeze %dma_start3A_474 : memref<1x4096xi32, #tpu.memory_space<vmem>> -> memref<4096xi32, #tpu.memory_space<vmem>>
        %dma_start3A_476 = tpu.memref_slice %arg2[%mul3A_471] : memref<425984xi32, #tpu.memory_space<hbm>> -> memref<4096xi32, #tpu.memory_space<hbm>>
        %dma_start3A_477 = arith.constant 0 : i32
        %dma_start3A_478 = tpu.memref_slice %arg6[%dma_start3A_472, %dma_start3A_477] : memref<2x4096xi32, #tpu.memory_space<vmem>> -> memref<1x4096xi32, #tpu.memory_space<vmem>>
        %dma_start3A_479 = tpu.memref_squeeze %dma_start3A_478 : memref<1x4096xi32, #tpu.memory_space<vmem>> -> memref<4096xi32, #tpu.memory_space<vmem>>
        %dma_start3A_480 = tpu.memref_slice %arg2[%mul3A_471] : memref<425984xi32, #tpu.memory_space<hbm>> -> memref<4096xi32, #tpu.memory_space<hbm>>
        tpu.enqueue_dma source(%dma_start3A_480 : memref<4096xi32, #tpu.memory_space<hbm>>) target(%dma_start3A_479 : memref<4096xi32, #tpu.memory_space<vmem>>) target_semaphore(%arg8 : memref<!tpu.dma_semaphore, #tpu.memory_space<semaphore_mem>>)
      } else {
      }
      %dma_wait3A_362 = arith.constant 0 : i32
      %dma_wait3A_363 = arith.constant 0 : i32
      %dma_wait3A_364 = tpu.memref_slice %arg6[%dma_wait3A_362, %dma_wait3A_363] : memref<2x4096xi32, #tpu.memory_space<vmem>> -> memref<1x4096xi32, #tpu.memory_space<vmem>>
      %dma_wait3A_365 = tpu.memref_squeeze %dma_wait3A_364 : memref<1x4096xi32, #tpu.memory_space<vmem>> -> memref<4096xi32, #tpu.memory_space<vmem>>
      %dma_wait3A_366 = arith.constant 0 : i32
      %dma_wait3A_367 = tpu.memref_slice %arg2[%dma_wait3A_366] : memref<425984xi32, #tpu.memory_space<hbm>> -> memref<4096xi32, #tpu.memory_space<hbm>>
      %dma_wait3A_368 = arith.constant 0 : i32
      %dma_wait3A_369 = tpu.memref_slice %arg6[%dma_wait3A_362, %dma_wait3A_368] : memref<2x4096xi32, #tpu.memory_space<vmem>> -> memref<1x4096xi32, #tpu.memory_space<vmem>>
      %dma_wait3A_370 = tpu.memref_squeeze %dma_wait3A_369 : memref<1x4096xi32, #tpu.memory_space<vmem>> -> memref<4096xi32, #tpu.memory_space<vmem>>
      %dma_wait3A_371 = arith.constant 0 : i32
      %dma_wait3A_372 = tpu.memref_slice %arg2[%dma_wait3A_371] : memref<425984xi32, #tpu.memory_space<hbm>> -> memref<4096xi32, #tpu.memory_space<hbm>>
      tpu.wait_dma2 semaphore(%arg8 : memref<!tpu.dma_semaphore, #tpu.memory_space<semaphore_mem>>) src(%dma_wait3A_372 : memref<4096xi32, #tpu.memory_space<hbm>>) dst(%dma_wait3A_370 : memref<4096xi32, #tpu.memory_space<vmem>>)
      %dma_wait3A_373 = arith.constant 0 : i32
      %dma_wait3A_374 = arith.constant 0 : i32
      %dma_wait3A_375 = arith.constant 0 : i32
      %dma_wait3A_376 = arith.constant 0 : i32
      %dma_wait3A_377 = tpu.memref_slice %arg7[%dma_wait3A_373, %dma_wait3A_376] : memref<2x4096xf32, #tpu.memory_space<vmem>> -> memref<1x4096xf32, #tpu.memory_space<vmem>>
      %dma_wait3A_378 = tpu.memref_squeeze %dma_wait3A_377 : memref<1x4096xf32, #tpu.memory_space<vmem>> -> memref<4096xf32, #tpu.memory_space<vmem>>
      %dma_wait3A_379 = arith.constant 0 : i32
      %dma_wait3A_380 = tpu.memref_slice %arg4[%dma_wait3A_374, %dma_wait3A_375, %dma_wait3A_379] : memref<26x32x16384xf32, #tpu.memory_space<hbm>> -> memref<1x1x4096xf32, #tpu.memory_space<hbm>>
      %dma_wait3A_381 = tpu.memref_squeeze %dma_wait3A_380 : memref<1x1x4096xf32, #tpu.memory_space<hbm>> -> memref<4096xf32, #tpu.memory_space<hbm>>
      %dma_wait3A_382 = arith.constant 0 : i32
      %dma_wait3A_383 = tpu.memref_slice %arg4[%dma_wait3A_374, %dma_wait3A_375, %dma_wait3A_382] : memref<26x32x16384xf32, #tpu.memory_space<hbm>> -> memref<1x1x4096xf32, #tpu.memory_space<hbm>>
      %dma_wait3A_384 = tpu.memref_squeeze %dma_wait3A_383 : memref<1x1x4096xf32, #tpu.memory_space<hbm>> -> memref<4096xf32, #tpu.memory_space<hbm>>
      %dma_wait3A_385 = arith.constant 0 : i32
      %dma_wait3A_386 = tpu.memref_slice %arg7[%dma_wait3A_373, %dma_wait3A_385] : memref<2x4096xf32, #tpu.memory_space<vmem>> -> memref<1x4096xf32, #tpu.memory_space<vmem>>
      %dma_wait3A_387 = tpu.memref_squeeze %dma_wait3A_386 : memref<1x4096xf32, #tpu.memory_space<vmem>> -> memref<4096xf32, #tpu.memory_space<vmem>>
      tpu.wait_dma2 semaphore(%arg9 : memref<!tpu.dma_semaphore, #tpu.memory_space<semaphore_mem>>) src(%dma_wait3A_387 : memref<4096xf32, #tpu.memory_space<vmem>>) dst(%dma_wait3A_384 : memref<4096xf32, #tpu.memory_space<hbm>>)
      %scan3A_388 = arith.constant 0 : i32
      %scan3A_389 = arith.constant 0 : i32
      %scan3A_390 = arith.constant 16 : i32
      %scan3A_391 = arith.addi %scan3A_389, %scan3A_390 : i32
      %scan3A_392 = arith.constant 1 : i32
      scf.for %scan3A_470 = %scan3A_389 to %scan3A_391 step %scan3A_392  : i32 {
        %mul3A_471 = arith.constant 256 : i32
        %mul3A_472 = arith.muli %scan3A_470, %mul3A_471 : i32
        %add3A_473 = arith.constant 0 : i32
        %add3A_474 = arith.addi %mul3A_472, %add3A_473 : i32
        %get3A = arith.constant 0 : i32
        %get3A_475 = arith.index_cast %get3A : i32 to index
        %get3A_476 = arith.index_cast %add3A_474 : i32 to index
        %get3A_477 = tpu.vector_load %arg6[%get3A_475, %get3A_476] {strides = array<i32>} : memref<2x4096xi32, #tpu.memory_space<vmem>>, vector<16xi32>,
        %add3A_478 = arith.constant 16 : i32
        %add3A_479 = arith.addi %mul3A_472, %add3A_478 : i32
        %get3A_480 = arith.constant 0 : i32
        %get3A_481 = arith.index_cast %get3A_480 : i32 to index
        %get3A_482 = arith.index_cast %add3A_479 : i32 to index
        %get3A_483 = tpu.vector_load %arg6[%get3A_481, %get3A_482] {strides = array<i32>} : memref<2x4096xi32, #tpu.memory_space<vmem>>, vector<16xi32>,
        %add3A_484 = arith.constant 32 : i32
        %add3A_485 = arith.addi %mul3A_472, %add3A_484 : i32
        %get3A_486 = arith.constant 0 : i32
        %get3A_487 = arith.index_cast %get3A_486 : i32 to index
        %get3A_488 = arith.index_cast %add3A_485 : i32 to index
        %get3A_489 = tpu.vector_load %arg6[%get3A_487, %get3A_488] {strides = array<i32>} : memref<2x4096xi32, #tpu.memory_space<vmem>>, vector<16xi32>,
        %add3A_490 = arith.constant 48 : i32
        %add3A_491 = arith.addi %mul3A_472, %add3A_490 : i32
        %get3A_492 = arith.constant 0 : i32
        %get3A_493 = arith.index_cast %get3A_492 : i32 to index
        %get3A_494 = arith.index_cast %add3A_491 : i32 to index
        %get3A_495 = tpu.vector_load %arg6[%get3A_493, %get3A_494] {strides = array<i32>} : memref<2x4096xi32, #tpu.memory_space<vmem>>, vector<16xi32>,
        %add3A_496 = arith.constant 64 : i32
        %add3A_497 = arith.addi %mul3A_472, %add3A_496 : i32
        %get3A_498 = arith.constant 0 : i32
        %get3A_499 = arith.index_cast %get3A_498 : i32 to index
        %get3A_500 = arith.index_cast %add3A_497 : i32 to index
        %get3A_501 = tpu.vector_load %arg6[%get3A_499, %get3A_500] {strides = array<i32>} : memref<2x4096xi32, #tpu.memory_space<vmem>>, vector<16xi32>,
        %add3A_502 = arith.constant 80 : i32
        %add3A_503 = arith.addi %mul3A_472, %add3A_502 : i32
        %get3A_504 = arith.constant 0 : i32
        %get3A_505 = arith.index_cast %get3A_504 : i32 to index
        %get3A_506 = arith.index_cast %add3A_503 : i32 to index
        %get3A_507 = tpu.vector_load %arg6[%get3A_505, %get3A_506] {strides = array<i32>} : memref<2x4096xi32, #tpu.memory_space<vmem>>, vector<16xi32>,
        %add3A_508 = arith.constant 96 : i32
        %add3A_509 = arith.addi %mul3A_472, %add3A_508 : i32
        %get3A_510 = arith.constant 0 : i32
        %get3A_511 = arith.index_cast %get3A_510 : i32 to index
        %get3A_512 = arith.index_cast %add3A_509 : i32 to index
        %get3A_513 = tpu.vector_load %arg6[%get3A_511, %get3A_512] {strides = array<i32>} : memref<2x4096xi32, #tpu.memory_space<vmem>>, vector<16xi32>,
        %add3A_514 = arith.constant 112 : i32
        %add3A_515 = arith.addi %mul3A_472, %add3A_514 : i32
        %get3A_516 = arith.constant 0 : i32
        %get3A_517 = arith.index_cast %get3A_516 : i32 to index
        %get3A_518 = arith.index_cast %add3A_515 : i32 to index
        %get3A_519 = tpu.vector_load %arg6[%get3A_517, %get3A_518] {strides = array<i32>} : memref<2x4096xi32, #tpu.memory_space<vmem>>, vector<16xi32>,
        %add3A_520 = arith.constant 128 : i32
        %add3A_521 = arith.addi %mul3A_472, %add3A_520 : i32
        %get3A_522 = arith.constant 0 : i32
        %get3A_523 = arith.index_cast %get3A_522 : i32 to index
        %get3A_524 = arith.index_cast %add3A_521 : i32 to index
        %get3A_525 = tpu.vector_load %arg6[%get3A_523, %get3A_524] {strides = array<i32>} : memref<2x4096xi32, #tpu.memory_space<vmem>>, vector<16xi32>,
        %add3A_526 = arith.constant 144 : i32
        %add3A_527 = arith.addi %mul3A_472, %add3A_526 : i32
        %get3A_528 = arith.constant 0 : i32
        %get3A_529 = arith.index_cast %get3A_528 : i32 to index
        %get3A_530 = arith.index_cast %add3A_527 : i32 to index
        %get3A_531 = tpu.vector_load %arg6[%get3A_529, %get3A_530] {strides = array<i32>} : memref<2x4096xi32, #tpu.memory_space<vmem>>, vector<16xi32>,
        %add3A_532 = arith.constant 160 : i32
        %add3A_533 = arith.addi %mul3A_472, %add3A_532 : i32
        %get3A_534 = arith.constant 0 : i32
        %get3A_535 = arith.index_cast %get3A_534 : i32 to index
        %get3A_536 = arith.index_cast %add3A_533 : i32 to index
        %get3A_537 = tpu.vector_load %arg6[%get3A_535, %get3A_536] {strides = array<i32>} : memref<2x4096xi32, #tpu.memory_space<vmem>>, vector<16xi32>,
        %add3A_538 = arith.constant 176 : i32
        %add3A_539 = arith.addi %mul3A_472, %add3A_538 : i32
        %get3A_540 = arith.constant 0 : i32
        %get3A_541 = arith.index_cast %get3A_540 : i32 to index
        %get3A_542 = arith.index_cast %add3A_539 : i32 to index
        %get3A_543 = tpu.vector_load %arg6[%get3A_541, %get3A_542] {strides = array<i32>} : memref<2x4096xi32, #tpu.memory_space<vmem>>, vector<16xi32>,
        %add3A_544 = arith.constant 192 : i32
        %add3A_545 = arith.addi %mul3A_472, %add3A_544 : i32
        %get3A_546 = arith.constant 0 : i32
        %get3A_547 = arith.index_cast %get3A_546 : i32 to index
        %get3A_548 = arith.index_cast %add3A_545 : i32 to index
        %get3A_549 = tpu.vector_load %arg6[%get3A_547, %get3A_548] {strides = array<i32>} : memref<2x4096xi32, #tpu.memory_space<vmem>>, vector<16xi32>,
        %add3A_550 = arith.constant 208 : i32
        %add3A_551 = arith.addi %mul3A_472, %add3A_550 : i32
        %get3A_552 = arith.constant 0 : i32
        %get3A_553 = arith.index_cast %get3A_552 : i32 to index
        %get3A_554 = arith.index_cast %add3A_551 : i32 to index
        %get3A_555 = tpu.vector_load %arg6[%get3A_553, %get3A_554] {strides = array<i32>} : memref<2x4096xi32, #tpu.memory_space<vmem>>, vector<16xi32>,
        %add3A_556 = arith.constant 224 : i32
        %add3A_557 = arith.addi %mul3A_472, %add3A_556 : i32
        %get3A_558 = arith.constant 0 : i32
        %get3A_559 = arith.index_cast %get3A_558 : i32 to index
        %get3A_560 = arith.index_cast %add3A_557 : i32 to index
        %get3A_561 = tpu.vector_load %arg6[%get3A_559, %get3A_560] {strides = array<i32>} : memref<2x4096xi32, #tpu.memory_space<vmem>>, vector<16xi32>,
        %add3A_562 = arith.constant 240 : i32
        %add3A_563 = arith.addi %mul3A_472, %add3A_562 : i32
        %get3A_564 = arith.constant 0 : i32
        %get3A_565 = arith.index_cast %get3A_564 : i32 to index
        %get3A_566 = arith.index_cast %add3A_563 : i32 to index
        %get3A_567 = tpu.vector_load %arg6[%get3A_565, %get3A_566] {strides = array<i32>} : memref<2x4096xi32, #tpu.memory_space<vmem>>, vector<16xi32>,
        %gather3A = tpu.vector_load_idx %arg5[%get3A_477] : memref<100000xf32, #tpu.memory_space<vmem>>[vector<16xi32>], vector<16xf32>,
        %gather3A_568 = tpu.vector_load_idx %arg5[%get3A_483] : memref<100000xf32, #tpu.memory_space<vmem>>[vector<16xi32>], vector<16xf32>,
        %gather3A_569 = tpu.vector_load_idx %arg5[%get3A_489] : memref<100000xf32, #tpu.memory_space<vmem>>[vector<16xi32>], vector<16xf32>,
        %gather3A_570 = tpu.vector_load_idx %arg5[%get3A_495] : memref<100000xf32, #tpu.memory_space<vmem>>[vector<16xi32>], vector<16xf32>,
        %gather3A_571 = tpu.vector_load_idx %arg5[%get3A_501] : memref<100000xf32, #tpu.memory_space<vmem>>[vector<16xi32>], vector<16xf32>,
        %gather3A_572 = tpu.vector_load_idx %arg5[%get3A_507] : memref<100000xf32, #tpu.memory_space<vmem>>[vector<16xi32>], vector<16xf32>,
        %gather3A_573 = tpu.vector_load_idx %arg5[%get3A_513] : memref<100000xf32, #tpu.memory_space<vmem>>[vector<16xi32>], vector<16xf32>,
        %gather3A_574 = tpu.vector_load_idx %arg5[%get3A_519] : memref<100000xf32, #tpu.memory_space<vmem>>[vector<16xi32>], vector<16xf32>,
        %gather3A_575 = tpu.vector_load_idx %arg5[%get3A_525] : memref<100000xf32, #tpu.memory_space<vmem>>[vector<16xi32>], vector<16xf32>,
        %gather3A_576 = tpu.vector_load_idx %arg5[%get3A_531] : memref<100000xf32, #tpu.memory_space<vmem>>[vector<16xi32>], vector<16xf32>,
        %gather3A_577 = tpu.vector_load_idx %arg5[%get3A_537] : memref<100000xf32, #tpu.memory_space<vmem>>[vector<16xi32>], vector<16xf32>,
        %gather3A_578 = tpu.vector_load_idx %arg5[%get3A_543] : memref<100000xf32, #tpu.memory_space<vmem>>[vector<16xi32>], vector<16xf32>,
        %gather3A_579 = tpu.vector_load_idx %arg5[%get3A_549] : memref<100000xf32, #tpu.memory_space<vmem>>[vector<16xi32>], vector<16xf32>,
        %gather3A_580 = tpu.vector_load_idx %arg5[%get3A_555] : memref<100000xf32, #tpu.memory_space<vmem>>[vector<16xi32>], vector<16xf32>,
        %gather3A_581 = tpu.vector_load_idx %arg5[%get3A_561] : memref<100000xf32, #tpu.memory_space<vmem>>[vector<16xi32>], vector<16xf32>,
        %gather3A_582 = tpu.vector_load_idx %arg5[%get3A_567] : memref<100000xf32, #tpu.memory_space<vmem>>[vector<16xi32>], vector<16xf32>,
        %add3A_583 = arith.constant 0 : i32
        %add3A_584 = arith.addi %mul3A_472, %add3A_583 : i32
        %swap3A = arith.constant 0 : i32
        %swap3A_585 = arith.index_cast %swap3A : i32 to index
        %swap3A_586 = arith.index_cast %add3A_584 : i32 to index
        %swap3A_587 = tpu.vector_load %arg7[%swap3A_585, %swap3A_586] {strides = array<i32>} : memref<2x4096xf32, #tpu.memory_space<vmem>>, vector<16xf32>,
        tpu.vector_store %arg7[%swap3A_585, %swap3A_586], %gather3A {strides = array<i32>} : memref<2x4096xf32, #tpu.memory_space<vmem>>, vector<16xf32>,
        %add3A_588 = arith.constant 16 : i32
        %add3A_589 = arith.addi %mul3A_472, %add3A_588 : i32
        %swap3A_590 = arith.constant 0 : i32
        %swap3A_591 = arith.index_cast %swap3A_590 : i32 to index
        %swap3A_592 = arith.index_cast %add3A_589 : i32 to index
        %swap3A_593 = tpu.vector_load %arg7[%swap3A_591, %swap3A_592] {strides = array<i32>} : memref<2x4096xf32, #tpu.memory_space<vmem>>, vector<16xf32>,
        tpu.vector_store %arg7[%swap3A_591, %swap3A_592], %gather3A_568 {strides = array<i32>} : memref<2x4096xf32, #tpu.memory_space<vmem>>, vector<16xf32>,
        %add3A_594 = arith.constant 32 : i32
        %add3A_595 = arith.addi %mul3A_472, %add3A_594 : i32
        %swap3A_596 = arith.constant 0 : i32
        %swap3A_597 = arith.index_cast %swap3A_596 : i32 to index
        %swap3A_598 = arith.index_cast %add3A_595 : i32 to index
        %swap3A_599 = tpu.vector_load %arg7[%swap3A_597, %swap3A_598] {strides = array<i32>} : memref<2x4096xf32, #tpu.memory_space<vmem>>, vector<16xf32>,
        tpu.vector_store %arg7[%swap3A_597, %swap3A_598], %gather3A_569 {strides = array<i32>} : memref<2x4096xf32, #tpu.memory_space<vmem>>, vector<16xf32>,
        %add3A_600 = arith.constant 48 : i32
        %add3A_601 = arith.addi %mul3A_472, %add3A_600 : i32
        %swap3A_602 = arith.constant 0 : i32
        %swap3A_603 = arith.index_cast %swap3A_602 : i32 to index
        %swap3A_604 = arith.index_cast %add3A_601 : i32 to index
        %swap3A_605 = tpu.vector_load %arg7[%swap3A_603, %swap3A_604] {strides = array<i32>} : memref<2x4096xf32, #tpu.memory_space<vmem>>, vector<16xf32>,
        tpu.vector_store %arg7[%swap3A_603, %swap3A_604], %gather3A_570 {strides = array<i32>} : memref<2x4096xf32, #tpu.memory_space<vmem>>, vector<16xf32>,
        %add3A_606 = arith.constant 64 : i32
        %add3A_607 = arith.addi %mul3A_472, %add3A_606 : i32
        %swap3A_608 = arith.constant 0 : i32
        %swap3A_609 = arith.index_cast %swap3A_608 : i32 to index
        %swap3A_610 = arith.index_cast %add3A_607 : i32 to index
        %swap3A_611 = tpu.vector_load %arg7[%swap3A_609, %swap3A_610] {strides = array<i32>} : memref<2x4096xf32, #tpu.memory_space<vmem>>, vector<16xf32>,
        tpu.vector_store %arg7[%swap3A_609, %swap3A_610], %gather3A_571 {strides = array<i32>} : memref<2x4096xf32, #tpu.memory_space<vmem>>, vector<16xf32>,
        %add3A_612 = arith.constant 80 : i32
        %add3A_613 = arith.addi %mul3A_472, %add3A_612 : i32
        %swap3A_614 = arith.constant 0 : i32
        %swap3A_615 = arith.index_cast %swap3A_614 : i32 to index
        %swap3A_616 = arith.index_cast %add3A_613 : i32 to index
        %swap3A_617 = tpu.vector_load %arg7[%swap3A_615, %swap3A_616] {strides = array<i32>} : memref<2x4096xf32, #tpu.memory_space<vmem>>, vector<16xf32>,
        tpu.vector_store %arg7[%swap3A_615, %swap3A_616], %gather3A_572 {strides = array<i32>} : memref<2x4096xf32, #tpu.memory_space<vmem>>, vector<16xf32>,
        %add3A_618 = arith.constant 96 : i32
        %add3A_619 = arith.addi %mul3A_472, %add3A_618 : i32
        %swap3A_620 = arith.constant 0 : i32
        %swap3A_621 = arith.index_cast %swap3A_620 : i32 to index
        %swap3A_622 = arith.index_cast %add3A_619 : i32 to index
        %swap3A_623 = tpu.vector_load %arg7[%swap3A_621, %swap3A_622] {strides = array<i32>} : memref<2x4096xf32, #tpu.memory_space<vmem>>, vector<16xf32>,
        tpu.vector_store %arg7[%swap3A_621, %swap3A_622], %gather3A_573 {strides = array<i32>} : memref<2x4096xf32, #tpu.memory_space<vmem>>, vector<16xf32>,
        %add3A_624 = arith.constant 112 : i32
        %add3A_625 = arith.addi %mul3A_472, %add3A_624 : i32
        %swap3A_626 = arith.constant 0 : i32
        %swap3A_627 = arith.index_cast %swap3A_626 : i32 to index
        %swap3A_628 = arith.index_cast %add3A_625 : i32 to index
        %swap3A_629 = tpu.vector_load %arg7[%swap3A_627, %swap3A_628] {strides = array<i32>} : memref<2x4096xf32, #tpu.memory_space<vmem>>, vector<16xf32>,
        tpu.vector_store %arg7[%swap3A_627, %swap3A_628], %gather3A_574 {strides = array<i32>} : memref<2x4096xf32, #tpu.memory_space<vmem>>, vector<16xf32>,
        %add3A_630 = arith.constant 128 : i32
        %add3A_631 = arith.addi %mul3A_472, %add3A_630 : i32
        %swap3A_632 = arith.constant 0 : i32
        %swap3A_633 = arith.index_cast %swap3A_632 : i32 to index
        %swap3A_634 = arith.index_cast %add3A_631 : i32 to index
        %swap3A_635 = tpu.vector_load %arg7[%swap3A_633, %swap3A_634] {strides = array<i32>} : memref<2x4096xf32, #tpu.memory_space<vmem>>, vector<16xf32>,
        tpu.vector_store %arg7[%swap3A_633, %swap3A_634], %gather3A_575 {strides = array<i32>} : memref<2x4096xf32, #tpu.memory_space<vmem>>, vector<16xf32>,
        %add3A_636 = arith.constant 144 : i32
        %add3A_637 = arith.addi %mul3A_472, %add3A_636 : i32
        %swap3A_638 = arith.constant 0 : i32
        %swap3A_639 = arith.index_cast %swap3A_638 : i32 to index
        %swap3A_640 = arith.index_cast %add3A_637 : i32 to index
        %swap3A_641 = tpu.vector_load %arg7[%swap3A_639, %swap3A_640] {strides = array<i32>} : memref<2x4096xf32, #tpu.memory_space<vmem>>, vector<16xf32>,
        tpu.vector_store %arg7[%swap3A_639, %swap3A_640], %gather3A_576 {strides = array<i32>} : memref<2x4096xf32, #tpu.memory_space<vmem>>, vector<16xf32>,
        %add3A_642 = arith.constant 160 : i32
        %add3A_643 = arith.addi %mul3A_472, %add3A_642 : i32
        %swap3A_644 = arith.constant 0 : i32
        %swap3A_645 = arith.index_cast %swap3A_644 : i32 to index
        %swap3A_646 = arith.index_cast %add3A_643 : i32 to index
        %swap3A_647 = tpu.vector_load %arg7[%swap3A_645, %swap3A_646] {strides = array<i32>} : memref<2x4096xf32, #tpu.memory_space<vmem>>, vector<16xf32>,
        tpu.vector_store %arg7[%swap3A_645, %swap3A_646], %gather3A_577 {strides = array<i32>} : memref<2x4096xf32, #tpu.memory_space<vmem>>, vector<16xf32>,
        %add3A_648 = arith.constant 176 : i32
        %add3A_649 = arith.addi %mul3A_472, %add3A_648 : i32
        %swap3A_650 = arith.constant 0 : i32
        %swap3A_651 = arith.index_cast %swap3A_650 : i32 to index
        %swap3A_652 = arith.index_cast %add3A_649 : i32 to index
        %swap3A_653 = tpu.vector_load %arg7[%swap3A_651, %swap3A_652] {strides = array<i32>} : memref<2x4096xf32, #tpu.memory_space<vmem>>, vector<16xf32>,
        tpu.vector_store %arg7[%swap3A_651, %swap3A_652], %gather3A_578 {strides = array<i32>} : memref<2x4096xf32, #tpu.memory_space<vmem>>, vector<16xf32>,
        %add3A_654 = arith.constant 192 : i32
        %add3A_655 = arith.addi %mul3A_472, %add3A_654 : i32
        %swap3A_656 = arith.constant 0 : i32
        %swap3A_657 = arith.index_cast %swap3A_656 : i32 to index
        %swap3A_658 = arith.index_cast %add3A_655 : i32 to index
        %swap3A_659 = tpu.vector_load %arg7[%swap3A_657, %swap3A_658] {strides = array<i32>} : memref<2x4096xf32, #tpu.memory_space<vmem>>, vector<16xf32>,
        tpu.vector_store %arg7[%swap3A_657, %swap3A_658], %gather3A_579 {strides = array<i32>} : memref<2x4096xf32, #tpu.memory_space<vmem>>, vector<16xf32>,
        %add3A_660 = arith.constant 208 : i32
        %add3A_661 = arith.addi %mul3A_472, %add3A_660 : i32
        %swap3A_662 = arith.constant 0 : i32
        %swap3A_663 = arith.index_cast %swap3A_662 : i32 to index
        %swap3A_664 = arith.index_cast %add3A_661 : i32 to index
        %swap3A_665 = tpu.vector_load %arg7[%swap3A_663, %swap3A_664] {strides = array<i32>} : memref<2x4096xf32, #tpu.memory_space<vmem>>, vector<16xf32>,
        tpu.vector_store %arg7[%swap3A_663, %swap3A_664], %gather3A_580 {strides = array<i32>} : memref<2x4096xf32, #tpu.memory_space<vmem>>, vector<16xf32>,
        %add3A_666 = arith.constant 224 : i32
        %add3A_667 = arith.addi %mul3A_472, %add3A_666 : i32
        %swap3A_668 = arith.constant 0 : i32
        %swap3A_669 = arith.index_cast %swap3A_668 : i32 to index
        %swap3A_670 = arith.index_cast %add3A_667 : i32 to index
        %swap3A_671 = tpu.vector_load %arg7[%swap3A_669, %swap3A_670] {strides = array<i32>} : memref<2x4096xf32, #tpu.memory_space<vmem>>, vector<16xf32>,
        tpu.vector_store %arg7[%swap3A_669, %swap3A_670], %gather3A_581 {strides = array<i32>} : memref<2x4096xf32, #tpu.memory_space<vmem>>, vector<16xf32>,
        %add3A_672 = arith.constant 240 : i32
        %add3A_673 = arith.addi %mul3A_472, %add3A_672 : i32
        %swap3A_674 = arith.constant 0 : i32
        %swap3A_675 = arith.index_cast %swap3A_674 : i32 to index
        %swap3A_676 = arith.index_cast %add3A_673 : i32 to index
        %swap3A_677 = tpu.vector_load %arg7[%swap3A_675, %swap3A_676] {strides = array<i32>} : memref<2x4096xf32, #tpu.memory_space<vmem>>, vector<16xf32>,
        tpu.vector_store %arg7[%swap3A_675, %swap3A_676], %gather3A_582 {strides = array<i32>} : memref<2x4096xf32, #tpu.memory_space<vmem>>, vector<16xf32>,
      }
      %scan3A_393 = arith.constant 16 : i32
      %dma_start3A_394 = arith.constant 0 : i32
      %dma_start3A_395 = arith.constant 0 : i32
      %dma_start3A_396 = tpu.memref_slice %arg7[%dma_start3A_394, %dma_start3A_395] : memref<2x4096xf32, #tpu.memory_space<vmem>> -> memref<1x4096xf32, #tpu.memory_space<vmem>>
      %dma_start3A_397 = tpu.memref_squeeze %dma_start3A_396 : memref<1x4096xf32, #tpu.memory_space<vmem>> -> memref<4096xf32, #tpu.memory_space<vmem>>
      %dma_start3A_398 = arith.constant 8192 : i32
      %dma_start3A_399 = tpu.memref_slice %arg4[%scan3A_254, %add3A, %dma_start3A_398] : memref<26x32x16384xf32, #tpu.memory_space<hbm>> -> memref<1x1x4096xf32, #tpu.memory_space<hbm>>
      %dma_start3A_400 = tpu.memref_squeeze %dma_start3A_399 : memref<1x1x4096xf32, #tpu.memory_space<hbm>> -> memref<4096xf32, #tpu.memory_space<hbm>>
      %dma_start3A_401 = arith.constant 8192 : i32
      %dma_start3A_402 = tpu.memref_slice %arg4[%scan3A_254, %add3A, %dma_start3A_401] : memref<26x32x16384xf32, #tpu.memory_space<hbm>> -> memref<1x1x4096xf32, #tpu.memory_space<hbm>>
      %dma_start3A_403 = tpu.memref_squeeze %dma_start3A_402 : memref<1x1x4096xf32, #tpu.memory_space<hbm>> -> memref<4096xf32, #tpu.memory_space<hbm>>
      %dma_start3A_404 = arith.constant 0 : i32
      %dma_start3A_405 = tpu.memref_slice %arg7[%dma_start3A_394, %dma_start3A_404] : memref<2x4096xf32, #tpu.memory_space<vmem>> -> memref<1x4096xf32, #tpu.memory_space<vmem>>
      %dma_start3A_406 = tpu.memref_squeeze %dma_start3A_405 : memref<1x4096xf32, #tpu.memory_space<vmem>> -> memref<4096xf32, #tpu.memory_space<vmem>>
      tpu.enqueue_dma source(%dma_start3A_406 : memref<4096xf32, #tpu.memory_space<vmem>>) target(%dma_start3A_403 : memref<4096xf32, #tpu.memory_space<hbm>>) target_semaphore(%arg9 : memref<!tpu.dma_semaphore, #tpu.memory_space<semaphore_mem>>)
      %add3A_407 = arith.constant 2 : i32
      %add3A_408 = arith.addi %mul3A_256, %add3A_407 : i32
      %add3A_409 = arith.constant 2 : i32
      %add3A_410 = arith.addi %add3A_408, %add3A_409 : i32
      %lt3A_411 = arith.constant 104 : i32
      %lt3A_412 = arith.cmpi slt, %add3A_410, %lt3A_411 : i32
      %convert_element_type3A_413 = arith.extui %lt3A_412 : i1 to i32
      %cond3A_414 = arith.constant 0 : i32
      %cond3A_415 = arith.cmpi ne, %convert_element_type3A_413, %cond3A_414 : i32
      scf.if %cond3A_415 {
        %mul3A_470 = arith.constant 4096 : i32
        %mul3A_471 = arith.muli %add3A_410, %mul3A_470 : i32
        %dma_start3A_472 = arith.constant 0 : i32
        %dma_start3A_473 = arith.constant 0 : i32
        %dma_start3A_474 = tpu.memref_slice %arg6[%dma_start3A_472, %dma_start3A_473] : memref<2x4096xi32, #tpu.memory_space<vmem>> -> memref<1x4096xi32, #tpu.memory_space<vmem>>
        %dma_start3A_475 = tpu.memref_squeeze %dma_start3A_474 : memref<1x4096xi32, #tpu.memory_space<vmem>> -> memref<4096xi32, #tpu.memory_space<vmem>>
        %dma_start3A_476 = tpu.memref_slice %arg2[%mul3A_471] : memref<425984xi32, #tpu.memory_space<hbm>> -> memref<4096xi32, #tpu.memory_space<hbm>>
        %dma_start3A_477 = arith.constant 0 : i32
        %dma_start3A_478 = tpu.memref_slice %arg6[%dma_start3A_472, %dma_start3A_477] : memref<2x4096xi32, #tpu.memory_space<vmem>> -> memref<1x4096xi32, #tpu.memory_space<vmem>>
        %dma_start3A_479 = tpu.memref_squeeze %dma_start3A_478 : memref<1x4096xi32, #tpu.memory_space<vmem>> -> memref<4096xi32, #tpu.memory_space<vmem>>
        %dma_start3A_480 = tpu.memref_slice %arg2[%mul3A_471] : memref<425984xi32, #tpu.memory_space<hbm>> -> memref<4096xi32, #tpu.memory_space<hbm>>
        tpu.enqueue_dma source(%dma_start3A_480 : memref<4096xi32, #tpu.memory_space<hbm>>) target(%dma_start3A_479 : memref<4096xi32, #tpu.memory_space<vmem>>) target_semaphore(%arg8 : memref<!tpu.dma_semaphore, #tpu.memory_space<semaphore_mem>>)
      } else {
      }
      %dma_wait3A_416 = arith.constant 1 : i32
      %dma_wait3A_417 = arith.constant 0 : i32
      %dma_wait3A_418 = tpu.memref_slice %arg6[%dma_wait3A_416, %dma_wait3A_417] : memref<2x4096xi32, #tpu.memory_space<vmem>> -> memref<1x4096xi32, #tpu.memory_space<vmem>>
      %dma_wait3A_419 = tpu.memref_squeeze %dma_wait3A_418 : memref<1x4096xi32, #tpu.memory_space<vmem>> -> memref<4096xi32, #tpu.memory_space<vmem>>
      %dma_wait3A_420 = arith.constant 0 : i32
      %dma_wait3A_421 = tpu.memref_slice %arg2[%dma_wait3A_420] : memref<425984xi32, #tpu.memory_space<hbm>> -> memref<4096xi32, #tpu.memory_space<hbm>>
      %dma_wait3A_422 = arith.constant 0 : i32
      %dma_wait3A_423 = tpu.memref_slice %arg6[%dma_wait3A_416, %dma_wait3A_422] : memref<2x4096xi32, #tpu.memory_space<vmem>> -> memref<1x4096xi32, #tpu.memory_space<vmem>>
      %dma_wait3A_424 = tpu.memref_squeeze %dma_wait3A_423 : memref<1x4096xi32, #tpu.memory_space<vmem>> -> memref<4096xi32, #tpu.memory_space<vmem>>
      %dma_wait3A_425 = arith.constant 0 : i32
      %dma_wait3A_426 = tpu.memref_slice %arg2[%dma_wait3A_425] : memref<425984xi32, #tpu.memory_space<hbm>> -> memref<4096xi32, #tpu.memory_space<hbm>>
      tpu.wait_dma2 semaphore(%arg8 : memref<!tpu.dma_semaphore, #tpu.memory_space<semaphore_mem>>) src(%dma_wait3A_426 : memref<4096xi32, #tpu.memory_space<hbm>>) dst(%dma_wait3A_424 : memref<4096xi32, #tpu.memory_space<vmem>>)
      %dma_wait3A_427 = arith.constant 1 : i32
      %dma_wait3A_428 = arith.constant 0 : i32
      %dma_wait3A_429 = arith.constant 0 : i32
      %dma_wait3A_430 = arith.constant 0 : i32
      %dma_wait3A_431 = tpu.memref_slice %arg7[%dma_wait3A_427, %dma_wait3A_430] : memref<2x4096xf32, #tpu.memory_space<vmem>> -> memref<1x4096xf32, #tpu.memory_space<vmem>>
      %dma_wait3A_432 = tpu.memref_squeeze %dma_wait3A_431 : memref<1x4096xf32, #tpu.memory_space<vmem>> -> memref<4096xf32, #tpu.memory_space<vmem>>
      %dma_wait3A_433 = arith.constant 0 : i32
      %dma_wait3A_434 = tpu.memref_slice %arg4[%dma_wait3A_428, %dma_wait3A_429, %dma_wait3A_433] : memref<26x32x16384xf32, #tpu.memory_space<hbm>> -> memref<1x1x4096xf32, #tpu.memory_space<hbm>>
      %dma_wait3A_435 = tpu.memref_squeeze %dma_wait3A_434 : memref<1x1x4096xf32, #tpu.memory_space<hbm>> -> memref<4096xf32, #tpu.memory_space<hbm>>
      %dma_wait3A_436 = arith.constant 0 : i32
      %dma_wait3A_437 = tpu.memref_slice %arg4[%dma_wait3A_428, %dma_wait3A_429, %dma_wait3A_436] : memref<26x32x16384xf32, #tpu.memory_space<hbm>> -> memref<1x1x4096xf32, #tpu.memory_space<hbm>>
      %dma_wait3A_438 = tpu.memref_squeeze %dma_wait3A_437 : memref<1x1x4096xf32, #tpu.memory_space<hbm>> -> memref<4096xf32, #tpu.memory_space<hbm>>
      %dma_wait3A_439 = arith.constant 0 : i32
      %dma_wait3A_440 = tpu.memref_slice %arg7[%dma_wait3A_427, %dma_wait3A_439] : memref<2x4096xf32, #tpu.memory_space<vmem>> -> memref<1x4096xf32, #tpu.memory_space<vmem>>
      %dma_wait3A_441 = tpu.memref_squeeze %dma_wait3A_440 : memref<1x4096xf32, #tpu.memory_space<vmem>> -> memref<4096xf32, #tpu.memory_space<vmem>>
      tpu.wait_dma2 semaphore(%arg9 : memref<!tpu.dma_semaphore, #tpu.memory_space<semaphore_mem>>) src(%dma_wait3A_441 : memref<4096xf32, #tpu.memory_space<vmem>>) dst(%dma_wait3A_438 : memref<4096xf32, #tpu.memory_space<hbm>>)
      %scan3A_442 = arith.constant 0 : i32
      %scan3A_443 = arith.constant 0 : i32
      %scan3A_444 = arith.constant 16 : i32
      %scan3A_445 = arith.addi %scan3A_443, %scan3A_444 : i32
      %scan3A_446 = arith.constant 1 : i32
      scf.for %scan3A_470 = %scan3A_443 to %scan3A_445 step %scan3A_446  : i32 {
        %mul3A_471 = arith.constant 256 : i32
        %mul3A_472 = arith.muli %scan3A_470, %mul3A_471 : i32
        %add3A_473 = arith.constant 0 : i32
        %add3A_474 = arith.addi %mul3A_472, %add3A_473 : i32
        %get3A = arith.constant 1 : i32
        %get3A_475 = arith.index_cast %get3A : i32 to index
        %get3A_476 = arith.index_cast %add3A_474 : i32 to index
        %get3A_477 = tpu.vector_load %arg6[%get3A_475, %get3A_476] {strides = array<i32>} : memref<2x4096xi32, #tpu.memory_space<vmem>>, vector<16xi32>,
        %add3A_478 = arith.constant 16 : i32
        %add3A_479 = arith.addi %mul3A_472, %add3A_478 : i32
        %get3A_480 = arith.constant 1 : i32
        %get3A_481 = arith.index_cast %get3A_480 : i32 to index
        %get3A_482 = arith.index_cast %add3A_479 : i32 to index
        %get3A_483 = tpu.vector_load %arg6[%get3A_481, %get3A_482] {strides = array<i32>} : memref<2x4096xi32, #tpu.memory_space<vmem>>, vector<16xi32>,
        %add3A_484 = arith.constant 32 : i32
        %add3A_485 = arith.addi %mul3A_472, %add3A_484 : i32
        %get3A_486 = arith.constant 1 : i32
        %get3A_487 = arith.index_cast %get3A_486 : i32 to index
        %get3A_488 = arith.index_cast %add3A_485 : i32 to index
        %get3A_489 = tpu.vector_load %arg6[%get3A_487, %get3A_488] {strides = array<i32>} : memref<2x4096xi32, #tpu.memory_space<vmem>>, vector<16xi32>,
        %add3A_490 = arith.constant 48 : i32
        %add3A_491 = arith.addi %mul3A_472, %add3A_490 : i32
        %get3A_492 = arith.constant 1 : i32
        %get3A_493 = arith.index_cast %get3A_492 : i32 to index
        %get3A_494 = arith.index_cast %add3A_491 : i32 to index
        %get3A_495 = tpu.vector_load %arg6[%get3A_493, %get3A_494] {strides = array<i32>} : memref<2x4096xi32, #tpu.memory_space<vmem>>, vector<16xi32>,
        %add3A_496 = arith.constant 64 : i32
        %add3A_497 = arith.addi %mul3A_472, %add3A_496 : i32
        %get3A_498 = arith.constant 1 : i32
        %get3A_499 = arith.index_cast %get3A_498 : i32 to index
        %get3A_500 = arith.index_cast %add3A_497 : i32 to index
        %get3A_501 = tpu.vector_load %arg6[%get3A_499, %get3A_500] {strides = array<i32>} : memref<2x4096xi32, #tpu.memory_space<vmem>>, vector<16xi32>,
        %add3A_502 = arith.constant 80 : i32
        %add3A_503 = arith.addi %mul3A_472, %add3A_502 : i32
        %get3A_504 = arith.constant 1 : i32
        %get3A_505 = arith.index_cast %get3A_504 : i32 to index
        %get3A_506 = arith.index_cast %add3A_503 : i32 to index
        %get3A_507 = tpu.vector_load %arg6[%get3A_505, %get3A_506] {strides = array<i32>} : memref<2x4096xi32, #tpu.memory_space<vmem>>, vector<16xi32>,
        %add3A_508 = arith.constant 96 : i32
        %add3A_509 = arith.addi %mul3A_472, %add3A_508 : i32
        %get3A_510 = arith.constant 1 : i32
        %get3A_511 = arith.index_cast %get3A_510 : i32 to index
        %get3A_512 = arith.index_cast %add3A_509 : i32 to index
        %get3A_513 = tpu.vector_load %arg6[%get3A_511, %get3A_512] {strides = array<i32>} : memref<2x4096xi32, #tpu.memory_space<vmem>>, vector<16xi32>,
        %add3A_514 = arith.constant 112 : i32
        %add3A_515 = arith.addi %mul3A_472, %add3A_514 : i32
        %get3A_516 = arith.constant 1 : i32
        %get3A_517 = arith.index_cast %get3A_516 : i32 to index
        %get3A_518 = arith.index_cast %add3A_515 : i32 to index
        %get3A_519 = tpu.vector_load %arg6[%get3A_517, %get3A_518] {strides = array<i32>} : memref<2x4096xi32, #tpu.memory_space<vmem>>, vector<16xi32>,
        %add3A_520 = arith.constant 128 : i32
        %add3A_521 = arith.addi %mul3A_472, %add3A_520 : i32
        %get3A_522 = arith.constant 1 : i32
        %get3A_523 = arith.index_cast %get3A_522 : i32 to index
        %get3A_524 = arith.index_cast %add3A_521 : i32 to index
        %get3A_525 = tpu.vector_load %arg6[%get3A_523, %get3A_524] {strides = array<i32>} : memref<2x4096xi32, #tpu.memory_space<vmem>>, vector<16xi32>,
        %add3A_526 = arith.constant 144 : i32
        %add3A_527 = arith.addi %mul3A_472, %add3A_526 : i32
        %get3A_528 = arith.constant 1 : i32
        %get3A_529 = arith.index_cast %get3A_528 : i32 to index
        %get3A_530 = arith.index_cast %add3A_527 : i32 to index
        %get3A_531 = tpu.vector_load %arg6[%get3A_529, %get3A_530] {strides = array<i32>} : memref<2x4096xi32, #tpu.memory_space<vmem>>, vector<16xi32>,
        %add3A_532 = arith.constant 160 : i32
        %add3A_533 = arith.addi %mul3A_472, %add3A_532 : i32
        %get3A_534 = arith.constant 1 : i32
        %get3A_535 = arith.index_cast %get3A_534 : i32 to index
        %get3A_536 = arith.index_cast %add3A_533 : i32 to index
        %get3A_537 = tpu.vector_load %arg6[%get3A_535, %get3A_536] {strides = array<i32>} : memref<2x4096xi32, #tpu.memory_space<vmem>>, vector<16xi32>,
        %add3A_538 = arith.constant 176 : i32
        %add3A_539 = arith.addi %mul3A_472, %add3A_538 : i32
        %get3A_540 = arith.constant 1 : i32
        %get3A_541 = arith.index_cast %get3A_540 : i32 to index
        %get3A_542 = arith.index_cast %add3A_539 : i32 to index
        %get3A_543 = tpu.vector_load %arg6[%get3A_541, %get3A_542] {strides = array<i32>} : memref<2x4096xi32, #tpu.memory_space<vmem>>, vector<16xi32>,
        %add3A_544 = arith.constant 192 : i32
        %add3A_545 = arith.addi %mul3A_472, %add3A_544 : i32
        %get3A_546 = arith.constant 1 : i32
        %get3A_547 = arith.index_cast %get3A_546 : i32 to index
        %get3A_548 = arith.index_cast %add3A_545 : i32 to index
        %get3A_549 = tpu.vector_load %arg6[%get3A_547, %get3A_548] {strides = array<i32>} : memref<2x4096xi32, #tpu.memory_space<vmem>>, vector<16xi32>,
        %add3A_550 = arith.constant 208 : i32
        %add3A_551 = arith.addi %mul3A_472, %add3A_550 : i32
        %get3A_552 = arith.constant 1 : i32
        %get3A_553 = arith.index_cast %get3A_552 : i32 to index
        %get3A_554 = arith.index_cast %add3A_551 : i32 to index
        %get3A_555 = tpu.vector_load %arg6[%get3A_553, %get3A_554] {strides = array<i32>} : memref<2x4096xi32, #tpu.memory_space<vmem>>, vector<16xi32>,
        %add3A_556 = arith.constant 224 : i32
        %add3A_557 = arith.addi %mul3A_472, %add3A_556 : i32
        %get3A_558 = arith.constant 1 : i32
        %get3A_559 = arith.index_cast %get3A_558 : i32 to index
        %get3A_560 = arith.index_cast %add3A_557 : i32 to index
        %get3A_561 = tpu.vector_load %arg6[%get3A_559, %get3A_560] {strides = array<i32>} : memref<2x4096xi32, #tpu.memory_space<vmem>>, vector<16xi32>,
        %add3A_562 = arith.constant 240 : i32
        %add3A_563 = arith.addi %mul3A_472, %add3A_562 : i32
        %get3A_564 = arith.constant 1 : i32
        %get3A_565 = arith.index_cast %get3A_564 : i32 to index
        %get3A_566 = arith.index_cast %add3A_563 : i32 to index
        %get3A_567 = tpu.vector_load %arg6[%get3A_565, %get3A_566] {strides = array<i32>} : memref<2x4096xi32, #tpu.memory_space<vmem>>, vector<16xi32>,
        %gather3A = tpu.vector_load_idx %arg5[%get3A_477] : memref<100000xf32, #tpu.memory_space<vmem>>[vector<16xi32>], vector<16xf32>,
        %gather3A_568 = tpu.vector_load_idx %arg5[%get3A_483] : memref<100000xf32, #tpu.memory_space<vmem>>[vector<16xi32>], vector<16xf32>,
        %gather3A_569 = tpu.vector_load_idx %arg5[%get3A_489] : memref<100000xf32, #tpu.memory_space<vmem>>[vector<16xi32>], vector<16xf32>,
        %gather3A_570 = tpu.vector_load_idx %arg5[%get3A_495] : memref<100000xf32, #tpu.memory_space<vmem>>[vector<16xi32>], vector<16xf32>,
        %gather3A_571 = tpu.vector_load_idx %arg5[%get3A_501] : memref<100000xf32, #tpu.memory_space<vmem>>[vector<16xi32>], vector<16xf32>,
        %gather3A_572 = tpu.vector_load_idx %arg5[%get3A_507] : memref<100000xf32, #tpu.memory_space<vmem>>[vector<16xi32>], vector<16xf32>,
        %gather3A_573 = tpu.vector_load_idx %arg5[%get3A_513] : memref<100000xf32, #tpu.memory_space<vmem>>[vector<16xi32>], vector<16xf32>,
        %gather3A_574 = tpu.vector_load_idx %arg5[%get3A_519] : memref<100000xf32, #tpu.memory_space<vmem>>[vector<16xi32>], vector<16xf32>,
        %gather3A_575 = tpu.vector_load_idx %arg5[%get3A_525] : memref<100000xf32, #tpu.memory_space<vmem>>[vector<16xi32>], vector<16xf32>,
        %gather3A_576 = tpu.vector_load_idx %arg5[%get3A_531] : memref<100000xf32, #tpu.memory_space<vmem>>[vector<16xi32>], vector<16xf32>,
        %gather3A_577 = tpu.vector_load_idx %arg5[%get3A_537] : memref<100000xf32, #tpu.memory_space<vmem>>[vector<16xi32>], vector<16xf32>,
        %gather3A_578 = tpu.vector_load_idx %arg5[%get3A_543] : memref<100000xf32, #tpu.memory_space<vmem>>[vector<16xi32>], vector<16xf32>,
        %gather3A_579 = tpu.vector_load_idx %arg5[%get3A_549] : memref<100000xf32, #tpu.memory_space<vmem>>[vector<16xi32>], vector<16xf32>,
        %gather3A_580 = tpu.vector_load_idx %arg5[%get3A_555] : memref<100000xf32, #tpu.memory_space<vmem>>[vector<16xi32>], vector<16xf32>,
        %gather3A_581 = tpu.vector_load_idx %arg5[%get3A_561] : memref<100000xf32, #tpu.memory_space<vmem>>[vector<16xi32>], vector<16xf32>,
        %gather3A_582 = tpu.vector_load_idx %arg5[%get3A_567] : memref<100000xf32, #tpu.memory_space<vmem>>[vector<16xi32>], vector<16xf32>,
        %add3A_583 = arith.constant 0 : i32
        %add3A_584 = arith.addi %mul3A_472, %add3A_583 : i32
        %swap3A = arith.constant 1 : i32
        %swap3A_585 = arith.index_cast %swap3A : i32 to index
        %swap3A_586 = arith.index_cast %add3A_584 : i32 to index
        %swap3A_587 = tpu.vector_load %arg7[%swap3A_585, %swap3A_586] {strides = array<i32>} : memref<2x4096xf32, #tpu.memory_space<vmem>>, vector<16xf32>,
        tpu.vector_store %arg7[%swap3A_585, %swap3A_586], %gather3A {strides = array<i32>} : memref<2x4096xf32, #tpu.memory_space<vmem>>, vector<16xf32>,
        %add3A_588 = arith.constant 16 : i32
        %add3A_589 = arith.addi %mul3A_472, %add3A_588 : i32
        %swap3A_590 = arith.constant 1 : i32
        %swap3A_591 = arith.index_cast %swap3A_590 : i32 to index
        %swap3A_592 = arith.index_cast %add3A_589 : i32 to index
        %swap3A_593 = tpu.vector_load %arg7[%swap3A_591, %swap3A_592] {strides = array<i32>} : memref<2x4096xf32, #tpu.memory_space<vmem>>, vector<16xf32>,
        tpu.vector_store %arg7[%swap3A_591, %swap3A_592], %gather3A_568 {strides = array<i32>} : memref<2x4096xf32, #tpu.memory_space<vmem>>, vector<16xf32>,
        %add3A_594 = arith.constant 32 : i32
        %add3A_595 = arith.addi %mul3A_472, %add3A_594 : i32
        %swap3A_596 = arith.constant 1 : i32
        %swap3A_597 = arith.index_cast %swap3A_596 : i32 to index
        %swap3A_598 = arith.index_cast %add3A_595 : i32 to index
        %swap3A_599 = tpu.vector_load %arg7[%swap3A_597, %swap3A_598] {strides = array<i32>} : memref<2x4096xf32, #tpu.memory_space<vmem>>, vector<16xf32>,
        tpu.vector_store %arg7[%swap3A_597, %swap3A_598], %gather3A_569 {strides = array<i32>} : memref<2x4096xf32, #tpu.memory_space<vmem>>, vector<16xf32>,
        %add3A_600 = arith.constant 48 : i32
        %add3A_601 = arith.addi %mul3A_472, %add3A_600 : i32
        %swap3A_602 = arith.constant 1 : i32
        %swap3A_603 = arith.index_cast %swap3A_602 : i32 to index
        %swap3A_604 = arith.index_cast %add3A_601 : i32 to index
        %swap3A_605 = tpu.vector_load %arg7[%swap3A_603, %swap3A_604] {strides = array<i32>} : memref<2x4096xf32, #tpu.memory_space<vmem>>, vector<16xf32>,
        tpu.vector_store %arg7[%swap3A_603, %swap3A_604], %gather3A_570 {strides = array<i32>} : memref<2x4096xf32, #tpu.memory_space<vmem>>, vector<16xf32>,
        %add3A_606 = arith.constant 64 : i32
        %add3A_607 = arith.addi %mul3A_472, %add3A_606 : i32
        %swap3A_608 = arith.constant 1 : i32
        %swap3A_609 = arith.index_cast %swap3A_608 : i32 to index
        %swap3A_610 = arith.index_cast %add3A_607 : i32 to index
        %swap3A_611 = tpu.vector_load %arg7[%swap3A_609, %swap3A_610] {strides = array<i32>} : memref<2x4096xf32, #tpu.memory_space<vmem>>, vector<16xf32>,
        tpu.vector_store %arg7[%swap3A_609, %swap3A_610], %gather3A_571 {strides = array<i32>} : memref<2x4096xf32, #tpu.memory_space<vmem>>, vector<16xf32>,
        %add3A_612 = arith.constant 80 : i32
        %add3A_613 = arith.addi %mul3A_472, %add3A_612 : i32
        %swap3A_614 = arith.constant 1 : i32
        %swap3A_615 = arith.index_cast %swap3A_614 : i32 to index
        %swap3A_616 = arith.index_cast %add3A_613 : i32 to index
        %swap3A_617 = tpu.vector_load %arg7[%swap3A_615, %swap3A_616] {strides = array<i32>} : memref<2x4096xf32, #tpu.memory_space<vmem>>, vector<16xf32>,
        tpu.vector_store %arg7[%swap3A_615, %swap3A_616], %gather3A_572 {strides = array<i32>} : memref<2x4096xf32, #tpu.memory_space<vmem>>, vector<16xf32>,
        %add3A_618 = arith.constant 96 : i32
        %add3A_619 = arith.addi %mul3A_472, %add3A_618 : i32
        %swap3A_620 = arith.constant 1 : i32
        %swap3A_621 = arith.index_cast %swap3A_620 : i32 to index
        %swap3A_622 = arith.index_cast %add3A_619 : i32 to index
        %swap3A_623 = tpu.vector_load %arg7[%swap3A_621, %swap3A_622] {strides = array<i32>} : memref<2x4096xf32, #tpu.memory_space<vmem>>, vector<16xf32>,
        tpu.vector_store %arg7[%swap3A_621, %swap3A_622], %gather3A_573 {strides = array<i32>} : memref<2x4096xf32, #tpu.memory_space<vmem>>, vector<16xf32>,
        %add3A_624 = arith.constant 112 : i32
        %add3A_625 = arith.addi %mul3A_472, %add3A_624 : i32
        %swap3A_626 = arith.constant 1 : i32
        %swap3A_627 = arith.index_cast %swap3A_626 : i32 to index
        %swap3A_628 = arith.index_cast %add3A_625 : i32 to index
        %swap3A_629 = tpu.vector_load %arg7[%swap3A_627, %swap3A_628] {strides = array<i32>} : memref<2x4096xf32, #tpu.memory_space<vmem>>, vector<16xf32>,
        tpu.vector_store %arg7[%swap3A_627, %swap3A_628], %gather3A_574 {strides = array<i32>} : memref<2x4096xf32, #tpu.memory_space<vmem>>, vector<16xf32>,
        %add3A_630 = arith.constant 128 : i32
        %add3A_631 = arith.addi %mul3A_472, %add3A_630 : i32
        %swap3A_632 = arith.constant 1 : i32
        %swap3A_633 = arith.index_cast %swap3A_632 : i32 to index
        %swap3A_634 = arith.index_cast %add3A_631 : i32 to index
        %swap3A_635 = tpu.vector_load %arg7[%swap3A_633, %swap3A_634] {strides = array<i32>} : memref<2x4096xf32, #tpu.memory_space<vmem>>, vector<16xf32>,
        tpu.vector_store %arg7[%swap3A_633, %swap3A_634], %gather3A_575 {strides = array<i32>} : memref<2x4096xf32, #tpu.memory_space<vmem>>, vector<16xf32>,
        %add3A_636 = arith.constant 144 : i32
        %add3A_637 = arith.addi %mul3A_472, %add3A_636 : i32
        %swap3A_638 = arith.constant 1 : i32
        %swap3A_639 = arith.index_cast %swap3A_638 : i32 to index
        %swap3A_640 = arith.index_cast %add3A_637 : i32 to index
        %swap3A_641 = tpu.vector_load %arg7[%swap3A_639, %swap3A_640] {strides = array<i32>} : memref<2x4096xf32, #tpu.memory_space<vmem>>, vector<16xf32>,
        tpu.vector_store %arg7[%swap3A_639, %swap3A_640], %gather3A_576 {strides = array<i32>} : memref<2x4096xf32, #tpu.memory_space<vmem>>, vector<16xf32>,
        %add3A_642 = arith.constant 160 : i32
        %add3A_643 = arith.addi %mul3A_472, %add3A_642 : i32
        %swap3A_644 = arith.constant 1 : i32
        %swap3A_645 = arith.index_cast %swap3A_644 : i32 to index
        %swap3A_646 = arith.index_cast %add3A_643 : i32 to index
        %swap3A_647 = tpu.vector_load %arg7[%swap3A_645, %swap3A_646] {strides = array<i32>} : memref<2x4096xf32, #tpu.memory_space<vmem>>, vector<16xf32>,
        tpu.vector_store %arg7[%swap3A_645, %swap3A_646], %gather3A_577 {strides = array<i32>} : memref<2x4096xf32, #tpu.memory_space<vmem>>, vector<16xf32>,
        %add3A_648 = arith.constant 176 : i32
        %add3A_649 = arith.addi %mul3A_472, %add3A_648 : i32
        %swap3A_650 = arith.constant 1 : i32
        %swap3A_651 = arith.index_cast %swap3A_650 : i32 to index
        %swap3A_652 = arith.index_cast %add3A_649 : i32 to index
        %swap3A_653 = tpu.vector_load %arg7[%swap3A_651, %swap3A_652] {strides = array<i32>} : memref<2x4096xf32, #tpu.memory_space<vmem>>, vector<16xf32>,
        tpu.vector_store %arg7[%swap3A_651, %swap3A_652], %gather3A_578 {strides = array<i32>} : memref<2x4096xf32, #tpu.memory_space<vmem>>, vector<16xf32>,
        %add3A_654 = arith.constant 192 : i32
        %add3A_655 = arith.addi %mul3A_472, %add3A_654 : i32
        %swap3A_656 = arith.constant 1 : i32
        %swap3A_657 = arith.index_cast %swap3A_656 : i32 to index
        %swap3A_658 = arith.index_cast %add3A_655 : i32 to index
        %swap3A_659 = tpu.vector_load %arg7[%swap3A_657, %swap3A_658] {strides = array<i32>} : memref<2x4096xf32, #tpu.memory_space<vmem>>, vector<16xf32>,
        tpu.vector_store %arg7[%swap3A_657, %swap3A_658], %gather3A_579 {strides = array<i32>} : memref<2x4096xf32, #tpu.memory_space<vmem>>, vector<16xf32>,
        %add3A_660 = arith.constant 208 : i32
        %add3A_661 = arith.addi %mul3A_472, %add3A_660 : i32
        %swap3A_662 = arith.constant 1 : i32
        %swap3A_663 = arith.index_cast %swap3A_662 : i32 to index
        %swap3A_664 = arith.index_cast %add3A_661 : i32 to index
        %swap3A_665 = tpu.vector_load %arg7[%swap3A_663, %swap3A_664] {strides = array<i32>} : memref<2x4096xf32, #tpu.memory_space<vmem>>, vector<16xf32>,
        tpu.vector_store %arg7[%swap3A_663, %swap3A_664], %gather3A_580 {strides = array<i32>} : memref<2x4096xf32, #tpu.memory_space<vmem>>, vector<16xf32>,
        %add3A_666 = arith.constant 224 : i32
        %add3A_667 = arith.addi %mul3A_472, %add3A_666 : i32
        %swap3A_668 = arith.constant 1 : i32
        %swap3A_669 = arith.index_cast %swap3A_668 : i32 to index
        %swap3A_670 = arith.index_cast %add3A_667 : i32 to index
        %swap3A_671 = tpu.vector_load %arg7[%swap3A_669, %swap3A_670] {strides = array<i32>} : memref<2x4096xf32, #tpu.memory_space<vmem>>, vector<16xf32>,
        tpu.vector_store %arg7[%swap3A_669, %swap3A_670], %gather3A_581 {strides = array<i32>} : memref<2x4096xf32, #tpu.memory_space<vmem>>, vector<16xf32>,
        %add3A_672 = arith.constant 240 : i32
        %add3A_673 = arith.addi %mul3A_472, %add3A_672 : i32
        %swap3A_674 = arith.constant 1 : i32
        %swap3A_675 = arith.index_cast %swap3A_674 : i32 to index
        %swap3A_676 = arith.index_cast %add3A_673 : i32 to index
        %swap3A_677 = tpu.vector_load %arg7[%swap3A_675, %swap3A_676] {strides = array<i32>} : memref<2x4096xf32, #tpu.memory_space<vmem>>, vector<16xf32>,
        tpu.vector_store %arg7[%swap3A_675, %swap3A_676], %gather3A_582 {strides = array<i32>} : memref<2x4096xf32, #tpu.memory_space<vmem>>, vector<16xf32>,
      }
      %scan3A_447 = arith.constant 16 : i32
      %dma_start3A_448 = arith.constant 1 : i32
      %dma_start3A_449 = arith.constant 0 : i32
      %dma_start3A_450 = tpu.memref_slice %arg7[%dma_start3A_448, %dma_start3A_449] : memref<2x4096xf32, #tpu.memory_space<vmem>> -> memref<1x4096xf32, #tpu.memory_space<vmem>>
      %dma_start3A_451 = tpu.memref_squeeze %dma_start3A_450 : memref<1x4096xf32, #tpu.memory_space<vmem>> -> memref<4096xf32, #tpu.memory_space<vmem>>
      %dma_start3A_452 = arith.constant 12288 : i32
      %dma_start3A_453 = tpu.memref_slice %arg4[%scan3A_254, %add3A, %dma_start3A_452] : memref<26x32x16384xf32, #tpu.memory_space<hbm>> -> memref<1x1x4096xf32, #tpu.memory_space<hbm>>
      %dma_start3A_454 = tpu.memref_squeeze %dma_start3A_453 : memref<1x1x4096xf32, #tpu.memory_space<hbm>> -> memref<4096xf32, #tpu.memory_space<hbm>>
      %dma_start3A_455 = arith.constant 12288 : i32
      %dma_start3A_456 = tpu.memref_slice %arg4[%scan3A_254, %add3A, %dma_start3A_455] : memref<26x32x16384xf32, #tpu.memory_space<hbm>> -> memref<1x1x4096xf32, #tpu.memory_space<hbm>>
      %dma_start3A_457 = tpu.memref_squeeze %dma_start3A_456 : memref<1x1x4096xf32, #tpu.memory_space<hbm>> -> memref<4096xf32, #tpu.memory_space<hbm>>
      %dma_start3A_458 = arith.constant 0 : i32
      %dma_start3A_459 = tpu.memref_slice %arg7[%dma_start3A_448, %dma_start3A_458] : memref<2x4096xf32, #tpu.memory_space<vmem>> -> memref<1x4096xf32, #tpu.memory_space<vmem>>
      %dma_start3A_460 = tpu.memref_squeeze %dma_start3A_459 : memref<1x4096xf32, #tpu.memory_space<vmem>> -> memref<4096xf32, #tpu.memory_space<vmem>>
      tpu.enqueue_dma source(%dma_start3A_460 : memref<4096xf32, #tpu.memory_space<vmem>>) target(%dma_start3A_457 : memref<4096xf32, #tpu.memory_space<hbm>>) target_semaphore(%arg9 : memref<!tpu.dma_semaphore, #tpu.memory_space<semaphore_mem>>)
      %add3A_461 = arith.constant 3 : i32
      %add3A_462 = arith.addi %mul3A_256, %add3A_461 : i32
      %add3A_463 = arith.constant 2 : i32
      %add3A_464 = arith.addi %add3A_462, %add3A_463 : i32
      %lt3A_465 = arith.constant 104 : i32
      %lt3A_466 = arith.cmpi slt, %add3A_464, %lt3A_465 : i32
      %convert_element_type3A_467 = arith.extui %lt3A_466 : i1 to i32
      %cond3A_468 = arith.constant 0 : i32
      %cond3A_469 = arith.cmpi ne, %convert_element_type3A_467, %cond3A_468 : i32
      scf.if %cond3A_469 {
        %mul3A_470 = arith.constant 4096 : i32
        %mul3A_471 = arith.muli %add3A_464, %mul3A_470 : i32
        %dma_start3A_472 = arith.constant 1 : i32
        %dma_start3A_473 = arith.constant 0 : i32
        %dma_start3A_474 = tpu.memref_slice %arg6[%dma_start3A_472, %dma_start3A_473] : memref<2x4096xi32, #tpu.memory_space<vmem>> -> memref<1x4096xi32, #tpu.memory_space<vmem>>
        %dma_start3A_475 = tpu.memref_squeeze %dma_start3A_474 : memref<1x4096xi32, #tpu.memory_space<vmem>> -> memref<4096xi32, #tpu.memory_space<vmem>>
        %dma_start3A_476 = tpu.memref_slice %arg2[%mul3A_471] : memref<425984xi32, #tpu.memory_space<hbm>> -> memref<4096xi32, #tpu.memory_space<hbm>>
        %dma_start3A_477 = arith.constant 0 : i32
        %dma_start3A_478 = tpu.memref_slice %arg6[%dma_start3A_472, %dma_start3A_477] : memref<2x4096xi32, #tpu.memory_space<vmem>> -> memref<1x4096xi32, #tpu.memory_space<vmem>>
        %dma_start3A_479 = tpu.memref_squeeze %dma_start3A_478 : memref<1x4096xi32, #tpu.memory_space<vmem>> -> memref<4096xi32, #tpu.memory_space<vmem>>
        %dma_start3A_480 = tpu.memref_slice %arg2[%mul3A_471] : memref<425984xi32, #tpu.memory_space<hbm>> -> memref<4096xi32, #tpu.memory_space<hbm>>
        tpu.enqueue_dma source(%dma_start3A_480 : memref<4096xi32, #tpu.memory_space<hbm>>) target(%dma_start3A_479 : memref<4096xi32, #tpu.memory_space<vmem>>) target_semaphore(%arg8 : memref<!tpu.dma_semaphore, #tpu.memory_space<semaphore_mem>>)
      } else {
      }
    }
    %scan3A_223 = arith.constant 25 : i32
    %dma_wait3A_224 = arith.constant 0 : i32
    %dma_wait3A_225 = arith.constant 0 : i32
    %dma_wait3A_226 = arith.constant 0 : i32
    %dma_wait3A_227 = arith.constant 0 : i32
    %dma_wait3A_228 = tpu.memref_slice %arg7[%dma_wait3A_224, %dma_wait3A_227] : memref<2x4096xf32, #tpu.memory_space<vmem>> -> memref<1x4096xf32, #tpu.memory_space<vmem>>
    %dma_wait3A_229 = tpu.memref_squeeze %dma_wait3A_228 : memref<1x4096xf32, #tpu.memory_space<vmem>> -> memref<4096xf32, #tpu.memory_space<vmem>>
    %dma_wait3A_230 = arith.constant 0 : i32
    %dma_wait3A_231 = tpu.memref_slice %arg4[%dma_wait3A_225, %dma_wait3A_226, %dma_wait3A_230] : memref<26x32x16384xf32, #tpu.memory_space<hbm>> -> memref<1x1x4096xf32, #tpu.memory_space<hbm>>
    %dma_wait3A_232 = tpu.memref_squeeze %dma_wait3A_231 : memref<1x1x4096xf32, #tpu.memory_space<hbm>> -> memref<4096xf32, #tpu.memory_space<hbm>>
    %dma_wait3A_233 = arith.constant 0 : i32
    %dma_wait3A_234 = tpu.memref_slice %arg4[%dma_wait3A_225, %dma_wait3A_226, %dma_wait3A_233] : memref<26x32x16384xf32, #tpu.memory_space<hbm>> -> memref<1x1x4096xf32, #tpu.memory_space<hbm>>
    %dma_wait3A_235 = tpu.memref_squeeze %dma_wait3A_234 : memref<1x1x4096xf32, #tpu.memory_space<hbm>> -> memref<4096xf32, #tpu.memory_space<hbm>>
    %dma_wait3A_236 = arith.constant 0 : i32
    %dma_wait3A_237 = tpu.memref_slice %arg7[%dma_wait3A_224, %dma_wait3A_236] : memref<2x4096xf32, #tpu.memory_space<vmem>> -> memref<1x4096xf32, #tpu.memory_space<vmem>>
    %dma_wait3A_238 = tpu.memref_squeeze %dma_wait3A_237 : memref<1x4096xf32, #tpu.memory_space<vmem>> -> memref<4096xf32, #tpu.memory_space<vmem>>
    tpu.wait_dma2 semaphore(%arg9 : memref<!tpu.dma_semaphore, #tpu.memory_space<semaphore_mem>>) src(%dma_wait3A_238 : memref<4096xf32, #tpu.memory_space<vmem>>) dst(%dma_wait3A_235 : memref<4096xf32, #tpu.memory_space<hbm>>)
    %dma_wait3A_239 = arith.constant 1 : i32
    %dma_wait3A_240 = arith.constant 0 : i32
    %dma_wait3A_241 = arith.constant 0 : i32
    %dma_wait3A_242 = arith.constant 0 : i32
    %dma_wait3A_243 = tpu.memref_slice %arg7[%dma_wait3A_239, %dma_wait3A_242] : memref<2x4096xf32, #tpu.memory_space<vmem>> -> memref<1x4096xf32, #tpu.memory_space<vmem>>
    %dma_wait3A_244 = tpu.memref_squeeze %dma_wait3A_243 : memref<1x4096xf32, #tpu.memory_space<vmem>> -> memref<4096xf32, #tpu.memory_space<vmem>>
    %dma_wait3A_245 = arith.constant 0 : i32
    %dma_wait3A_246 = tpu.memref_slice %arg4[%dma_wait3A_240, %dma_wait3A_241, %dma_wait3A_245] : memref<26x32x16384xf32, #tpu.memory_space<hbm>> -> memref<1x1x4096xf32, #tpu.memory_space<hbm>>
    %dma_wait3A_247 = tpu.memref_squeeze %dma_wait3A_246 : memref<1x1x4096xf32, #tpu.memory_space<hbm>> -> memref<4096xf32, #tpu.memory_space<hbm>>
    %dma_wait3A_248 = arith.constant 0 : i32
    %dma_wait3A_249 = tpu.memref_slice %arg4[%dma_wait3A_240, %dma_wait3A_241, %dma_wait3A_248] : memref<26x32x16384xf32, #tpu.memory_space<hbm>> -> memref<1x1x4096xf32, #tpu.memory_space<hbm>>
    %dma_wait3A_250 = tpu.memref_squeeze %dma_wait3A_249 : memref<1x1x4096xf32, #tpu.memory_space<hbm>> -> memref<4096xf32, #tpu.memory_space<hbm>>
    %dma_wait3A_251 = arith.constant 0 : i32
    %dma_wait3A_252 = tpu.memref_slice %arg7[%dma_wait3A_239, %dma_wait3A_251] : memref<2x4096xf32, #tpu.memory_space<vmem>> -> memref<1x4096xf32, #tpu.memory_space<vmem>>
    %dma_wait3A_253 = tpu.memref_squeeze %dma_wait3A_252 : memref<1x4096xf32, #tpu.memory_space<vmem>> -> memref<4096xf32, #tpu.memory_space<vmem>>
    tpu.wait_dma2 semaphore(%arg9 : memref<!tpu.dma_semaphore, #tpu.memory_space<semaphore_mem>>) src(%dma_wait3A_253 : memref<4096xf32, #tpu.memory_space<vmem>>) dst(%dma_wait3A_250 : memref<4096xf32, #tpu.memory_space<hbm>>)
    return
  }
}

</mosaic_0001>

<sc_bundles>
// kernel: kernel.3.cloned.1.call-start
scs
__scs_entry_jumppad:
0x0: {  	(pc) =	sbr.rel $0x88, $3  }
0x1: {  	(tag) =	ssettag $0x0;
	lr =	simm.s32 $0x1  }
0x2: {  	[smem:$0x3F9F] =	sst lr;
	_ =	strace $0xD0000000  }
0x3: {  	_ = 	snop  }
0x4: {  	_ = 	snop  }
0x5: {  	_ = 	snop  }
0x6: {  	_ = 	snop  }
0x7: {  	_ = 	snop  }
__scs_overlays_trampoline_lowered:
0x8: {  	[smem:$0x3FAE] =	sst s0  }
0x9: {  	[smem:$0x3FAF] =	sst s1  }
0xa: {  	[smem:$0x3FB0] =	sst s2  }
0xb: {  	[smem:$0x3FB1] =	sst s3  }
0xc: {  	[smem:$0x3FB2] =	sst s4  }
0xd: {  	[smem:$0x3FB3] =	sst s5  }
0xe: {  	[smem:$0x3FB4] =	sst s6  }
0xf: {  	[smem:$0x3FB5] =	sst s7  }
0x10: {  	[smem:$0x3FB6] =	sst s8  }
0x11: {  	[smem:$0x3FB7] =	sst s9;
	s0 =	simm.s32 @!p0 $0x0  }
0x12: {  	s1 =	sld [smem:$0x3F9D];
	s0 =	simm.s32 @p0 $0x1  }
0x13: {  	[smem:$0x3FB8] =	sst s0;
	s0 =	simm.s32 @!p1 $0x0  }
0x14: {  	s2 =	sld [smem:$0x3F9C];
	s0 =	simm.s32 @p1 $0x1  }
0x15: {  	[smem:$0x3FB9] =	sst s0;
	s0 =	simm.s32 @!p2 $0x0  }
0x16: {  	s3 =	sld [smem:$0x3FDB];
	s0 =	simm.s32 @p2 $0x1  }
0x17: {  	s4 =	simm.s32 $0x1BF5;
	[smem:$0x3FBB] =	sst s0  }
0x18: {  	s0 =	sld [smem:$0x3F9E];
	_ =	swait.ge [sflag:s4], $0x0  }
0x19: {  	s7 =	sld [smem:$0x3F9F]  }
0x1a: {  	s8 =	sadd.s32 $0xFFFFE003, lr  }
0x1b: {  	s9 =	sadd.s32 $0xFFFFFEF7, lr;
	s5 =	simm.s32 $0xFFFFFFFF;
	p2 =	slt.u32 s8, $0xFFFFF086  }
0x1c: {  	p1 =	slt.u32 s9, $0xF7A;
	s5 =	simm.s32 @!p2 $0x0  }
0x1d: {  	s5 =	simm.s32 @p1 $0x1;
	p0 =	seq.s32 s7, s2  }
0x1e: {  	s7 =	smul.u32 @!p0 $0xF7A, s2;
	p2 =	seq.s32 @!p0 s5, $0x0  }
0x1f: {  	s9 =	smul.u32 $0xF7A, s1;
	s8 =	simm.s32 @!p0 $0x1BF5;
	p2 =	por !p2, p0  }
0x20: {  	[sflag:s8] =	ssyncset.s32 @!p0 $0xFFFFF086;
	s6 =	sadd.s32 @!p0 s3, s7;
	s7 =	simm.s32 @!p0 $0x108  }
0x21: {  	s3 =	sadd.s32 s3, s9;
	s6 =	sadd.s32 @!p0 $0x88, s6;
	s7 =	simm.s32 @p2 $0x1082  }
0x22: {  	[simem:s7], [sflag:s8] =	dma.local @!p0 [hbm:s6], $0xF7A  }
0x23: {  	s9 =	sor.u32 $0xD0000000, s2;
	s6 =	simm.s32 $0x108;
	_ =	swait.ge @!p0 [sflag:s8], $0x0  }
0x24: {  	s3 =	sadd.s32 $0x88, s3;
	s6 =	simm.s32 @!p1 $0x1082;
	[sflag:s4] =	ssyncset.s32 $0xFFFFF086  }
0x25: {  	[simem:s6], [sflag:s4] =	dma.local [hbm:s3], $0xF7A  }
0x26: {  	[smem:$0x3F9F] =	sst s1;
	(tag) =	ssettag s2;
	_ =	strace s9  }
0x27: {  	s1 =	sld [smem:$0x3FAF]  }
0x28: {  	s2 =	sld [smem:$0x3FB0]  }
0x29: {  	s4 =	sld [smem:$0x3FB2]  }
0x2a: {  	p0 =	seq.s32 s5, $0x0;
	s5 =	sld [smem:$0x3FB3]  }
0x2b: {  	s6 =	sld [smem:$0x3FB4]  }
0x2c: {  	s7 =	sld [smem:$0x3FB5]  }
0x2d: {  	s3 =	simm.s32 $0x108;
	s8 =	sld [smem:$0x3FB6]  }
0x2e: {  	s3 =	simm.s32 @!p0 $0x1082;
	s9 =	sld [smem:$0x3FB7]  }
0x2f: {  	lr =	sadd.s32 s0, s3;
	s0 =	sld [smem:$0x3FAE]  }
0x30: {  	s3 =	sld [smem:$0x3FB1]  }
0x31: {  	[smem:$0x3FBA] =	sst s10  }
0x32: {  	s10 =	sld [smem:$0x3FB8];
	_ =	sdelay $0x3  }
0x33: {  	p0 =	seq.s32 s10, $0x1;
	s10 =	sld [smem:$0x3FBA];
	_ =	sdelay $0x3  }
0x34: {  	[smem:$0x3FBA] =	sst s10  }
0x35: {  	s10 =	sld [smem:$0x3FB9];
	_ =	sdelay $0x3  }
0x36: {  	p1 =	seq.s32 s10, $0x1;
	s10 =	sld [smem:$0x3FBA];
	_ =	sdelay $0x3  }
0x37: {  	[smem:$0x3FBA] =	sst s10  }
0x38: {  	s10 =	sld [smem:$0x3FBB]  }
0x39: {  	_ = 	snop;
	(pc) =	sbr.ind lr, $3  }
0x3a: {  	_ = 	snop  }
0x3b: {  	_ = 	snop  }
0x3c: {  	p2 =	seq.s32 s10, $0x1;
	s10 =	sld [smem:$0x3FBA]  }
0x3d: {  	_ =	shalt  }
0x3e: {  	_ =	shalt  }
0x3f: {  	_ =	shalt  }
0x40: {  	_ =	shalt  }
0x41: {  	_ =	shalt  }
0x42: {  	_ =	shalt  }
0x43: {  	_ =	shalt  }
0x44: {  	_ =	shalt  }
0x45: {  	_ =	shalt  }
0x46: {  	_ =	shalt  }
0x47: {  	_ =	shalt  }
0x48: {  	_ =	shalt  }
0x49: {  	_ =	shalt  }
0x4a: {  	_ =	shalt  }
0x4b: {  	_ =	shalt  }
0x4c: {  	_ =	shalt  }
0x4d: {  	_ =	shalt  }
0x4e: {  	_ =	shalt  }
0x4f: {  	_ =	shalt  }
0x50: {  	_ =	shalt  }
0x51: {  	_ =	shalt  }
0x52: {  	_ =	shalt  }
0x53: {  	_ =	shalt  }
0x54: {  	_ =	shalt  }
0x55: {  	_ =	shalt  }
0x56: {  	_ =	shalt  }
0x57: {  	_ =	shalt  }
0x58: {  	_ =	shalt  }
0x59: {  	_ =	shalt  }
0x5a: {  	_ =	shalt  }
0x5b: {  	_ =	shalt  }
0x5c: {  	_ =	shalt  }
0x5d: {  	_ =	shalt  }
0x5e: {  	_ =	shalt  }
0x5f: {  	_ =	shalt  }
0x60: {  	_ =	shalt  }
0x61: {  	_ =	shalt  }
0x62: {  	_ =	shalt  }
0x63: {  	_ =	shalt  }
0x64: {  	_ =	shalt  }
0x65: {  	_ =	shalt  }
0x66: {  	_ =	shalt  }
0x67: {  	_ =	shalt  }
0x68: {  	_ =	shalt  }
0x69: {  	_ =	shalt  }
0x6a: {  	_ =	shalt  }
0x6b: {  	_ =	shalt  }
0x6c: {  	_ =	shalt  }
0x6d: {  	_ =	shalt  }
0x6e: {  	_ =	shalt  }
0x6f: {  	_ =	shalt  }
0x70: {  	_ =	shalt  }
0x71: {  	_ =	shalt  }
0x72: {  	_ =	shalt  }
0x73: {  	_ =	shalt  }
0x74: {  	_ =	shalt  }
0x75: {  	_ =	shalt  }
0x76: {  	_ =	shalt  }
0x77: {  	_ =	shalt  }
0x78: {  	_ =	shalt  }
0x79: {  	_ =	shalt  }
0x7a: {  	_ =	shalt  }
0x7b: {  	_ =	shalt  }
0x7c: {  	_ =	shalt  }
0x7d: {  	_ =	shalt  }
0x7e: {  	_ =	shalt  }
0x7f: {  	_ =	shalt  }
0x80: {  	_ =	shalt  }
0x81: {  	_ =	shalt  }
0x82: {  	_ =	shalt  }
0x83: {  	_ =	shalt  }
0x84: {  	_ =	shalt  }
0x85: {  	_ =	shalt  }
0x86: {  	_ =	shalt  }
0x87: {  	_ =	shalt  }
.Lfunc_end0:
.L_simem_size_0:
called_computation_lowered:
.L_overlay_start_0:
0x88: {  	s2 =	sld [smem:$0x3FD9]  }
0x89: {  	s3 =	sld [smem:$0x3FFE];
	_ =	sdelay $0x1  }
0x8a: {  	s1 =	srdreg.scid  }
0x8b: {  	s0 =	sand.u32 $0x1, s1  }
0x8c: {  	s17 =	sshll.u32 s0, $0xA;
	s2 =	sadd.s32 s3, s2  }
0x8d: {  	s2 =	sadd.s32 s2, s17  }
0x8e: {  	[smem:$0x3FC6] =	sst s2  }
0x8f: {  	_ = 	snop  }
0x90: {  	s2 =	sld [smem:$0x3FC8]  }
0x91: {  	s18 =	sld [smem:$0x3FD0];
	(tm) =	ssettm $0x1  }
0x92: {  	s4 =	sld [smem:$0x3FFB];
	_ =	sdelay $0x3  }
0x93: {  	_ =	strace s4  }
0x94: {  	s4 =	sld [smem:$0x3FFC];
	_ =	sdelay $0x3  }
0x95: {  	_ =	strace s4  }
0x96: {  	s4 =	sld [smem:$0x3FFD];
	_ =	sdelay $0x3  }
0x97: {  	_ =	strace s4  }
0x98: {  	_ =	strace $0x8FFFFFFF  }
0x99: {  	s19 =	sld [smem:$0x3FDB];
	_ =	sdelay $0x1  }
0x9a: {  	s5 =	simm.s32 $_scs_section_size  }
0x9b: {  	s6 =	simm.s32 $_size__tile_overlayer_lowered;
	s7 =	simm.s32 $_tile_overlayer_lowered  }
0x9c: {  	s22 =	simm.s32 $0x1BFF;
	s21 =	sshll.u32 s7, $0x1;
	s4 =	sadd.s32 s5, s19  }
0x9d: {  	s8 =	simm.s32 $0x0;
	s20 =	sshll.u32 s6, $0x1;
	s6 =	sadd.s32 s21, s4  }
0x9e: {  	[timem:s8], [sflag:s22] =	dma.local [hbm:s6], s20  }
0x9f: {  	_ =	swait.ge [sflag:s22], s20  }
0xa0: {  	s5 =	ssub.s32 $0x0, s20;
	[sflag:s22] =	ssyncset.done $0x0  }
0xa1: {  	[sflag:s22] =	ssyncadd.s32 s5;
	_ =	sdelay $0x1  }
0xa2: {  	s23 =	simm.s32 $0x1B8B  }
0xa3: {  	_ =	swait.ge [sflag:s23], $0x1  }
0xa4: {  	[sflag:s23] =	ssyncset.done $0x0  }
0xa5: {  	s25 =	simm.s32 $0x1B8E;
	s24 =	sld [smem:$0x3FFE];
	[sflag:s23] =	ssyncadd.s32 $0xFFFFFFFF  }
0xa6: {  	s26 =	simm.s32 $execute0_lowered;
	[smem:$0x3FD2] =	sst s25  }
0xa7: {  	s6 =	sshll.u32 s26, $0x1;
	_ =	strace $0x80000046;
	[dreg:$0x1] =	wrdreg $0xFFFFFFFF  }
0xa8: {  	s28 =	simm.s32 $_size_execute0_lowered;
	s4 =	sadd.s32 s4, s6;
	[dreg:$0x0] =	wrdreg $0x0  }
0xa9: {  	s6 =	sshll.u32 s28, $0x1;
	[dreg:$0x2] =	wrdreg s4  }
0xaa: {  	[dreg:$0x3] =	wrdreg s6  }
0xab: {  	[dreg:$0x4] =	wrdreg $0xC0  }
0xac: {  	_ =	task [dreg:s8], $0x5FFFF  }
0xad: {  	[dreg:$0x1] =	wrdreg $0xFFFFFFFF  }
0xae: {  	[dreg:$0x0] =	wrdreg $0x60  }
0xaf: {  	[dreg:$0x2] =	wrdreg s24  }
0xb0: {  	[dreg:$0x3] =	wrdreg s2  }
0xb1: {  	[dreg:$0x4] =	wrdreg s18  }
0xb2: {  	[dreg:$0x5] =	wrdreg $0x9  }
0xb3: {  	_ =	task.clear_ibuf [dreg:s8], $0x6FFFF;
	_ =	strace $0x90000046  }
0xb4: {  	s29 =	simm.s32 $0x9;
	_ =	strace $0x80000048  }
0xb5: {  	_ =	swait.ge [sflag:s29], $0x1  }
0xb6: {  	[sflag:s29] =	ssyncadd.s32 $0xFFFFFFFF  }
0xb7: {  	_ =	strace $0x90000048  }
0xb8: {  	_ =	sfence  }
0xb9: {  	s30 =	sld [smem:$0x0];
	_ =	sdelay $0x2  }
0xba: {  	s31 =	sshll.u32 s1, $0xD;
	s1 =	sshrl.u32 s1, $0x2  }
0xbb: {  	s3 =	sand.u32 $0x4000, s31;
	s1 =	sadd.s32 s1, s30  }
0xbc: {  	s0 =	sor.u32 s3, s0;
	s1 =	sshll.u32 s1, $0x11  }
0xbd: {  	s0 =	sor.u32 s1, s0  }
0xbe: {  	s0 =	sadd.s32 $0x8F2B, s0  }
0xbf: {  	[sflag:s0] =	ssyncadd.remote.s32 $0x1  }
0xc0: {  	_ =	sfence.sel $0xFFFF  }
0xc1: {  	[dreg:$0x0] =	wrdreg $0xFFFFFFFF;
	(pc) =	sbr.abs _section_cstart, $3  }
0xc2: {  	[dreg:$0x1] =	wrdreg $0xFFFFFFFF  }
0xc3: {  	_ =	task.clear_ibuf [dreg:s8], $0x2FFFF;
	_ =	strace $0x9FFFFFFF  }
0xc4: {  	(tm) =	ssettm $0x7FFFFFFF  }
0xc5: {  	_ =	shalt  }
tec
execute0_lowered:
.L_overlay_start_1:
0x0: {  	(tag) =	ssettag $0x1  }
0x1: {  	s0 =	rddreg [dreg:$0x0]  }
0x2: {  	s2 =	rddreg [dreg:$0x1]  }
0x3: {  	s1 =	rddreg [dreg:$0x2];
	s3 =	simm.s32 $0x0;
	s4 =	srdreg.scid  }
0x4: {  	s7 =	stileid.u32;
	s21 =	simm.s32 $0x400;
	s22 =	simm.s32 $0x3  }
0x5: {  	s23 =	simm.s32 $0x1;
	s24 =	simm.s32 $0x2;
	s25 =	simm.s32 $0x0  }
0x6: {  	[smem:$0x7FF] =	sst s3;
	s5 =	sand.u32 $0x1, s4;
	s6 =	sshrl.u32 s7, $0x2  }
0x7: {  	s26 =	sshll.u32 s7, $0x8;
	s4 =	sadd.s32 $0x400, s0;
	s10 =	sadd.s32 $0x1000, s1  }
0x8: {  	s12 =	sadd.s32 $0xA00, s0;
	s13 =	sadd.s32 $0x2000, s1;
	s15 =	sadd.s32 $0xC00, s0  }
0x9: {  	s16 =	sadd.s32 $0x3000, s1;
	s18 =	sadd.s32 $0xE00, s0;
	_ =	strace $0x80000047  }
0xa: {  	s28 =	sshll.u32 s5, $0x7;
	s8 =	sand.u32 $0x300, s26;
	s9 =	smul.u32 $0xC3800, s6  }
0xb: {  	s5 =	ssub.s32 $0x2, s5;
	s6 =	sshll.u32 s6, $0x11;
	s7 =	sor.u32 s28, s8  }
.Ltmp0:
0xc: {  	s29 =	sshrl.u32 s5, $0x1;
	s9 =	sor.u32 s9, s7;
	(pc) =	sbr.rel .LBB2_1-.Ltmp0, $4  }
0xd: {  	s19 =	ssub.s32 s5, s29;
	s5 =	sor.u32 s6, s7;
	s7 =	sadd.s32 $0x600, s0  }
0xe: {  	s30 =	sshrl.u32 s9, $0x3;
	s31 =	sshrl.u32 s5, $0x3;
	s9 =	sadd.s32 $0x800, s0  }
0xf: {  	s19 =	smax.u32 s19, $0x1;
	s6 =	sadd.s32 s2, s30;
	s8 =	sadd.s32 s1, s31  }
0x10: {  	s11 =	sadd.s32 s31, s10;
	s14 =	sadd.s32 s31, s13;
	s17 =	sadd.s32 s31, s16  }
.LBB2_58:
0x11: {  	s25 =	sadd.s32 $0x1, s25  }
0x12: {  	_ =	swait.ge [sflag:s24], $0x1000;
	p0 =	sne.s32 s25, s19  }
.Ltmp1:
0x13: {  	[sflag:s24] =	ssyncset.done $0x0;
	(pc) =	sbr.rel @!p0 .LBB2_59-.Ltmp1, $4  }
0x14: {  	[sflag:s24] =	ssyncadd.s32 $0xFFFFF000  }
0x15: {  	_ =	swait.ge [sflag:s24], $0x1000  }
0x16: {  	[sflag:s24] =	ssyncset.done $0x0  }
0x17: {  	[sflag:s24] =	ssyncadd.s32 $0xFFFFF000  }
.LBB2_1:
0x18: {  	s0 =	simm.s32 $0x80  }
0x19: {  	[tilespmem:s3], [sflag:$0x3] =	stream.strided.gather [hbm4b:s6+s0], $0x18700, s21, s0, $0x38;
	[tilespmem:$0x1C700] =	vst v63  }
0x1a: {  	_ =	swait.ge [sflag:s22], $0x18700  }
0x1b: {  	s26 =	simm.s32 $0x10;
	s2 =	sadd.s32 $0x0, s4;
	[sflag:s22] =	ssyncset.done $0x0  }
0x1c: {  	s28 =	simm.s32 $0x18800;
	s0 =	simm.s32 $0x18700;
	[sflag:s22] =	ssyncadd.s32 $0xFFFE7900  }
.LBB2_2:
0x1d: {  	[tilespmem:s0], [sflag:$0x1] =	stream.linear.gather [hbm4b:s2+s3], $0x80, $0x38;
	[tilespmem:$0x1C700] =	vst v63  }
0x1e: {  	s2 =	smov.u32 s26;
	s0 =	smov.u32 s28;
	p0 =	sne.s32 s26, $0x1F0  }
.Ltmp2:
0x1f: {  	s26 =	sadd.s32 $0x10, s26;
	(pc) =	sbr.rel @p0 .LBB2_2-.Ltmp2, $2  }
0x20: {  	_ =	sdelay $0x2  }
0x21: {  	s28 =	sadd.s32 $0x100, s28;
	s2 =	sadd.s32 s2, s4  }
0x22: {  	[tilespmem:s0], [sflag:$0x1] =	stream.linear.gather [hbm4b:s2+s3], $0x80, $0x38;
	[tilespmem:$0x1C700] =	vst v63  }
0x23: {  	s0 =	simm.s32 $0x18780  }
0x24: {  	s26 =	simm.s32 $0x10;
	s2 =	sadd.s32 $0x0, s7;
	s28 =	simm.s32 $0x18880  }
.LBB2_4:
0x25: {  	[tilespmem:s0], [sflag:$0x1] =	stream.linear.gather [hbm4b:s2+s3], $0x80, $0x38;
	[tilespmem:$0x1C700] =	vst v63  }
0x26: {  	s2 =	smov.u32 s26;
	s0 =	smov.u32 s28;
	p0 =	sne.s32 s26, $0x1F0  }
.Ltmp3:
0x27: {  	s26 =	sadd.s32 $0x10, s26;
	(pc) =	sbr.rel @p0 .LBB2_4-.Ltmp3, $2  }
0x28: {  	_ =	sdelay $0x2  }
0x29: {  	s28 =	sadd.s32 $0x100, s28;
	s2 =	sadd.s32 s2, s7  }
0x2a: {  	[tilespmem:s0], [sflag:$0x1] =	stream.linear.gather [hbm4b:s2+s3], $0x80, $0x38;
	[tilespmem:$0x1C700] =	vst v63  }
0x2b: {  	_ =	swait.ge [sflag:s23], $0x1000  }
0x2c: {  	[sflag:s23] =	ssyncset.done $0x0  }
0x2d: {  	s26 =	simm.s32 $0x0;
	[sflag:s23] =	ssyncadd.s32 $0xFFFFF000  }
0x2e: {  	v14 =	vld [tilespmem:s26+$0x18700]  }
0x2f: {  	v0 =	vld [tilespmem:s26+$0x18710]  }
0x30: {  	v1 =	vld [tilespmem:s26+$0x18720]  }
0x31: {  	v2 =	vld [tilespmem:s26+$0x18730]  }
0x32: {  	v3 =	vld [tilespmem:s26+$0x18740]  }
0x33: {  	v4 =	vld [tilespmem:s26+$0x18750]  }
0x34: {  	v5 =	vld [tilespmem:s26+$0x18760]  }
0x35: {  	v7 =	vld [tilespmem:s26+$0x18770]  }
0x36: {  	v9 =	vld [tilespmem:s26+$0x18800]  }
0x37: {  	v6 =	vld [tilespmem:s26+$0x18810]  }
0x38: {  	v8 =	vld [tilespmem:s26+$0x18820]  }
0x39: {  	v10 =	vld [tilespmem:s26+$0x18830]  }
0x3a: {  	v11 =	vld [tilespmem:s26+$0x18840]  }
0x3b: {  	v12 =	vld [tilespmem:s26+$0x18850]  }
0x3c: {  	v13 =	vld [tilespmem:s26+$0x18860]  }
0x3d: {  	v15 =	vld [tilespmem:s26+$0x18870]  }
0x3e: {  	s28 =	simm.s32 $0x800;
	v14 =	vld.idx.msk [tilespmem:v14+s3+$0x0], $0xffff  }
.LBB2_6:
0x3f: {  	p0 =	sne.s32 s28, $0x7800;
	v16 =	vld.idx.msk [tilespmem:v0+s3+$0x0], $0xffff  }
0x40: {  	v17 =	vld.idx.msk [tilespmem:v1+s3+$0x0], $0xffff  }
0x41: {  	v18 =	vld.idx.msk [tilespmem:v2+s3+$0x0], $0xffff  }
0x42: {  	v19 =	vld.idx.msk [tilespmem:v3+s3+$0x0], $0xffff  }
0x43: {  	v20 =	vld.idx.msk [tilespmem:v4+s3+$0x0], $0xffff  }
0x44: {  	v21 =	vld.idx.msk [tilespmem:v5+s3+$0x0], $0xffff  }
0x45: {  	v22 =	vld.idx.msk [tilespmem:v7+s3+$0x0], $0xffff  }
0x46: {  	v23 =	vld.idx.msk [tilespmem:v9+s3+$0x0], $0xffff  }
0x47: {  	v0 =	vld.idx.msk [tilespmem:v15+s3+$0x0], $0xffff  }
0x48: {  	v15 =	vld.idx.msk [tilespmem:v6+s3+$0x0], $0xffff  }
0x49: {  	v24 =	vld.idx.msk [tilespmem:v8+s3+$0x0], $0xffff  }
0x4a: {  	v25 =	vld.idx.msk [tilespmem:v10+s3+$0x0], $0xffff  }
0x4b: {  	v26 =	vld.idx.msk [tilespmem:v11+s3+$0x0], $0xffff  }
0x4c: {  	v27 =	vld.idx.msk [tilespmem:v12+s3+$0x0], $0xffff  }
0x4d: {  	s0 =	sshra.s32 s28, $0x2;
	v28 =	vld.idx.msk [tilespmem:v13+s3+$0x0], $0xffff;
	[tilespmem:s26+$0x1A870] =	vst v0  }
0x4e: {  	v29 =	vld [tilespmem:s0+$0x18700];
	[tilespmem:s26+$0x1A700] =	vst v14  }
0x4f: {  	v0 =	vld [tilespmem:s0+$0x18710];
	[tilespmem:s26+$0x1A710] =	vst v16  }
0x50: {  	v1 =	vld [tilespmem:s0+$0x18720];
	[tilespmem:s26+$0x1A720] =	vst v17  }
0x51: {  	v2 =	vld [tilespmem:s0+$0x18730];
	[tilespmem:s26+$0x1A730] =	vst v18  }
0x52: {  	v3 =	vld [tilespmem:s0+$0x18740];
	[tilespmem:s26+$0x1A740] =	vst v19  }
0x53: {  	v4 =	vld [tilespmem:s0+$0x18750];
	[tilespmem:s26+$0x1A750] =	vst v20  }
0x54: {  	v5 =	vld [tilespmem:s0+$0x18760];
	[tilespmem:s26+$0x1A760] =	vst v21  }
0x55: {  	v7 =	vld [tilespmem:s0+$0x18770];
	[tilespmem:s26+$0x1A770] =	vst v22  }
0x56: {  	v9 =	vld [tilespmem:s0+$0x18800];
	[tilespmem:s26+$0x1A800] =	vst v23  }
0x57: {  	v6 =	vld [tilespmem:s0+$0x18810];
	[tilespmem:s26+$0x1A810] =	vst v15  }
0x58: {  	v8 =	vld [tilespmem:s0+$0x18820];
	[tilespmem:s26+$0x1A820] =	vst v24  }
0x59: {  	v10 =	vld [tilespmem:s0+$0x18830];
	[tilespmem:s26+$0x1A830] =	vst v25  }
.Ltmp4:
0x5a: {  	v11 =	vld [tilespmem:s0+$0x18840];
	[tilespmem:s26+$0x1A840] =	vst v26;
	(pc) =	sbr.rel @p0 .LBB2_6-.Ltmp4, $4  }
0x5b: {  	v12 =	vld [tilespmem:s0+$0x18850];
	[tilespmem:s26+$0x1A850] =	vst v27  }
0x5c: {  	v13 =	vld [tilespmem:s0+$0x18860];
	[tilespmem:s26+$0x1A860] =	vst v28;
	s26 =	smov.u32 s0  }
0x5d: {  	v15 =	vld [tilespmem:s26+$0x18870]  }
0x5e: {  	s28 =	sadd.s32 $0x800, s28;
	v14 =	vld.idx.msk [tilespmem:v29+s3+$0x0], $0xffff  }
0x5f: {  	_ =	sdelay $0x3  }
0x60: {  	v0 =	vld.idx.msk [tilespmem:v0+s3+$0x0], $0xffff  }
0x61: {  	v1 =	vld.idx.msk [tilespmem:v1+s3+$0x0], $0xffff  }
0x62: {  	v2 =	vld.idx.msk [tilespmem:v2+s3+$0x0], $0xffff  }
0x63: {  	v3 =	vld.idx.msk [tilespmem:v3+s3+$0x0], $0xffff  }
0x64: {  	v4 =	vld.idx.msk [tilespmem:v4+s3+$0x0], $0xffff  }
0x65: {  	v5 =	vld.idx.msk [tilespmem:v5+s3+$0x0], $0xffff  }
0x66: {  	v7 =	vld.idx.msk [tilespmem:v7+s3+$0x0], $0xffff  }
0x67: {  	v9 =	vld.idx.msk [tilespmem:v9+s3+$0x0], $0xffff  }
0x68: {  	v6 =	vld.idx.msk [tilespmem:v6+s3+$0x0], $0xffff  }
0x69: {  	v8 =	vld.idx.msk [tilespmem:v8+s3+$0x0], $0xffff  }
0x6a: {  	v10 =	vld.idx.msk [tilespmem:v10+s3+$0x0], $0xffff  }
0x6b: {  	v11 =	vld.idx.msk [tilespmem:v11+s3+$0x0], $0xffff  }
0x6c: {  	v12 =	vld.idx.msk [tilespmem:v12+s3+$0x0], $0xffff  }
0x6d: {  	v13 =	vld.idx.msk [tilespmem:v13+s3+$0x0], $0xffff  }
0x6e: {  	v15 =	vld.idx.msk [tilespmem:v15+s3+$0x0], $0xffff;
	[tilespmem:s26+$0x1A700] =	vst v14  }
0x6f: {  	[tilespmem:s26+$0x1A710] =	vst v0  }
0x70: {  	[tilespmem:s26+$0x1A720] =	vst v1  }
0x71: {  	[tilespmem:s26+$0x1A730] =	vst v2  }
0x72: {  	[tilespmem:s26+$0x1A740] =	vst v3  }
0x73: {  	[tilespmem:s26+$0x1A750] =	vst v4  }
0x74: {  	[tilespmem:s26+$0x1A760] =	vst v5  }
0x75: {  	[tilespmem:s26+$0x1A770] =	vst v7  }
0x76: {  	[tilespmem:s26+$0x1A800] =	vst v9  }
0x77: {  	[tilespmem:s26+$0x1A810] =	vst v6  }
0x78: {  	[tilespmem:s26+$0x1A820] =	vst v8  }
0x79: {  	[tilespmem:s26+$0x1A830] =	vst v10  }
0x7a: {  	[tilespmem:s26+$0x1A840] =	vst v11  }
0x7b: {  	[tilespmem:s26+$0x1A850] =	vst v12  }
0x7c: {  	s28 =	simm.s32 $0x1A700;
	[tilespmem:s26+$0x1A860] =	vst v13  }
0x7d: {  	s0 =	simm.s32 $0x80;
	s2 =	sadd.s32 $0x0, s8;
	[tilespmem:s26+$0x1A870] =	vst v15;
	s26 =	simm.s32 $0x1A800  }
.LBB2_8:
0x7e: {  	[hbm4b:s2+s3] =	stream.linear.scatter [tilespmem:s28], [sflag:$0x2], $0x80, $0x38;
	[tilespmem:$0x1C700] =	vst v63  }
0x7f: {  	s2 =	smov.u32 s0;
	s28 =	smov.u32 s26;
	p0 =	sne.s32 s0, $0xF80  }
.Ltmp5:
0x80: {  	s0 =	sadd.s32 $0x80, s0;
	(pc) =	sbr.rel @p0 .LBB2_8-.Ltmp5, $2  }
0x81: {  	_ =	sdelay $0x2  }
0x82: {  	s26 =	sadd.s32 $0x100, s26;
	s2 =	sadd.s32 s2, s8  }
0x83: {  	[hbm4b:s2+s3] =	stream.linear.scatter [tilespmem:s28], [sflag:$0x2], $0x80, $0x38;
	[tilespmem:$0x1C700] =	vst v63  }
0x84: {  	s0 =	simm.s32 $0x18700  }
0x85: {  	s26 =	simm.s32 $0x10;
	s2 =	sadd.s32 $0x0, s9;
	s28 =	simm.s32 $0x18800  }
.LBB2_10:
0x86: {  	[tilespmem:s0], [sflag:$0x1] =	stream.linear.gather [hbm4b:s2+s3], $0x80, $0x38;
	[tilespmem:$0x1C700] =	vst v63  }
0x87: {  	s2 =	smov.u32 s26;
	s0 =	smov.u32 s28;
	p0 =	sne.s32 s26, $0x1F0  }
.Ltmp6:
0x88: {  	s26 =	sadd.s32 $0x10, s26;
	(pc) =	sbr.rel @p0 .LBB2_10-.Ltmp6, $2  }
0x89: {  	_ =	sdelay $0x2  }
0x8a: {  	s28 =	sadd.s32 $0x100, s28;
	s2 =	sadd.s32 s2, s9  }
0x8b: {  	[tilespmem:s0], [sflag:$0x1] =	stream.linear.gather [hbm4b:s2+s3], $0x80, $0x38;
	[tilespmem:$0x1C700] =	vst v63  }
0x8c: {  	_ =	swait.ge [sflag:s23], $0x1000  }
0x8d: {  	[sflag:s23] =	ssyncset.done $0x0  }
0x8e: {  	s26 =	simm.s32 $0x0;
	[sflag:s23] =	ssyncadd.s32 $0xFFFFF000  }
0x8f: {  	v14 =	vld [tilespmem:s26+$0x18780]  }
0x90: {  	v0 =	vld [tilespmem:s26+$0x18790]  }
0x91: {  	v1 =	vld [tilespmem:s26+$0x187A0]  }
0x92: {  	v2 =	vld [tilespmem:s26+$0x187B0]  }
0x93: {  	v3 =	vld [tilespmem:s26+$0x187C0]  }
0x94: {  	v4 =	vld [tilespmem:s26+$0x187D0]  }
0x95: {  	v5 =	vld [tilespmem:s26+$0x187E0]  }
0x96: {  	v7 =	vld [tilespmem:s26+$0x187F0]  }
0x97: {  	v9 =	vld [tilespmem:s26+$0x18880]  }
0x98: {  	v6 =	vld [tilespmem:s26+$0x18890]  }
0x99: {  	v8 =	vld [tilespmem:s26+$0x188A0]  }
0x9a: {  	v10 =	vld [tilespmem:s26+$0x188B0]  }
0x9b: {  	v11 =	vld [tilespmem:s26+$0x188C0]  }
0x9c: {  	v12 =	vld [tilespmem:s26+$0x188D0]  }
0x9d: {  	v13 =	vld [tilespmem:s26+$0x188E0]  }
0x9e: {  	v15 =	vld [tilespmem:s26+$0x188F0]  }
0x9f: {  	s28 =	simm.s32 $0x800;
	v14 =	vld.idx.msk [tilespmem:v14+s3+$0x0], $0xffff  }
.LBB2_12:
0xa0: {  	p0 =	sne.s32 s28, $0x7800;
	v16 =	vld.idx.msk [tilespmem:v0+s3+$0x0], $0xffff  }
0xa1: {  	v17 =	vld.idx.msk [tilespmem:v1+s3+$0x0], $0xffff  }
0xa2: {  	v18 =	vld.idx.msk [tilespmem:v2+s3+$0x0], $0xffff  }
0xa3: {  	v19 =	vld.idx.msk [tilespmem:v3+s3+$0x0], $0xffff  }
0xa4: {  	v20 =	vld.idx.msk [tilespmem:v4+s3+$0x0], $0xffff  }
0xa5: {  	v21 =	vld.idx.msk [tilespmem:v5+s3+$0x0], $0xffff  }
0xa6: {  	v22 =	vld.idx.msk [tilespmem:v7+s3+$0x0], $0xffff  }
0xa7: {  	v23 =	vld.idx.msk [tilespmem:v9+s3+$0x0], $0xffff  }
0xa8: {  	v0 =	vld.idx.msk [tilespmem:v15+s3+$0x0], $0xffff  }
0xa9: {  	v15 =	vld.idx.msk [tilespmem:v6+s3+$0x0], $0xffff  }
0xaa: {  	v24 =	vld.idx.msk [tilespmem:v8+s3+$0x0], $0xffff  }
0xab: {  	v25 =	vld.idx.msk [tilespmem:v10+s3+$0x0], $0xffff  }
0xac: {  	v26 =	vld.idx.msk [tilespmem:v11+s3+$0x0], $0xffff  }
0xad: {  	v27 =	vld.idx.msk [tilespmem:v12+s3+$0x0], $0xffff  }
0xae: {  	s0 =	sshra.s32 s28, $0x2;
	v28 =	vld.idx.msk [tilespmem:v13+s3+$0x0], $0xffff;
	[tilespmem:s26+$0x1A8F0] =	vst v0  }
0xaf: {  	v29 =	vld [tilespmem:s0+$0x18780];
	[tilespmem:s26+$0x1A780] =	vst v14  }
0xb0: {  	v0 =	vld [tilespmem:s0+$0x18790];
	[tilespmem:s26+$0x1A790] =	vst v16  }
0xb1: {  	v1 =	vld [tilespmem:s0+$0x187A0];
	[tilespmem:s26+$0x1A7A0] =	vst v17  }
0xb2: {  	v2 =	vld [tilespmem:s0+$0x187B0];
	[tilespmem:s26+$0x1A7B0] =	vst v18  }
0xb3: {  	v3 =	vld [tilespmem:s0+$0x187C0];
	[tilespmem:s26+$0x1A7C0] =	vst v19  }
0xb4: {  	v4 =	vld [tilespmem:s0+$0x187D0];
	[tilespmem:s26+$0x1A7D0] =	vst v20  }
0xb5: {  	v5 =	vld [tilespmem:s0+$0x187E0];
	[tilespmem:s26+$0x1A7E0] =	vst v21  }
0xb6: {  	v7 =	vld [tilespmem:s0+$0x187F0];
	[tilespmem:s26+$0x1A7F0] =	vst v22  }
0xb7: {  	v9 =	vld [tilespmem:s0+$0x18880];
	[tilespmem:s26+$0x1A880] =	vst v23  }
0xb8: {  	v6 =	vld [tilespmem:s0+$0x18890];
	[tilespmem:s26+$0x1A890] =	vst v15  }
0xb9: {  	v8 =	vld [tilespmem:s0+$0x188A0];
	[tilespmem:s26+$0x1A8A0] =	vst v24  }
0xba: {  	v10 =	vld [tilespmem:s0+$0x188B0];
	[tilespmem:s26+$0x1A8B0] =	vst v25  }
.Ltmp7:
0xbb: {  	v11 =	vld [tilespmem:s0+$0x188C0];
	[tilespmem:s26+$0x1A8C0] =	vst v26;
	(pc) =	sbr.rel @p0 .LBB2_12-.Ltmp7, $4  }
0xbc: {  	v12 =	vld [tilespmem:s0+$0x188D0];
	[tilespmem:s26+$0x1A8D0] =	vst v27  }
0xbd: {  	v13 =	vld [tilespmem:s0+$0x188E0];
	[tilespmem:s26+$0x1A8E0] =	vst v28;
	s26 =	smov.u32 s0  }
0xbe: {  	v15 =	vld [tilespmem:s26+$0x188F0]  }
0xbf: {  	s28 =	sadd.s32 $0x800, s28;
	v14 =	vld.idx.msk [tilespmem:v29+s3+$0x0], $0xffff  }
0xc0: {  	_ =	sdelay $0x3  }
0xc1: {  	v0 =	vld.idx.msk [tilespmem:v0+s3+$0x0], $0xffff  }
0xc2: {  	v1 =	vld.idx.msk [tilespmem:v1+s3+$0x0], $0xffff  }
0xc3: {  	v2 =	vld.idx.msk [tilespmem:v2+s3+$0x0], $0xffff  }
0xc4: {  	v3 =	vld.idx.msk [tilespmem:v3+s3+$0x0], $0xffff  }
0xc5: {  	v4 =	vld.idx.msk [tilespmem:v4+s3+$0x0], $0xffff  }
0xc6: {  	v5 =	vld.idx.msk [tilespmem:v5+s3+$0x0], $0xffff  }
0xc7: {  	v7 =	vld.idx.msk [tilespmem:v7+s3+$0x0], $0xffff  }
0xc8: {  	v9 =	vld.idx.msk [tilespmem:v9+s3+$0x0], $0xffff  }
0xc9: {  	v6 =	vld.idx.msk [tilespmem:v6+s3+$0x0], $0xffff  }
0xca: {  	v8 =	vld.idx.msk [tilespmem:v8+s3+$0x0], $0xffff  }
0xcb: {  	v10 =	vld.idx.msk [tilespmem:v10+s3+$0x0], $0xffff  }
0xcc: {  	v11 =	vld.idx.msk [tilespmem:v11+s3+$0x0], $0xffff  }
0xcd: {  	v12 =	vld.idx.msk [tilespmem:v12+s3+$0x0], $0xffff  }
0xce: {  	v13 =	vld.idx.msk [tilespmem:v13+s3+$0x0], $0xffff  }
0xcf: {  	v15 =	vld.idx.msk [tilespmem:v15+s3+$0x0], $0xffff;
	[tilespmem:s26+$0x1A780] =	vst v14  }
0xd0: {  	[tilespmem:s26+$0x1A790] =	vst v0  }
0xd1: {  	[tilespmem:s26+$0x1A7A0] =	vst v1  }
0xd2: {  	[tilespmem:s26+$0x1A7B0] =	vst v2  }
0xd3: {  	[tilespmem:s26+$0x1A7C0] =	vst v3  }
0xd4: {  	[tilespmem:s26+$0x1A7D0] =	vst v4  }
0xd5: {  	[tilespmem:s26+$0x1A7E0] =	vst v5  }
0xd6: {  	[tilespmem:s26+$0x1A7F0] =	vst v7  }
0xd7: {  	[tilespmem:s26+$0x1A880] =	vst v9  }
0xd8: {  	[tilespmem:s26+$0x1A890] =	vst v6  }
0xd9: {  	[tilespmem:s26+$0x1A8A0] =	vst v8  }
0xda: {  	[tilespmem:s26+$0x1A8B0] =	vst v10  }
0xdb: {  	[tilespmem:s26+$0x1A8C0] =	vst v11  }
0xdc: {  	[tilespmem:s26+$0x1A8D0] =	vst v12  }
0xdd: {  	s28 =	simm.s32 $0x1A780;
	[tilespmem:s26+$0x1A8E0] =	vst v13  }
0xde: {  	s0 =	simm.s32 $0x80;
	s2 =	sadd.s32 $0x0, s11;
	[tilespmem:s26+$0x1A8F0] =	vst v15;
	s26 =	simm.s32 $0x1A880  }
.LBB2_14:
0xdf: {  	[hbm4b:s2+s3] =	stream.linear.scatter [tilespmem:s28], [sflag:$0x2], $0x80, $0x38;
	[tilespmem:$0x1C700] =	vst v63  }
0xe0: {  	s2 =	smov.u32 s0;
	s28 =	smov.u32 s26;
	p0 =	sne.s32 s0, $0xF80  }
.Ltmp8:
0xe1: {  	s0 =	sadd.s32 $0x80, s0;
	(pc) =	sbr.rel @p0 .LBB2_14-.Ltmp8, $2  }
0xe2: {  	_ =	sdelay $0x2  }
0xe3: {  	s26 =	sadd.s32 $0x100, s26;
	s2 =	sadd.s32 s2, s11  }
0xe4: {  	[hbm4b:s2+s3] =	stream.linear.scatter [tilespmem:s28], [sflag:$0x2], $0x80, $0x38;
	[tilespmem:$0x1C700] =	vst v63  }
0xe5: {  	s0 =	simm.s32 $0x18780  }
0xe6: {  	s26 =	simm.s32 $0x10;
	s2 =	sadd.s32 $0x0, s12;
	s28 =	simm.s32 $0x18880  }
.LBB2_16:
0xe7: {  	[tilespmem:s0], [sflag:$0x1] =	stream.linear.gather [hbm4b:s2+s3], $0x80, $0x38;
	[tilespmem:$0x1C700] =	vst v63  }
0xe8: {  	s2 =	smov.u32 s26;
	s0 =	smov.u32 s28;
	p0 =	sne.s32 s26, $0x1F0  }
.Ltmp9:
0xe9: {  	s26 =	sadd.s32 $0x10, s26;
	(pc) =	sbr.rel @p0 .LBB2_16-.Ltmp9, $2  }
0xea: {  	_ =	sdelay $0x2  }
0xeb: {  	s28 =	sadd.s32 $0x100, s28;
	s2 =	sadd.s32 s2, s12  }
0xec: {  	[tilespmem:s0], [sflag:$0x1] =	stream.linear.gather [hbm4b:s2+s3], $0x80, $0x38;
	[tilespmem:$0x1C700] =	vst v63  }
0xed: {  	_ =	swait.ge [sflag:s23], $0x1000  }
0xee: {  	[sflag:s23] =	ssyncset.done $0x0  }
0xef: {  	[sflag:s23] =	ssyncadd.s32 $0xFFFFF000  }
0xf0: {  	_ =	swait.ge [sflag:s24], $0x1000  }
0xf1: {  	[sflag:s24] =	ssyncset.done $0x0  }
0xf2: {  	s26 =	simm.s32 $0x0;
	[sflag:s24] =	ssyncadd.s32 $0xFFFFF000  }
0xf3: {  	v14 =	vld [tilespmem:s26+$0x18700]  }
0xf4: {  	v0 =	vld [tilespmem:s26+$0x18710]  }
0xf5: {  	v1 =	vld [tilespmem:s26+$0x18720]  }
0xf6: {  	v2 =	vld [tilespmem:s26+$0x18730]  }
0xf7: {  	v3 =	vld [tilespmem:s26+$0x18740]  }
0xf8: {  	v4 =	vld [tilespmem:s26+$0x18750]  }
0xf9: {  	v5 =	vld [tilespmem:s26+$0x18760]  }
0xfa: {  	v7 =	vld [tilespmem:s26+$0x18770]  }
0xfb: {  	v9 =	vld [tilespmem:s26+$0x18800]  }
0xfc: {  	v6 =	vld [tilespmem:s26+$0x18810]  }
0xfd: {  	v8 =	vld [tilespmem:s26+$0x18820]  }
0xfe: {  	v10 =	vld [tilespmem:s26+$0x18830]  }
0xff: {  	v11 =	vld [tilespmem:s26+$0x18840]  }
0x100: {  	v12 =	vld [tilespmem:s26+$0x18850]  }
0x101: {  	v13 =	vld [tilespmem:s26+$0x18860]  }
0x102: {  	v15 =	vld [tilespmem:s26+$0x18870]  }
0x103: {  	s28 =	simm.s32 $0x800;
	v14 =	vld.idx.msk [tilespmem:v14+s3+$0x0], $0xffff  }
.LBB2_18:
0x104: {  	p0 =	sne.s32 s28, $0x7800;
	v16 =	vld.idx.msk [tilespmem:v0+s3+$0x0], $0xffff  }
0x105: {  	v17 =	vld.idx.msk [tilespmem:v1+s3+$0x0], $0xffff  }
0x106: {  	v18 =	vld.idx.msk [tilespmem:v2+s3+$0x0], $0xffff  }
0x107: {  	v19 =	vld.idx.msk [tilespmem:v3+s3+$0x0], $0xffff  }
0x108: {  	v20 =	vld.idx.msk [tilespmem:v4+s3+$0x0], $0xffff  }
0x109: {  	v21 =	vld.idx.msk [tilespmem:v5+s3+$0x0], $0xffff  }
0x10a: {  	v22 =	vld.idx.msk [tilespmem:v7+s3+$0x0], $0xffff  }
0x10b: {  	v23 =	vld.idx.msk [tilespmem:v9+s3+$0x0], $0xffff  }
0x10c: {  	v0 =	vld.idx.msk [tilespmem:v15+s3+$0x0], $0xffff  }
0x10d: {  	v15 =	vld.idx.msk [tilespmem:v6+s3+$0x0], $0xffff  }
0x10e: {  	v24 =	vld.idx.msk [tilespmem:v8+s3+$0x0], $0xffff  }
0x10f: {  	v25 =	vld.idx.msk [tilespmem:v10+s3+$0x0], $0xffff  }
0x110: {  	v26 =	vld.idx.msk [tilespmem:v11+s3+$0x0], $0xffff  }
0x111: {  	v27 =	vld.idx.msk [tilespmem:v12+s3+$0x0], $0xffff  }
0x112: {  	s0 =	sshra.s32 s28, $0x2;
	v28 =	vld.idx.msk [tilespmem:v13+s3+$0x0], $0xffff;
	[tilespmem:s26+$0x1A870] =	vst v0  }
0x113: {  	v29 =	vld [tilespmem:s0+$0x18700];
	[tilespmem:s26+$0x1A700] =	vst v14  }
0x114: {  	v0 =	vld [tilespmem:s0+$0x18710];
	[tilespmem:s26+$0x1A710] =	vst v16  }
0x115: {  	v1 =	vld [tilespmem:s0+$0x18720];
	[tilespmem:s26+$0x1A720] =	vst v17  }
0x116: {  	v2 =	vld [tilespmem:s0+$0x18730];
	[tilespmem:s26+$0x1A730] =	vst v18  }
0x117: {  	v3 =	vld [tilespmem:s0+$0x18740];
	[tilespmem:s26+$0x1A740] =	vst v19  }
0x118: {  	v4 =	vld [tilespmem:s0+$0x18750];
	[tilespmem:s26+$0x1A750] =	vst v20  }
0x119: {  	v5 =	vld [tilespmem:s0+$0x18760];
	[tilespmem:s26+$0x1A760] =	vst v21  }
0x11a: {  	v7 =	vld [tilespmem:s0+$0x18770];
	[tilespmem:s26+$0x1A770] =	vst v22  }
0x11b: {  	v9 =	vld [tilespmem:s0+$0x18800];
	[tilespmem:s26+$0x1A800] =	vst v23  }
0x11c: {  	v6 =	vld [tilespmem:s0+$0x18810];
	[tilespmem:s26+$0x1A810] =	vst v15  }
0x11d: {  	v8 =	vld [tilespmem:s0+$0x18820];
	[tilespmem:s26+$0x1A820] =	vst v24  }
0x11e: {  	v10 =	vld [tilespmem:s0+$0x18830];
	[tilespmem:s26+$0x1A830] =	vst v25  }
.Ltmp10:
0x11f: {  	v11 =	vld [tilespmem:s0+$0x18840];
	[tilespmem:s26+$0x1A840] =	vst v26;
	(pc) =	sbr.rel @p0 .LBB2_18-.Ltmp10, $4  }
0x120: {  	v12 =	vld [tilespmem:s0+$0x18850];
	[tilespmem:s26+$0x1A850] =	vst v27  }
0x121: {  	v13 =	vld [tilespmem:s0+$0x18860];
	[tilespmem:s26+$0x1A860] =	vst v28;
	s26 =	smov.u32 s0  }
0x122: {  	v15 =	vld [tilespmem:s26+$0x18870]  }
0x123: {  	s28 =	sadd.s32 $0x800, s28;
	v14 =	vld.idx.msk [tilespmem:v29+s3+$0x0], $0xffff  }
0x124: {  	_ =	sdelay $0x3  }
0x125: {  	v0 =	vld.idx.msk [tilespmem:v0+s3+$0x0], $0xffff  }
0x126: {  	v1 =	vld.idx.msk [tilespmem:v1+s3+$0x0], $0xffff  }
0x127: {  	v2 =	vld.idx.msk [tilespmem:v2+s3+$0x0], $0xffff  }
0x128: {  	v3 =	vld.idx.msk [tilespmem:v3+s3+$0x0], $0xffff  }
0x129: {  	v4 =	vld.idx.msk [tilespmem:v4+s3+$0x0], $0xffff  }
0x12a: {  	v5 =	vld.idx.msk [tilespmem:v5+s3+$0x0], $0xffff  }
0x12b: {  	v7 =	vld.idx.msk [tilespmem:v7+s3+$0x0], $0xffff  }
0x12c: {  	v9 =	vld.idx.msk [tilespmem:v9+s3+$0x0], $0xffff  }
0x12d: {  	v6 =	vld.idx.msk [tilespmem:v6+s3+$0x0], $0xffff  }
0x12e: {  	v8 =	vld.idx.msk [tilespmem:v8+s3+$0x0], $0xffff  }
0x12f: {  	v10 =	vld.idx.msk [tilespmem:v10+s3+$0x0], $0xffff  }
0x130: {  	v11 =	vld.idx.msk [tilespmem:v11+s3+$0x0], $0xffff  }
0x131: {  	v12 =	vld.idx.msk [tilespmem:v12+s3+$0x0], $0xffff  }
0x132: {  	v13 =	vld.idx.msk [tilespmem:v13+s3+$0x0], $0xffff  }
0x133: {  	v15 =	vld.idx.msk [tilespmem:v15+s3+$0x0], $0xffff;
	[tilespmem:s26+$0x1A700] =	vst v14  }
0x134: {  	[tilespmem:s26+$0x1A710] =	vst v0  }
0x135: {  	[tilespmem:s26+$0x1A720] =	vst v1  }
0x136: {  	[tilespmem:s26+$0x1A730] =	vst v2  }
0x137: {  	[tilespmem:s26+$0x1A740] =	vst v3  }
0x138: {  	[tilespmem:s26+$0x1A750] =	vst v4  }
0x139: {  	[tilespmem:s26+$0x1A760] =	vst v5  }
0x13a: {  	[tilespmem:s26+$0x1A770] =	vst v7  }
0x13b: {  	[tilespmem:s26+$0x1A800] =	vst v9  }
0x13c: {  	[tilespmem:s26+$0x1A810] =	vst v6  }
0x13d: {  	[tilespmem:s26+$0x1A820] =	vst v8  }
0x13e: {  	[tilespmem:s26+$0x1A830] =	vst v10  }
0x13f: {  	[tilespmem:s26+$0x1A840] =	vst v11  }
0x140: {  	[tilespmem:s26+$0x1A850] =	vst v12  }
0x141: {  	s28 =	simm.s32 $0x1A700;
	[tilespmem:s26+$0x1A860] =	vst v13  }
0x142: {  	s0 =	simm.s32 $0x80;
	s2 =	sadd.s32 $0x0, s14;
	[tilespmem:s26+$0x1A870] =	vst v15;
	s26 =	simm.s32 $0x1A800  }
.LBB2_20:
0x143: {  	[hbm4b:s2+s3] =	stream.linear.scatter [tilespmem:s28], [sflag:$0x2], $0x80, $0x38;
	[tilespmem:$0x1C700] =	vst v63  }
0x144: {  	s2 =	smov.u32 s0;
	s28 =	smov.u32 s26;
	p0 =	sne.s32 s0, $0xF80  }
.Ltmp11:
0x145: {  	s0 =	sadd.s32 $0x80, s0;
	(pc) =	sbr.rel @p0 .LBB2_20-.Ltmp11, $2  }
0x146: {  	_ =	sdelay $0x2  }
0x147: {  	s26 =	sadd.s32 $0x100, s26;
	s2 =	sadd.s32 s2, s14  }
0x148: {  	[hbm4b:s2+s3] =	stream.linear.scatter [tilespmem:s28], [sflag:$0x2], $0x80, $0x38;
	[tilespmem:$0x1C700] =	vst v63  }
0x149: {  	s0 =	simm.s32 $0x18700  }
0x14a: {  	s26 =	simm.s32 $0x10;
	s2 =	sadd.s32 $0x0, s15;
	s28 =	simm.s32 $0x18800  }
.LBB2_22:
0x14b: {  	[tilespmem:s0], [sflag:$0x1] =	stream.linear.gather [hbm4b:s2+s3], $0x80, $0x38;
	[tilespmem:$0x1C700] =	vst v63  }
0x14c: {  	s2 =	smov.u32 s26;
	s0 =	smov.u32 s28;
	p0 =	sne.s32 s26, $0x1F0  }
.Ltmp12:
0x14d: {  	s26 =	sadd.s32 $0x10, s26;
	(pc) =	sbr.rel @p0 .LBB2_22-.Ltmp12, $2  }
0x14e: {  	_ =	sdelay $0x2  }
0x14f: {  	s28 =	sadd.s32 $0x100, s28;
	s2 =	sadd.s32 s2, s15  }
0x150: {  	[tilespmem:s0], [sflag:$0x1] =	stream.linear.gather [hbm4b:s2+s3], $0x80, $0x38;
	[tilespmem:$0x1C700] =	vst v63  }
0x151: {  	_ =	swait.ge [sflag:s23], $0x1000  }
0x152: {  	[sflag:s23] =	ssyncset.done $0x0  }
0x153: {  	[sflag:s23] =	ssyncadd.s32 $0xFFFFF000  }
0x154: {  	_ =	swait.ge [sflag:s24], $0x1000  }
0x155: {  	[sflag:s24] =	ssyncset.done $0x0  }
0x156: {  	s26 =	simm.s32 $0x0;
	[sflag:s24] =	ssyncadd.s32 $0xFFFFF000  }
0x157: {  	v14 =	vld [tilespmem:s26+$0x18780]  }
0x158: {  	v0 =	vld [tilespmem:s26+$0x18790]  }
0x159: {  	v1 =	vld [tilespmem:s26+$0x187A0]  }
0x15a: {  	v2 =	vld [tilespmem:s26+$0x187B0]  }
0x15b: {  	v3 =	vld [tilespmem:s26+$0x187C0]  }
0x15c: {  	v4 =	vld [tilespmem:s26+$0x187D0]  }
0x15d: {  	v5 =	vld [tilespmem:s26+$0x187E0]  }
0x15e: {  	v7 =	vld [tilespmem:s26+$0x187F0]  }
0x15f: {  	v9 =	vld [tilespmem:s26+$0x18880]  }
0x160: {  	v6 =	vld [tilespmem:s26+$0x18890]  }
0x161: {  	v8 =	vld [tilespmem:s26+$0x188A0]  }
0x162: {  	v10 =	vld [tilespmem:s26+$0x188B0]  }
0x163: {  	v11 =	vld [tilespmem:s26+$0x188C0]  }
0x164: {  	v12 =	vld [tilespmem:s26+$0x188D0]  }
0x165: {  	v13 =	vld [tilespmem:s26+$0x188E0]  }
0x166: {  	v15 =	vld [tilespmem:s26+$0x188F0]  }
0x167: {  	s28 =	simm.s32 $0x800;
	v14 =	vld.idx.msk [tilespmem:v14+s3+$0x0], $0xffff  }
.LBB2_24:
0x168: {  	p0 =	sne.s32 s28, $0x7800;
	v16 =	vld.idx.msk [tilespmem:v0+s3+$0x0], $0xffff  }
0x169: {  	v17 =	vld.idx.msk [tilespmem:v1+s3+$0x0], $0xffff  }
0x16a: {  	v18 =	vld.idx.msk [tilespmem:v2+s3+$0x0], $0xffff  }
0x16b: {  	v19 =	vld.idx.msk [tilespmem:v3+s3+$0x0], $0xffff  }
0x16c: {  	v20 =	vld.idx.msk [tilespmem:v4+s3+$0x0], $0xffff  }
0x16d: {  	v21 =	vld.idx.msk [tilespmem:v5+s3+$0x0], $0xffff  }
0x16e: {  	v22 =	vld.idx.msk [tilespmem:v7+s3+$0x0], $0xffff  }
0x16f: {  	v23 =	vld.idx.msk [tilespmem:v9+s3+$0x0], $0xffff  }
0x170: {  	v0 =	vld.idx.msk [tilespmem:v15+s3+$0x0], $0xffff  }
0x171: {  	v15 =	vld.idx.msk [tilespmem:v6+s3+$0x0], $0xffff  }
0x172: {  	v24 =	vld.idx.msk [tilespmem:v8+s3+$0x0], $0xffff  }
0x173: {  	v25 =	vld.idx.msk [tilespmem:v10+s3+$0x0], $0xffff  }
0x174: {  	v26 =	vld.idx.msk [tilespmem:v11+s3+$0x0], $0xffff  }
0x175: {  	v27 =	vld.idx.msk [tilespmem:v12+s3+$0x0], $0xffff  }
0x176: {  	s0 =	sshra.s32 s28, $0x2;
	v28 =	vld.idx.msk [tilespmem:v13+s3+$0x0], $0xffff;
	[tilespmem:s26+$0x1A8F0] =	vst v0  }
0x177: {  	v29 =	vld [tilespmem:s0+$0x18780];
	[tilespmem:s26+$0x1A780] =	vst v14  }
0x178: {  	v0 =	vld [tilespmem:s0+$0x18790];
	[tilespmem:s26+$0x1A790] =	vst v16  }
0x179: {  	v1 =	vld [tilespmem:s0+$0x187A0];
	[tilespmem:s26+$0x1A7A0] =	vst v17  }
0x17a: {  	v2 =	vld [tilespmem:s0+$0x187B0];
	[tilespmem:s26+$0x1A7B0] =	vst v18  }
0x17b: {  	v3 =	vld [tilespmem:s0+$0x187C0];
	[tilespmem:s26+$0x1A7C0] =	vst v19  }
0x17c: {  	v4 =	vld [tilespmem:s0+$0x187D0];
	[tilespmem:s26+$0x1A7D0] =	vst v20  }
0x17d: {  	v5 =	vld [tilespmem:s0+$0x187E0];
	[tilespmem:s26+$0x1A7E0] =	vst v21  }
0x17e: {  	v7 =	vld [tilespmem:s0+$0x187F0];
	[tilespmem:s26+$0x1A7F0] =	vst v22  }
0x17f: {  	v9 =	vld [tilespmem:s0+$0x18880];
	[tilespmem:s26+$0x1A880] =	vst v23  }
0x180: {  	v6 =	vld [tilespmem:s0+$0x18890];
	[tilespmem:s26+$0x1A890] =	vst v15  }
0x181: {  	v8 =	vld [tilespmem:s0+$0x188A0];
	[tilespmem:s26+$0x1A8A0] =	vst v24  }
0x182: {  	v10 =	vld [tilespmem:s0+$0x188B0];
	[tilespmem:s26+$0x1A8B0] =	vst v25  }
.Ltmp13:
0x183: {  	v11 =	vld [tilespmem:s0+$0x188C0];
	[tilespmem:s26+$0x1A8C0] =	vst v26;
	(pc) =	sbr.rel @p0 .LBB2_24-.Ltmp13, $4  }
0x184: {  	v12 =	vld [tilespmem:s0+$0x188D0];
	[tilespmem:s26+$0x1A8D0] =	vst v27  }
0x185: {  	v13 =	vld [tilespmem:s0+$0x188E0];
	[tilespmem:s26+$0x1A8E0] =	vst v28;
	s26 =	smov.u32 s0  }
0x186: {  	v15 =	vld [tilespmem:s26+$0x188F0]  }
0x187: {  	s28 =	sadd.s32 $0x800, s28;
	v14 =	vld.idx.msk [tilespmem:v29+s3+$0x0], $0xffff  }
0x188: {  	_ =	sdelay $0x3  }
0x189: {  	v0 =	vld.idx.msk [tilespmem:v0+s3+$0x0], $0xffff  }
0x18a: {  	v1 =	vld.idx.msk [tilespmem:v1+s3+$0x0], $0xffff  }
0x18b: {  	v2 =	vld.idx.msk [tilespmem:v2+s3+$0x0], $0xffff  }
0x18c: {  	v3 =	vld.idx.msk [tilespmem:v3+s3+$0x0], $0xffff  }
0x18d: {  	v4 =	vld.idx.msk [tilespmem:v4+s3+$0x0], $0xffff  }
0x18e: {  	v5 =	vld.idx.msk [tilespmem:v5+s3+$0x0], $0xffff  }
0x18f: {  	v7 =	vld.idx.msk [tilespmem:v7+s3+$0x0], $0xffff  }
0x190: {  	v9 =	vld.idx.msk [tilespmem:v9+s3+$0x0], $0xffff  }
0x191: {  	v6 =	vld.idx.msk [tilespmem:v6+s3+$0x0], $0xffff  }
0x192: {  	v8 =	vld.idx.msk [tilespmem:v8+s3+$0x0], $0xffff  }
0x193: {  	v10 =	vld.idx.msk [tilespmem:v10+s3+$0x0], $0xffff  }
0x194: {  	v11 =	vld.idx.msk [tilespmem:v11+s3+$0x0], $0xffff  }
0x195: {  	v12 =	vld.idx.msk [tilespmem:v12+s3+$0x0], $0xffff  }
0x196: {  	v13 =	vld.idx.msk [tilespmem:v13+s3+$0x0], $0xffff  }
0x197: {  	v15 =	vld.idx.msk [tilespmem:v15+s3+$0x0], $0xffff;
	[tilespmem:s26+$0x1A780] =	vst v14  }
0x198: {  	[tilespmem:s26+$0x1A790] =	vst v0  }
0x199: {  	[tilespmem:s26+$0x1A7A0] =	vst v1  }
0x19a: {  	[tilespmem:s26+$0x1A7B0] =	vst v2  }
0x19b: {  	[tilespmem:s26+$0x1A7C0] =	vst v3  }
0x19c: {  	[tilespmem:s26+$0x1A7D0] =	vst v4  }
0x19d: {  	[tilespmem:s26+$0x1A7E0] =	vst v5  }
0x19e: {  	[tilespmem:s26+$0x1A7F0] =	vst v7  }
0x19f: {  	[tilespmem:s26+$0x1A880] =	vst v9  }
0x1a0: {  	[tilespmem:s26+$0x1A890] =	vst v6  }
0x1a1: {  	[tilespmem:s26+$0x1A8A0] =	vst v8  }
0x1a2: {  	[tilespmem:s26+$0x1A8B0] =	vst v10  }
0x1a3: {  	[tilespmem:s26+$0x1A8C0] =	vst v11  }
0x1a4: {  	[tilespmem:s26+$0x1A8D0] =	vst v12  }
0x1a5: {  	s28 =	simm.s32 $0x1A780;
	[tilespmem:s26+$0x1A8E0] =	vst v13  }
0x1a6: {  	s0 =	simm.s32 $0x80;
	s2 =	sadd.s32 $0x0, s17;
	[tilespmem:s26+$0x1A8F0] =	vst v15;
	s26 =	simm.s32 $0x1A880  }
.LBB2_26:
0x1a7: {  	[hbm4b:s2+s3] =	stream.linear.scatter [tilespmem:s28], [sflag:$0x2], $0x80, $0x38;
	[tilespmem:$0x1C700] =	vst v63  }
0x1a8: {  	s2 =	smov.u32 s0;
	s28 =	smov.u32 s26;
	p0 =	sne.s32 s0, $0xF80  }
.Ltmp14:
0x1a9: {  	s0 =	sadd.s32 $0x80, s0;
	(pc) =	sbr.rel @p0 .LBB2_26-.Ltmp14, $2  }
0x1aa: {  	_ =	sdelay $0x2  }
0x1ab: {  	s26 =	sadd.s32 $0x100, s26;
	s2 =	sadd.s32 s2, s17  }
0x1ac: {  	[hbm4b:s2+s3] =	stream.linear.scatter [tilespmem:s28], [sflag:$0x2], $0x80, $0x38;
	[tilespmem:$0x1C700] =	vst v63  }
0x1ad: {  	s0 =	simm.s32 $0x0;
	s2 =	simm.s32 $0x18780  }
.LBB2_28:
0x1ae: {  	p0 =	sne.s32 s0, $0x1F0  }
.Ltmp15:
0x1af: {  	_ = 	snop;
	(pc) =	sbr.rel @p0 .LBB2_28-.Ltmp15, $4  }
0x1b0: {  	_ = 	snop  }
0x1b1: {  	s20 =	sadd.s32 s0, s18  }
0x1b2: {  	[tilespmem:s2], [sflag:$0x1] =	stream.linear.gather [hbm4b:s20+s3], $0x80, $0x38;
	[tilespmem:$0x1C700] =	vst v63  }
0x1b3: {  	s0 =	sadd.s32 $0x10, s0;
	s2 =	sadd.s32 $0x100, s2  }
0x1b4: {  	s26 =	simm.s32 $0x1  }
.LBB2_30:
0x1b5: {  	_ =	swait.ge [sflag:s23], $0x1000  }
0x1b6: {  	[sflag:s23] =	ssyncset.done $0x0  }
0x1b7: {  	[sflag:s23] =	ssyncadd.s32 $0xFFFFF000  }
0x1b8: {  	_ =	swait.ge [sflag:s24], $0x1000  }
0x1b9: {  	[sflag:s24] =	ssyncset.done $0x0  }
0x1ba: {  	s28 =	simm.s32 $0x0;
	[sflag:s24] =	ssyncadd.s32 $0xFFFFF000  }
0x1bb: {  	v14 =	vld [tilespmem:s28+$0x18700]  }
0x1bc: {  	v0 =	vld [tilespmem:s28+$0x18710]  }
0x1bd: {  	v1 =	vld [tilespmem:s28+$0x18720]  }
0x1be: {  	v2 =	vld [tilespmem:s28+$0x18730]  }
0x1bf: {  	v3 =	vld [tilespmem:s28+$0x18740]  }
0x1c0: {  	v4 =	vld [tilespmem:s28+$0x18750]  }
0x1c1: {  	v5 =	vld [tilespmem:s28+$0x18760]  }
0x1c2: {  	v7 =	vld [tilespmem:s28+$0x18770]  }
0x1c3: {  	v9 =	vld [tilespmem:s28+$0x18800]  }
0x1c4: {  	v6 =	vld [tilespmem:s28+$0x18810]  }
0x1c5: {  	v8 =	vld [tilespmem:s28+$0x18820]  }
0x1c6: {  	v10 =	vld [tilespmem:s28+$0x18830]  }
0x1c7: {  	v11 =	vld [tilespmem:s28+$0x18840]  }
0x1c8: {  	v12 =	vld [tilespmem:s28+$0x18850]  }
0x1c9: {  	v13 =	vld [tilespmem:s28+$0x18860]  }
0x1ca: {  	v15 =	vld [tilespmem:s28+$0x18870]  }
0x1cb: {  	s29 =	simm.s32 $0x800;
	v14 =	vld.idx.msk [tilespmem:v14+s3+$0x0], $0xffff  }
.LBB2_31:
0x1cc: {  	p0 =	sne.s32 s29, $0x7800;
	v16 =	vld.idx.msk [tilespmem:v0+s3+$0x0], $0xffff  }
0x1cd: {  	v17 =	vld.idx.msk [tilespmem:v1+s3+$0x0], $0xffff  }
0x1ce: {  	v18 =	vld.idx.msk [tilespmem:v2+s3+$0x0], $0xffff  }
0x1cf: {  	v19 =	vld.idx.msk [tilespmem:v3+s3+$0x0], $0xffff  }
0x1d0: {  	v20 =	vld.idx.msk [tilespmem:v4+s3+$0x0], $0xffff  }
0x1d1: {  	v21 =	vld.idx.msk [tilespmem:v5+s3+$0x0], $0xffff  }
0x1d2: {  	v22 =	vld.idx.msk [tilespmem:v7+s3+$0x0], $0xffff  }
0x1d3: {  	v23 =	vld.idx.msk [tilespmem:v9+s3+$0x0], $0xffff  }
0x1d4: {  	v0 =	vld.idx.msk [tilespmem:v15+s3+$0x0], $0xffff  }
0x1d5: {  	v15 =	vld.idx.msk [tilespmem:v6+s3+$0x0], $0xffff  }
0x1d6: {  	v24 =	vld.idx.msk [tilespmem:v8+s3+$0x0], $0xffff  }
0x1d7: {  	v25 =	vld.idx.msk [tilespmem:v10+s3+$0x0], $0xffff  }
0x1d8: {  	v26 =	vld.idx.msk [tilespmem:v11+s3+$0x0], $0xffff  }
0x1d9: {  	v27 =	vld.idx.msk [tilespmem:v12+s3+$0x0], $0xffff  }
0x1da: {  	s0 =	sshra.s32 s29, $0x2;
	v28 =	vld.idx.msk [tilespmem:v13+s3+$0x0], $0xffff;
	[tilespmem:s28+$0x1A870] =	vst v0  }
0x1db: {  	v29 =	vld [tilespmem:s0+$0x18700];
	[tilespmem:s28+$0x1A700] =	vst v14  }
0x1dc: {  	v0 =	vld [tilespmem:s0+$0x18710];
	[tilespmem:s28+$0x1A710] =	vst v16  }
0x1dd: {  	v1 =	vld [tilespmem:s0+$0x18720];
	[tilespmem:s28+$0x1A720] =	vst v17  }
0x1de: {  	v2 =	vld [tilespmem:s0+$0x18730];
	[tilespmem:s28+$0x1A730] =	vst v18  }
0x1df: {  	v3 =	vld [tilespmem:s0+$0x18740];
	[tilespmem:s28+$0x1A740] =	vst v19  }
0x1e0: {  	v4 =	vld [tilespmem:s0+$0x18750];
	[tilespmem:s28+$0x1A750] =	vst v20  }
0x1e1: {  	v5 =	vld [tilespmem:s0+$0x18760];
	[tilespmem:s28+$0x1A760] =	vst v21  }
0x1e2: {  	v7 =	vld [tilespmem:s0+$0x18770];
	[tilespmem:s28+$0x1A770] =	vst v22  }
0x1e3: {  	v9 =	vld [tilespmem:s0+$0x18800];
	[tilespmem:s28+$0x1A800] =	vst v23  }
0x1e4: {  	v6 =	vld [tilespmem:s0+$0x18810];
	[tilespmem:s28+$0x1A810] =	vst v15  }
0x1e5: {  	v8 =	vld [tilespmem:s0+$0x18820];
	[tilespmem:s28+$0x1A820] =	vst v24  }
0x1e6: {  	v10 =	vld [tilespmem:s0+$0x18830];
	[tilespmem:s28+$0x1A830] =	vst v25  }
.Ltmp16:
0x1e7: {  	v11 =	vld [tilespmem:s0+$0x18840];
	[tilespmem:s28+$0x1A840] =	vst v26;
	(pc) =	sbr.rel @p0 .LBB2_31-.Ltmp16, $4  }
0x1e8: {  	v12 =	vld [tilespmem:s0+$0x18850];
	[tilespmem:s28+$0x1A850] =	vst v27  }
0x1e9: {  	v13 =	vld [tilespmem:s0+$0x18860];
	[tilespmem:s28+$0x1A860] =	vst v28;
	s28 =	smov.u32 s0  }
0x1ea: {  	v15 =	vld [tilespmem:s28+$0x18870]  }
0x1eb: {  	s29 =	sadd.s32 $0x800, s29;
	v14 =	vld.idx.msk [tilespmem:v29+s3+$0x0], $0xffff  }
0x1ec: {  	_ =	sdelay $0x3  }
0x1ed: {  	v0 =	vld.idx.msk [tilespmem:v0+s3+$0x0], $0xffff  }
0x1ee: {  	v1 =	vld.idx.msk [tilespmem:v1+s3+$0x0], $0xffff  }
0x1ef: {  	v2 =	vld.idx.msk [tilespmem:v2+s3+$0x0], $0xffff  }
0x1f0: {  	v3 =	vld.idx.msk [tilespmem:v3+s3+$0x0], $0xffff  }
0x1f1: {  	v4 =	vld.idx.msk [tilespmem:v4+s3+$0x0], $0xffff  }
0x1f2: {  	v5 =	vld.idx.msk [tilespmem:v5+s3+$0x0], $0xffff  }
0x1f3: {  	v7 =	vld.idx.msk [tilespmem:v7+s3+$0x0], $0xffff  }
0x1f4: {  	v9 =	vld.idx.msk [tilespmem:v9+s3+$0x0], $0xffff  }
0x1f5: {  	v6 =	vld.idx.msk [tilespmem:v6+s3+$0x0], $0xffff  }
0x1f6: {  	v8 =	vld.idx.msk [tilespmem:v8+s3+$0x0], $0xffff  }
0x1f7: {  	v10 =	vld.idx.msk [tilespmem:v10+s3+$0x0], $0xffff  }
0x1f8: {  	v11 =	vld.idx.msk [tilespmem:v11+s3+$0x0], $0xffff  }
0x1f9: {  	v12 =	vld.idx.msk [tilespmem:v12+s3+$0x0], $0xffff  }
0x1fa: {  	v13 =	vld.idx.msk [tilespmem:v13+s3+$0x0], $0xffff  }
0x1fb: {  	v15 =	vld.idx.msk [tilespmem:v15+s3+$0x0], $0xffff;
	[tilespmem:s28+$0x1A700] =	vst v14  }
0x1fc: {  	[tilespmem:s28+$0x1A710] =	vst v0  }
0x1fd: {  	[tilespmem:s28+$0x1A720] =	vst v1  }
0x1fe: {  	[tilespmem:s28+$0x1A730] =	vst v2  }
0x1ff: {  	[tilespmem:s28+$0x1A740] =	vst v3  }
0x200: {  	[tilespmem:s28+$0x1A750] =	vst v4  }
0x201: {  	[tilespmem:s28+$0x1A760] =	vst v5  }
0x202: {  	[tilespmem:s28+$0x1A770] =	vst v7  }
0x203: {  	[tilespmem:s28+$0x1A800] =	vst v9  }
0x204: {  	[tilespmem:s28+$0x1A810] =	vst v6  }
0x205: {  	[tilespmem:s28+$0x1A820] =	vst v8  }
0x206: {  	s0 =	sshll.u32 s26, $0x13;
	[tilespmem:s28+$0x1A830] =	vst v10  }
0x207: {  	s0 =	sor.u32 s5, s0;
	[tilespmem:s28+$0x1A840] =	vst v11  }
0x208: {  	s29 =	sshrl.u32 s0, $0x3;
	[tilespmem:s28+$0x1A850] =	vst v12  }
0x209: {  	s31 =	simm.s32 $0x1A700;
	s30 =	sadd.s32 s1, s29;
	[tilespmem:s28+$0x1A860] =	vst v13  }
0x20a: {  	s0 =	simm.s32 $0x80;
	s2 =	sadd.s32 $0x0, s30;
	[tilespmem:s28+$0x1A870] =	vst v15;
	s28 =	simm.s32 $0x1A800  }
.LBB2_33:
0x20b: {  	[hbm4b:s2+s3] =	stream.linear.scatter [tilespmem:s31], [sflag:$0x2], $0x80, $0x38;
	[tilespmem:$0x1C700] =	vst v63  }
0x20c: {  	s2 =	smov.u32 s0;
	s31 =	smov.u32 s28;
	p0 =	sne.s32 s0, $0xF80  }
.Ltmp17:
0x20d: {  	s0 =	sadd.s32 $0x80, s0;
	(pc) =	sbr.rel @p0 .LBB2_33-.Ltmp17, $2  }
0x20e: {  	_ =	sdelay $0x2  }
0x20f: {  	s28 =	sadd.s32 $0x100, s28;
	s2 =	sadd.s32 s2, s30  }
0x210: {  	[hbm4b:s2+s3] =	stream.linear.scatter [tilespmem:s31], [sflag:$0x2], $0x80, $0x38;
	[tilespmem:$0x1C700] =	vst v63  }
0x211: {  	s28 =	sshll.u32 s26, $0xB  }
0x212: {  	s0 =	simm.s32 $0x18700;
	s30 =	sadd.s32 s28, s9  }
0x213: {  	s31 =	simm.s32 $0x10;
	s2 =	simm.s32 $0x18800;
	s20 =	sadd.s32 $0x0, s30  }
.LBB2_35:
0x214: {  	[tilespmem:s0], [sflag:$0x1] =	stream.linear.gather [hbm4b:s20+s3], $0x80, $0x38;
	[tilespmem:$0x1C700] =	vst v63  }
0x215: {  	s20 =	smov.u32 s31;
	s0 =	smov.u32 s2;
	p0 =	sne.s32 s31, $0x1F0  }
.Ltmp18:
0x216: {  	s31 =	sadd.s32 $0x10, s31;
	(pc) =	sbr.rel @p0 .LBB2_35-.Ltmp18, $2  }
0x217: {  	_ =	sdelay $0x2  }
0x218: {  	s2 =	sadd.s32 $0x100, s2;
	s20 =	sadd.s32 s20, s30  }
0x219: {  	[tilespmem:s0], [sflag:$0x1] =	stream.linear.gather [hbm4b:s20+s3], $0x80, $0x38;
	[tilespmem:$0x1C700] =	vst v63  }
0x21a: {  	_ =	swait.ge [sflag:s23], $0x1000  }
0x21b: {  	[sflag:s23] =	ssyncset.done $0x0  }
0x21c: {  	[sflag:s23] =	ssyncadd.s32 $0xFFFFF000  }
0x21d: {  	_ =	swait.ge [sflag:s24], $0x1000  }
0x21e: {  	[sflag:s24] =	ssyncset.done $0x0  }
0x21f: {  	s30 =	simm.s32 $0x0;
	[sflag:s24] =	ssyncadd.s32 $0xFFFFF000  }
0x220: {  	v14 =	vld [tilespmem:s30+$0x18780]  }
0x221: {  	v0 =	vld [tilespmem:s30+$0x18790]  }
0x222: {  	v1 =	vld [tilespmem:s30+$0x187A0]  }
0x223: {  	v2 =	vld [tilespmem:s30+$0x187B0]  }
0x224: {  	v3 =	vld [tilespmem:s30+$0x187C0]  }
0x225: {  	v4 =	vld [tilespmem:s30+$0x187D0]  }
0x226: {  	v5 =	vld [tilespmem:s30+$0x187E0]  }
0x227: {  	v7 =	vld [tilespmem:s30+$0x187F0]  }
0x228: {  	v9 =	vld [tilespmem:s30+$0x18880]  }
0x229: {  	v6 =	vld [tilespmem:s30+$0x18890]  }
0x22a: {  	v8 =	vld [tilespmem:s30+$0x188A0]  }
0x22b: {  	v10 =	vld [tilespmem:s30+$0x188B0]  }
0x22c: {  	v11 =	vld [tilespmem:s30+$0x188C0]  }
0x22d: {  	v12 =	vld [tilespmem:s30+$0x188D0]  }
0x22e: {  	v13 =	vld [tilespmem:s30+$0x188E0]  }
0x22f: {  	v15 =	vld [tilespmem:s30+$0x188F0]  }
0x230: {  	s31 =	simm.s32 $0x800;
	v14 =	vld.idx.msk [tilespmem:v14+s3+$0x0], $0xffff  }
.LBB2_37:
0x231: {  	p0 =	sne.s32 s31, $0x7800;
	v16 =	vld.idx.msk [tilespmem:v0+s3+$0x0], $0xffff  }
0x232: {  	v17 =	vld.idx.msk [tilespmem:v1+s3+$0x0], $0xffff  }
0x233: {  	v18 =	vld.idx.msk [tilespmem:v2+s3+$0x0], $0xffff  }
0x234: {  	v19 =	vld.idx.msk [tilespmem:v3+s3+$0x0], $0xffff  }
0x235: {  	v20 =	vld.idx.msk [tilespmem:v4+s3+$0x0], $0xffff  }
0x236: {  	v21 =	vld.idx.msk [tilespmem:v5+s3+$0x0], $0xffff  }
0x237: {  	v22 =	vld.idx.msk [tilespmem:v7+s3+$0x0], $0xffff  }
0x238: {  	v23 =	vld.idx.msk [tilespmem:v9+s3+$0x0], $0xffff  }
0x239: {  	v0 =	vld.idx.msk [tilespmem:v15+s3+$0x0], $0xffff  }
0x23a: {  	v15 =	vld.idx.msk [tilespmem:v6+s3+$0x0], $0xffff  }
0x23b: {  	v24 =	vld.idx.msk [tilespmem:v8+s3+$0x0], $0xffff  }
0x23c: {  	v25 =	vld.idx.msk [tilespmem:v10+s3+$0x0], $0xffff  }
0x23d: {  	v26 =	vld.idx.msk [tilespmem:v11+s3+$0x0], $0xffff  }
0x23e: {  	v27 =	vld.idx.msk [tilespmem:v12+s3+$0x0], $0xffff  }
0x23f: {  	s0 =	sshra.s32 s31, $0x2;
	v28 =	vld.idx.msk [tilespmem:v13+s3+$0x0], $0xffff;
	[tilespmem:s30+$0x1A8F0] =	vst v0  }
0x240: {  	v29 =	vld [tilespmem:s0+$0x18780];
	[tilespmem:s30+$0x1A780] =	vst v14  }
0x241: {  	v0 =	vld [tilespmem:s0+$0x18790];
	[tilespmem:s30+$0x1A790] =	vst v16  }
0x242: {  	v1 =	vld [tilespmem:s0+$0x187A0];
	[tilespmem:s30+$0x1A7A0] =	vst v17  }
0x243: {  	v2 =	vld [tilespmem:s0+$0x187B0];
	[tilespmem:s30+$0x1A7B0] =	vst v18  }
0x244: {  	v3 =	vld [tilespmem:s0+$0x187C0];
	[tilespmem:s30+$0x1A7C0] =	vst v19  }
0x245: {  	v4 =	vld [tilespmem:s0+$0x187D0];
	[tilespmem:s30+$0x1A7D0] =	vst v20  }
0x246: {  	v5 =	vld [tilespmem:s0+$0x187E0];
	[tilespmem:s30+$0x1A7E0] =	vst v21  }
0x247: {  	v7 =	vld [tilespmem:s0+$0x187F0];
	[tilespmem:s30+$0x1A7F0] =	vst v22  }
0x248: {  	v9 =	vld [tilespmem:s0+$0x18880];
	[tilespmem:s30+$0x1A880] =	vst v23  }
0x249: {  	v6 =	vld [tilespmem:s0+$0x18890];
	[tilespmem:s30+$0x1A890] =	vst v15  }
0x24a: {  	v8 =	vld [tilespmem:s0+$0x188A0];
	[tilespmem:s30+$0x1A8A0] =	vst v24  }
0x24b: {  	v10 =	vld [tilespmem:s0+$0x188B0];
	[tilespmem:s30+$0x1A8B0] =	vst v25  }
.Ltmp19:
0x24c: {  	v11 =	vld [tilespmem:s0+$0x188C0];
	[tilespmem:s30+$0x1A8C0] =	vst v26;
	(pc) =	sbr.rel @p0 .LBB2_37-.Ltmp19, $4  }
0x24d: {  	v12 =	vld [tilespmem:s0+$0x188D0];
	[tilespmem:s30+$0x1A8D0] =	vst v27  }
0x24e: {  	v13 =	vld [tilespmem:s0+$0x188E0];
	[tilespmem:s30+$0x1A8E0] =	vst v28;
	s30 =	smov.u32 s0  }
0x24f: {  	v15 =	vld [tilespmem:s30+$0x188F0]  }
0x250: {  	s31 =	sadd.s32 $0x800, s31;
	v14 =	vld.idx.msk [tilespmem:v29+s3+$0x0], $0xffff  }
0x251: {  	_ =	sdelay $0x3  }
0x252: {  	v0 =	vld.idx.msk [tilespmem:v0+s3+$0x0], $0xffff  }
0x253: {  	v1 =	vld.idx.msk [tilespmem:v1+s3+$0x0], $0xffff  }
0x254: {  	v2 =	vld.idx.msk [tilespmem:v2+s3+$0x0], $0xffff  }
0x255: {  	v3 =	vld.idx.msk [tilespmem:v3+s3+$0x0], $0xffff  }
0x256: {  	v4 =	vld.idx.msk [tilespmem:v4+s3+$0x0], $0xffff  }
0x257: {  	v5 =	vld.idx.msk [tilespmem:v5+s3+$0x0], $0xffff  }
0x258: {  	v7 =	vld.idx.msk [tilespmem:v7+s3+$0x0], $0xffff  }
0x259: {  	v9 =	vld.idx.msk [tilespmem:v9+s3+$0x0], $0xffff  }
0x25a: {  	v6 =	vld.idx.msk [tilespmem:v6+s3+$0x0], $0xffff  }
0x25b: {  	v8 =	vld.idx.msk [tilespmem:v8+s3+$0x0], $0xffff  }
0x25c: {  	v10 =	vld.idx.msk [tilespmem:v10+s3+$0x0], $0xffff  }
0x25d: {  	v11 =	vld.idx.msk [tilespmem:v11+s3+$0x0], $0xffff  }
0x25e: {  	v12 =	vld.idx.msk [tilespmem:v12+s3+$0x0], $0xffff  }
0x25f: {  	v13 =	vld.idx.msk [tilespmem:v13+s3+$0x0], $0xffff  }
0x260: {  	v15 =	vld.idx.msk [tilespmem:v15+s3+$0x0], $0xffff;
	[tilespmem:s30+$0x1A780] =	vst v14  }
0x261: {  	[tilespmem:s30+$0x1A790] =	vst v0  }
0x262: {  	[tilespmem:s30+$0x1A7A0] =	vst v1  }
0x263: {  	[tilespmem:s30+$0x1A7B0] =	vst v2  }
0x264: {  	[tilespmem:s30+$0x1A7C0] =	vst v3  }
0x265: {  	[tilespmem:s30+$0x1A7D0] =	vst v4  }
0x266: {  	[tilespmem:s30+$0x1A7E0] =	vst v5  }
0x267: {  	[tilespmem:s30+$0x1A7F0] =	vst v7  }
0x268: {  	[tilespmem:s30+$0x1A880] =	vst v9  }
0x269: {  	[tilespmem:s30+$0x1A890] =	vst v6  }
0x26a: {  	[tilespmem:s30+$0x1A8A0] =	vst v8  }
0x26b: {  	[tilespmem:s30+$0x1A8B0] =	vst v10  }
0x26c: {  	[tilespmem:s30+$0x1A8C0] =	vst v11  }
0x26d: {  	[tilespmem:s30+$0x1A8D0] =	vst v12  }
0x26e: {  	s31 =	sadd.s32 s29, s10;
	s0 =	simm.s32 $0x1A780;
	[tilespmem:s30+$0x1A8E0] =	vst v13  }
0x26f: {  	s2 =	simm.s32 $0x1A880;
	s20 =	sadd.s32 $0x0, s31;
	[tilespmem:s30+$0x1A8F0] =	vst v15;
	s30 =	simm.s32 $0x80  }
.LBB2_39:
0x270: {  	[hbm4b:s20+s3] =	stream.linear.scatter [tilespmem:s0], [sflag:$0x2], $0x80, $0x38;
	[tilespmem:$0x1C700] =	vst v63  }
0x271: {  	s20 =	smov.u32 s30;
	s0 =	smov.u32 s2;
	p0 =	sne.s32 s30, $0xF80  }
.Ltmp20:
0x272: {  	s30 =	sadd.s32 $0x80, s30;
	(pc) =	sbr.rel @p0 .LBB2_39-.Ltmp20, $2  }
0x273: {  	_ =	sdelay $0x2  }
0x274: {  	s2 =	sadd.s32 $0x100, s2;
	s20 =	sadd.s32 s20, s31  }
0x275: {  	[hbm4b:s20+s3] =	stream.linear.scatter [tilespmem:s0], [sflag:$0x2], $0x80, $0x38;
	[tilespmem:$0x1C700] =	vst v63  }
0x276: {  	s30 =	sadd.s32 s28, s12;
	s0 =	simm.s32 $0x18780  }
0x277: {  	s31 =	simm.s32 $0x10;
	s2 =	simm.s32 $0x18880;
	s20 =	sadd.s32 $0x0, s30  }
.LBB2_41:
0x278: {  	[tilespmem:s0], [sflag:$0x1] =	stream.linear.gather [hbm4b:s20+s3], $0x80, $0x38;
	[tilespmem:$0x1C700] =	vst v63  }
0x279: {  	s20 =	smov.u32 s31;
	s0 =	smov.u32 s2;
	p0 =	sne.s32 s31, $0x1F0  }
.Ltmp21:
0x27a: {  	s31 =	sadd.s32 $0x10, s31;
	(pc) =	sbr.rel @p0 .LBB2_41-.Ltmp21, $2  }
0x27b: {  	_ =	sdelay $0x2  }
0x27c: {  	s2 =	sadd.s32 $0x100, s2;
	s20 =	sadd.s32 s20, s30  }
0x27d: {  	[tilespmem:s0], [sflag:$0x1] =	stream.linear.gather [hbm4b:s20+s3], $0x80, $0x38;
	[tilespmem:$0x1C700] =	vst v63  }
0x27e: {  	_ =	swait.ge [sflag:s23], $0x1000  }
0x27f: {  	[sflag:s23] =	ssyncset.done $0x0  }
0x280: {  	[sflag:s23] =	ssyncadd.s32 $0xFFFFF000  }
0x281: {  	_ =	swait.ge [sflag:s24], $0x1000  }
0x282: {  	[sflag:s24] =	ssyncset.done $0x0  }
0x283: {  	s30 =	simm.s32 $0x0;
	[sflag:s24] =	ssyncadd.s32 $0xFFFFF000  }
0x284: {  	v14 =	vld [tilespmem:s30+$0x18700]  }
0x285: {  	v0 =	vld [tilespmem:s30+$0x18710]  }
0x286: {  	v1 =	vld [tilespmem:s30+$0x18720]  }
0x287: {  	v2 =	vld [tilespmem:s30+$0x18730]  }
0x288: {  	v3 =	vld [tilespmem:s30+$0x18740]  }
0x289: {  	v4 =	vld [tilespmem:s30+$0x18750]  }
0x28a: {  	v5 =	vld [tilespmem:s30+$0x18760]  }
0x28b: {  	v7 =	vld [tilespmem:s30+$0x18770]  }
0x28c: {  	v9 =	vld [tilespmem:s30+$0x18800]  }
0x28d: {  	v6 =	vld [tilespmem:s30+$0x18810]  }
0x28e: {  	v8 =	vld [tilespmem:s30+$0x18820]  }
0x28f: {  	v10 =	vld [tilespmem:s30+$0x18830]  }
0x290: {  	v11 =	vld [tilespmem:s30+$0x18840]  }
0x291: {  	v12 =	vld [tilespmem:s30+$0x18850]  }
0x292: {  	v13 =	vld [tilespmem:s30+$0x18860]  }
0x293: {  	v15 =	vld [tilespmem:s30+$0x18870]  }
0x294: {  	s31 =	simm.s32 $0x800;
	v14 =	vld.idx.msk [tilespmem:v14+s3+$0x0], $0xffff  }
.LBB2_43:
0x295: {  	p0 =	sne.s32 s31, $0x7800;
	v16 =	vld.idx.msk [tilespmem:v0+s3+$0x0], $0xffff  }
0x296: {  	v17 =	vld.idx.msk [tilespmem:v1+s3+$0x0], $0xffff  }
0x297: {  	v18 =	vld.idx.msk [tilespmem:v2+s3+$0x0], $0xffff  }
0x298: {  	v19 =	vld.idx.msk [tilespmem:v3+s3+$0x0], $0xffff  }
0x299: {  	v20 =	vld.idx.msk [tilespmem:v4+s3+$0x0], $0xffff  }
0x29a: {  	v21 =	vld.idx.msk [tilespmem:v5+s3+$0x0], $0xffff  }
0x29b: {  	v22 =	vld.idx.msk [tilespmem:v7+s3+$0x0], $0xffff  }
0x29c: {  	v23 =	vld.idx.msk [tilespmem:v9+s3+$0x0], $0xffff  }
0x29d: {  	v0 =	vld.idx.msk [tilespmem:v15+s3+$0x0], $0xffff  }
0x29e: {  	v15 =	vld.idx.msk [tilespmem:v6+s3+$0x0], $0xffff  }
0x29f: {  	v24 =	vld.idx.msk [tilespmem:v8+s3+$0x0], $0xffff  }
0x2a0: {  	v25 =	vld.idx.msk [tilespmem:v10+s3+$0x0], $0xffff  }
0x2a1: {  	v26 =	vld.idx.msk [tilespmem:v11+s3+$0x0], $0xffff  }
0x2a2: {  	v27 =	vld.idx.msk [tilespmem:v12+s3+$0x0], $0xffff  }
0x2a3: {  	s0 =	sshra.s32 s31, $0x2;
	v28 =	vld.idx.msk [tilespmem:v13+s3+$0x0], $0xffff;
	[tilespmem:s30+$0x1A870] =	vst v0  }
0x2a4: {  	v29 =	vld [tilespmem:s0+$0x18700];
	[tilespmem:s30+$0x1A700] =	vst v14  }
0x2a5: {  	v0 =	vld [tilespmem:s0+$0x18710];
	[tilespmem:s30+$0x1A710] =	vst v16  }
0x2a6: {  	v1 =	vld [tilespmem:s0+$0x18720];
	[tilespmem:s30+$0x1A720] =	vst v17  }
0x2a7: {  	v2 =	vld [tilespmem:s0+$0x18730];
	[tilespmem:s30+$0x1A730] =	vst v18  }
0x2a8: {  	v3 =	vld [tilespmem:s0+$0x18740];
	[tilespmem:s30+$0x1A740] =	vst v19  }
0x2a9: {  	v4 =	vld [tilespmem:s0+$0x18750];
	[tilespmem:s30+$0x1A750] =	vst v20  }
0x2aa: {  	v5 =	vld [tilespmem:s0+$0x18760];
	[tilespmem:s30+$0x1A760] =	vst v21  }
0x2ab: {  	v7 =	vld [tilespmem:s0+$0x18770];
	[tilespmem:s30+$0x1A770] =	vst v22  }
0x2ac: {  	v9 =	vld [tilespmem:s0+$0x18800];
	[tilespmem:s30+$0x1A800] =	vst v23  }
0x2ad: {  	v6 =	vld [tilespmem:s0+$0x18810];
	[tilespmem:s30+$0x1A810] =	vst v15  }
0x2ae: {  	v8 =	vld [tilespmem:s0+$0x18820];
	[tilespmem:s30+$0x1A820] =	vst v24  }
0x2af: {  	v10 =	vld [tilespmem:s0+$0x18830];
	[tilespmem:s30+$0x1A830] =	vst v25  }
.Ltmp22:
0x2b0: {  	v11 =	vld [tilespmem:s0+$0x18840];
	[tilespmem:s30+$0x1A840] =	vst v26;
	(pc) =	sbr.rel @p0 .LBB2_43-.Ltmp22, $4  }
0x2b1: {  	v12 =	vld [tilespmem:s0+$0x18850];
	[tilespmem:s30+$0x1A850] =	vst v27  }
0x2b2: {  	v13 =	vld [tilespmem:s0+$0x18860];
	[tilespmem:s30+$0x1A860] =	vst v28;
	s30 =	smov.u32 s0  }
0x2b3: {  	v15 =	vld [tilespmem:s30+$0x18870]  }
0x2b4: {  	s31 =	sadd.s32 $0x800, s31;
	v14 =	vld.idx.msk [tilespmem:v29+s3+$0x0], $0xffff  }
0x2b5: {  	_ =	sdelay $0x3  }
0x2b6: {  	v0 =	vld.idx.msk [tilespmem:v0+s3+$0x0], $0xffff  }
0x2b7: {  	v1 =	vld.idx.msk [tilespmem:v1+s3+$0x0], $0xffff  }
0x2b8: {  	v2 =	vld.idx.msk [tilespmem:v2+s3+$0x0], $0xffff  }
0x2b9: {  	v3 =	vld.idx.msk [tilespmem:v3+s3+$0x0], $0xffff  }
0x2ba: {  	v4 =	vld.idx.msk [tilespmem:v4+s3+$0x0], $0xffff  }
0x2bb: {  	v5 =	vld.idx.msk [tilespmem:v5+s3+$0x0], $0xffff  }
0x2bc: {  	v7 =	vld.idx.msk [tilespmem:v7+s3+$0x0], $0xffff  }
0x2bd: {  	v9 =	vld.idx.msk [tilespmem:v9+s3+$0x0], $0xffff  }
0x2be: {  	v6 =	vld.idx.msk [tilespmem:v6+s3+$0x0], $0xffff  }
0x2bf: {  	v8 =	vld.idx.msk [tilespmem:v8+s3+$0x0], $0xffff  }
0x2c0: {  	v10 =	vld.idx.msk [tilespmem:v10+s3+$0x0], $0xffff  }
0x2c1: {  	v11 =	vld.idx.msk [tilespmem:v11+s3+$0x0], $0xffff  }
0x2c2: {  	v12 =	vld.idx.msk [tilespmem:v12+s3+$0x0], $0xffff  }
0x2c3: {  	v13 =	vld.idx.msk [tilespmem:v13+s3+$0x0], $0xffff  }
0x2c4: {  	v15 =	vld.idx.msk [tilespmem:v15+s3+$0x0], $0xffff;
	[tilespmem:s30+$0x1A700] =	vst v14  }
0x2c5: {  	[tilespmem:s30+$0x1A710] =	vst v0  }
0x2c6: {  	[tilespmem:s30+$0x1A720] =	vst v1  }
0x2c7: {  	[tilespmem:s30+$0x1A730] =	vst v2  }
0x2c8: {  	[tilespmem:s30+$0x1A740] =	vst v3  }
0x2c9: {  	[tilespmem:s30+$0x1A750] =	vst v4  }
0x2ca: {  	[tilespmem:s30+$0x1A760] =	vst v5  }
0x2cb: {  	[tilespmem:s30+$0x1A770] =	vst v7  }
0x2cc: {  	[tilespmem:s30+$0x1A800] =	vst v9  }
0x2cd: {  	[tilespmem:s30+$0x1A810] =	vst v6  }
0x2ce: {  	[tilespmem:s30+$0x1A820] =	vst v8  }
0x2cf: {  	[tilespmem:s30+$0x1A830] =	vst v10  }
0x2d0: {  	[tilespmem:s30+$0x1A840] =	vst v11  }
0x2d1: {  	[tilespmem:s30+$0x1A850] =	vst v12  }
0x2d2: {  	s31 =	sadd.s32 s29, s13;
	s0 =	simm.s32 $0x1A700;
	[tilespmem:s30+$0x1A860] =	vst v13  }
0x2d3: {  	s2 =	simm.s32 $0x1A800;
	s20 =	sadd.s32 $0x0, s31;
	[tilespmem:s30+$0x1A870] =	vst v15;
	s30 =	simm.s32 $0x80  }
.LBB2_45:
0x2d4: {  	[hbm4b:s20+s3] =	stream.linear.scatter [tilespmem:s0], [sflag:$0x2], $0x80, $0x38;
	[tilespmem:$0x1C700] =	vst v63  }
0x2d5: {  	s20 =	smov.u32 s30;
	s0 =	smov.u32 s2;
	p0 =	sne.s32 s30, $0xF80  }
.Ltmp23:
0x2d6: {  	s30 =	sadd.s32 $0x80, s30;
	(pc) =	sbr.rel @p0 .LBB2_45-.Ltmp23, $2  }
0x2d7: {  	_ =	sdelay $0x2  }
0x2d8: {  	s2 =	sadd.s32 $0x100, s2;
	s20 =	sadd.s32 s20, s31  }
0x2d9: {  	p0 =	seq.s32 s26, $0x19  }
.Ltmp24:
0x2da: {  	_ = 	snop;
	(pc) =	sbr.rel @p0 .LBB2_50-.Ltmp24, $2  }
0x2db: {  	_ =	sdelay $0x2  }
0x2dc: {  	[hbm4b:s20+s3] =	stream.linear.scatter [tilespmem:s0], [sflag:$0x2], $0x80, $0x38;
	[tilespmem:$0x1C700] =	vst v63  }
0x2dd: {  	s30 =	sadd.s32 s28, s15;
	s0 =	simm.s32 $0x18700  }
0x2de: {  	s31 =	simm.s32 $0x10;
	s2 =	simm.s32 $0x18800;
	s20 =	sadd.s32 $0x0, s30  }
.LBB2_48:
0x2df: {  	[tilespmem:s0], [sflag:$0x1] =	stream.linear.gather [hbm4b:s20+s3], $0x80, $0x38;
	[tilespmem:$0x1C700] =	vst v63  }
0x2e0: {  	s20 =	smov.u32 s31;
	s0 =	smov.u32 s2;
	p1 =	sne.s32 s31, $0x1F0  }
.Ltmp25:
0x2e1: {  	s31 =	sadd.s32 $0x10, s31;
	(pc) =	sbr.rel @p1 .LBB2_48-.Ltmp25, $2  }
0x2e2: {  	_ =	sdelay $0x2  }
0x2e3: {  	s2 =	sadd.s32 $0x100, s2;
	s20 =	sadd.s32 s20, s30  }
0x2e4: {  	[tilespmem:s0], [sflag:$0x1] =	stream.linear.gather [hbm4b:s20+s3], $0x80, $0x38;
	[tilespmem:$0x1C700] =	vst v63  }
.LBB2_50:
0x2e5: {  	_ =	swait.ge [sflag:s23], $0x1000  }
0x2e6: {  	[sflag:s23] =	ssyncset.done $0x0  }
0x2e7: {  	[sflag:s23] =	ssyncadd.s32 $0xFFFFF000  }
0x2e8: {  	_ =	swait.ge [sflag:s24], $0x1000  }
0x2e9: {  	[sflag:s24] =	ssyncset.done $0x0  }
0x2ea: {  	s30 =	simm.s32 $0x0;
	[sflag:s24] =	ssyncadd.s32 $0xFFFFF000  }
0x2eb: {  	v14 =	vld [tilespmem:s30+$0x18780]  }
0x2ec: {  	v0 =	vld [tilespmem:s30+$0x18790]  }
0x2ed: {  	v1 =	vld [tilespmem:s30+$0x187A0]  }
0x2ee: {  	v2 =	vld [tilespmem:s30+$0x187B0]  }
0x2ef: {  	v3 =	vld [tilespmem:s30+$0x187C0]  }
0x2f0: {  	v4 =	vld [tilespmem:s30+$0x187D0]  }
0x2f1: {  	v5 =	vld [tilespmem:s30+$0x187E0]  }
0x2f2: {  	v7 =	vld [tilespmem:s30+$0x187F0]  }
0x2f3: {  	v9 =	vld [tilespmem:s30+$0x18880]  }
0x2f4: {  	v6 =	vld [tilespmem:s30+$0x18890]  }
0x2f5: {  	v8 =	vld [tilespmem:s30+$0x188A0]  }
0x2f6: {  	v10 =	vld [tilespmem:s30+$0x188B0]  }
0x2f7: {  	v11 =	vld [tilespmem:s30+$0x188C0]  }
0x2f8: {  	v12 =	vld [tilespmem:s30+$0x188D0]  }
0x2f9: {  	v13 =	vld [tilespmem:s30+$0x188E0]  }
0x2fa: {  	v15 =	vld [tilespmem:s30+$0x188F0]  }
0x2fb: {  	s31 =	simm.s32 $0x800;
	v14 =	vld.idx.msk [tilespmem:v14+s3+$0x0], $0xffff  }
.LBB2_51:
0x2fc: {  	p1 =	sne.s32 s31, $0x7800;
	v16 =	vld.idx.msk [tilespmem:v0+s3+$0x0], $0xffff  }
0x2fd: {  	v17 =	vld.idx.msk [tilespmem:v1+s3+$0x0], $0xffff  }
0x2fe: {  	v18 =	vld.idx.msk [tilespmem:v2+s3+$0x0], $0xffff  }
0x2ff: {  	v19 =	vld.idx.msk [tilespmem:v3+s3+$0x0], $0xffff  }
0x300: {  	v20 =	vld.idx.msk [tilespmem:v4+s3+$0x0], $0xffff  }
0x301: {  	v21 =	vld.idx.msk [tilespmem:v5+s3+$0x0], $0xffff  }
0x302: {  	v22 =	vld.idx.msk [tilespmem:v7+s3+$0x0], $0xffff  }
0x303: {  	v23 =	vld.idx.msk [tilespmem:v9+s3+$0x0], $0xffff  }
0x304: {  	v0 =	vld.idx.msk [tilespmem:v15+s3+$0x0], $0xffff  }
0x305: {  	v15 =	vld.idx.msk [tilespmem:v6+s3+$0x0], $0xffff  }
0x306: {  	v24 =	vld.idx.msk [tilespmem:v8+s3+$0x0], $0xffff  }
0x307: {  	v25 =	vld.idx.msk [tilespmem:v10+s3+$0x0], $0xffff  }
0x308: {  	v26 =	vld.idx.msk [tilespmem:v11+s3+$0x0], $0xffff  }
0x309: {  	v27 =	vld.idx.msk [tilespmem:v12+s3+$0x0], $0xffff  }
0x30a: {  	s0 =	sshra.s32 s31, $0x2;
	v28 =	vld.idx.msk [tilespmem:v13+s3+$0x0], $0xffff;
	[tilespmem:s30+$0x1A8F0] =	vst v0  }
0x30b: {  	v29 =	vld [tilespmem:s0+$0x18780];
	[tilespmem:s30+$0x1A780] =	vst v14  }
0x30c: {  	v0 =	vld [tilespmem:s0+$0x18790];
	[tilespmem:s30+$0x1A790] =	vst v16  }
0x30d: {  	v1 =	vld [tilespmem:s0+$0x187A0];
	[tilespmem:s30+$0x1A7A0] =	vst v17  }
0x30e: {  	v2 =	vld [tilespmem:s0+$0x187B0];
	[tilespmem:s30+$0x1A7B0] =	vst v18  }
0x30f: {  	v3 =	vld [tilespmem:s0+$0x187C0];
	[tilespmem:s30+$0x1A7C0] =	vst v19  }
0x310: {  	v4 =	vld [tilespmem:s0+$0x187D0];
	[tilespmem:s30+$0x1A7D0] =	vst v20  }
0x311: {  	v5 =	vld [tilespmem:s0+$0x187E0];
	[tilespmem:s30+$0x1A7E0] =	vst v21  }
0x312: {  	v7 =	vld [tilespmem:s0+$0x187F0];
	[tilespmem:s30+$0x1A7F0] =	vst v22  }
0x313: {  	v9 =	vld [tilespmem:s0+$0x18880];
	[tilespmem:s30+$0x1A880] =	vst v23  }
0x314: {  	v6 =	vld [tilespmem:s0+$0x18890];
	[tilespmem:s30+$0x1A890] =	vst v15  }
0x315: {  	v8 =	vld [tilespmem:s0+$0x188A0];
	[tilespmem:s30+$0x1A8A0] =	vst v24  }
0x316: {  	v10 =	vld [tilespmem:s0+$0x188B0];
	[tilespmem:s30+$0x1A8B0] =	vst v25  }
.Ltmp26:
0x317: {  	v11 =	vld [tilespmem:s0+$0x188C0];
	[tilespmem:s30+$0x1A8C0] =	vst v26;
	(pc) =	sbr.rel @p1 .LBB2_51-.Ltmp26, $4  }
0x318: {  	v12 =	vld [tilespmem:s0+$0x188D0];
	[tilespmem:s30+$0x1A8D0] =	vst v27  }
0x319: {  	v13 =	vld [tilespmem:s0+$0x188E0];
	[tilespmem:s30+$0x1A8E0] =	vst v28;
	s30 =	smov.u32 s0  }
0x31a: {  	v15 =	vld [tilespmem:s30+$0x188F0]  }
0x31b: {  	s31 =	sadd.s32 $0x800, s31;
	v14 =	vld.idx.msk [tilespmem:v29+s3+$0x0], $0xffff  }
0x31c: {  	_ =	sdelay $0x3  }
0x31d: {  	v0 =	vld.idx.msk [tilespmem:v0+s3+$0x0], $0xffff  }
0x31e: {  	v1 =	vld.idx.msk [tilespmem:v1+s3+$0x0], $0xffff  }
0x31f: {  	v2 =	vld.idx.msk [tilespmem:v2+s3+$0x0], $0xffff  }
0x320: {  	v3 =	vld.idx.msk [tilespmem:v3+s3+$0x0], $0xffff  }
0x321: {  	v4 =	vld.idx.msk [tilespmem:v4+s3+$0x0], $0xffff  }
0x322: {  	v5 =	vld.idx.msk [tilespmem:v5+s3+$0x0], $0xffff  }
0x323: {  	v7 =	vld.idx.msk [tilespmem:v7+s3+$0x0], $0xffff  }
0x324: {  	v9 =	vld.idx.msk [tilespmem:v9+s3+$0x0], $0xffff  }
0x325: {  	v6 =	vld.idx.msk [tilespmem:v6+s3+$0x0], $0xffff  }
0x326: {  	v8 =	vld.idx.msk [tilespmem:v8+s3+$0x0], $0xffff  }
0x327: {  	v10 =	vld.idx.msk [tilespmem:v10+s3+$0x0], $0xffff  }
0x328: {  	v11 =	vld.idx.msk [tilespmem:v11+s3+$0x0], $0xffff  }
0x329: {  	v12 =	vld.idx.msk [tilespmem:v12+s3+$0x0], $0xffff  }
0x32a: {  	v13 =	vld.idx.msk [tilespmem:v13+s3+$0x0], $0xffff  }
0x32b: {  	v15 =	vld.idx.msk [tilespmem:v15+s3+$0x0], $0xffff;
	[tilespmem:s30+$0x1A780] =	vst v14  }
0x32c: {  	[tilespmem:s30+$0x1A790] =	vst v0  }
0x32d: {  	[tilespmem:s30+$0x1A7A0] =	vst v1  }
0x32e: {  	[tilespmem:s30+$0x1A7B0] =	vst v2  }
0x32f: {  	[tilespmem:s30+$0x1A7C0] =	vst v3  }
0x330: {  	[tilespmem:s30+$0x1A7D0] =	vst v4  }
0x331: {  	[tilespmem:s30+$0x1A7E0] =	vst v5  }
0x332: {  	[tilespmem:s30+$0x1A7F0] =	vst v7  }
0x333: {  	[tilespmem:s30+$0x1A880] =	vst v9  }
0x334: {  	[tilespmem:s30+$0x1A890] =	vst v6  }
0x335: {  	[tilespmem:s30+$0x1A8A0] =	vst v8  }
0x336: {  	[tilespmem:s30+$0x1A8B0] =	vst v10  }
0x337: {  	[tilespmem:s30+$0x1A8C0] =	vst v11  }
0x338: {  	[tilespmem:s30+$0x1A8D0] =	vst v12  }
0x339: {  	s29 =	sadd.s32 s29, s16;
	s0 =	simm.s32 $0x1A780;
	[tilespmem:s30+$0x1A8E0] =	vst v13  }
0x33a: {  	s2 =	simm.s32 $0x1A880;
	s20 =	sadd.s32 $0x0, s29;
	[tilespmem:s30+$0x1A8F0] =	vst v15;
	s30 =	simm.s32 $0x80  }
.LBB2_53:
0x33b: {  	[hbm4b:s20+s3] =	stream.linear.scatter [tilespmem:s0], [sflag:$0x2], $0x80, $0x38;
	[tilespmem:$0x1C700] =	vst v63  }
0x33c: {  	s20 =	smov.u32 s30;
	s0 =	smov.u32 s2;
	p1 =	sne.s32 s30, $0xF80  }
.Ltmp27:
0x33d: {  	s30 =	sadd.s32 $0x80, s30;
	(pc) =	sbr.rel @p1 .LBB2_53-.Ltmp27, $2  }
0x33e: {  	_ =	sdelay $0x2  }
0x33f: {  	s2 =	sadd.s32 $0x100, s2;
	s20 =	sadd.s32 s20, s29  }
.Ltmp28:
0x340: {  	(pc) =	sbr.rel @p0 .LBB2_58-.Ltmp28, $2  }
0x341: {  	_ =	sdelay $0x2  }
0x342: {  	[hbm4b:s20+s3] =	stream.linear.scatter [tilespmem:s0], [sflag:$0x2], $0x80, $0x38;
	[tilespmem:$0x1C700] =	vst v63  }
0x343: {  	s28 =	sadd.s32 s28, s18;
	s0 =	simm.s32 $0x18780  }
0x344: {  	s29 =	simm.s32 $0x10;
	s2 =	simm.s32 $0x18880;
	s20 =	sadd.s32 $0x0, s28  }
.LBB2_56:
0x345: {  	[tilespmem:s0], [sflag:$0x1] =	stream.linear.gather [hbm4b:s20+s3], $0x80, $0x38;
	[tilespmem:$0x1C700] =	vst v63  }
0x346: {  	s20 =	smov.u32 s29;
	s0 =	smov.u32 s2;
	p0 =	sne.s32 s29, $0x1F0  }
.Ltmp29:
0x347: {  	s29 =	sadd.s32 $0x10, s29;
	(pc) =	sbr.rel @p0 .LBB2_56-.Ltmp29, $2  }
0x348: {  	_ =	sdelay $0x2  }
0x349: {  	s2 =	sadd.s32 $0x100, s2;
	s20 =	sadd.s32 s20, s28  }
.Ltmp30:
0x34a: {  	(pc) =	sbr.rel .LBB2_30-.Ltmp30, $3  }
0x34b: {  	_ =	sdelay $0x1  }
0x34c: {  	[tilespmem:s0], [sflag:$0x1] =	stream.linear.gather [hbm4b:s20+s3], $0x80, $0x38;
	[tilespmem:$0x1C700] =	vst v63  }
0x34d: {  	s26 =	sadd.s32 $0x1, s26  }
.LBB2_59:
0x34e: {  	_ =	sfence.sel $0x180000  }
0x34f: {  	[bflag:$0x0] =	sbarrier.arrive $0xFFFF  }
0x350: {  	_ =	strace $0x90000047  }
0x351: {  	s0 =	stileid.u32;
	[bflag:$0x2] =	sbarrier.arrive $0xFFFF  }
0x352: {  	p0 =	sne.s32 s0, $0x0;
	s0 =	rddreg [dreg:$0x3]  }
0x353: {  	s0 =	sadd.s32 @!p0 $0x100000, s0  }
0x354: {  	[sflag:s0] =	ssyncadd.tile.s32 @!p0 $0x1;
	_ =	shalt  }
.Lfunc_end2:
_tile_overlayer_lowered:
.L_overlay_start_2:
0x355: {  	(tag) =	ssettag $0x2  }
0x356: {  	s0 =	rddreg [dreg:$0x0];
	s2 =	stileid.u32  }
0x357: {  	s1 =	rddreg [dreg:$0x1];
	p0 =	sne.s32 s2, $0x0  }
0x358: {  	s3 =	rddreg [dreg:$0x2];
	[bflag:$0x3] =	sbarrier.arrive $0xFFFF;
	s2 =	simm.s32 @!p0 $0x1C03  }
0x359: {  	[timem:s3], [sflag:s2] =	dma.local @!p0 [hbm:s0], s1  }
0x35a: {  	s0 =	simm.s32 @!p0 $0x3  }
0x35b: {  	_ =	swait.ge @!p0 [sflag:s0], s1  }
0x35c: {  	s1 =	ssub.s32 @!p0 $0x0, s1;
	[sflag:s0] =	ssyncset.done @!p0 $0x0  }
0x35d: {  	[sflag:s0] =	ssyncadd.s32 @!p0 s1  }
0x35e: {  	[bflag:$0x3] =	sbarrier.arrive $0xFFFF  }
0x35f: {  	_ =	shalt  }

</sc_bundles>
